<compile_context>
chip_gen: v7x
topology: tpu7x:2x2x1
jax: 0.10.2.dev20260603
libtpu: 0.0.44.dev20260713+nightly
codegen_flags: <defaults>
</compile_context>

<pallas_src>
import functools

import jax
import jax.numpy as jnp
from jax import lax
from jax.experimental import pallas as pl
from jax.experimental.pallas import tpu as pltpu
from jax.experimental.pallas import tpu_sc as plsc

N = 10000
E = 320000
D = 128
G = 64

NC = 2
NS = 16
NW = NC * NS
ET = E // NW
K = 80
NCHUNK = ET // K
RPT = 624
RZ = 208
RTAIL = N - NS * RPT

_sc_mesh = plsc.VectorSubcoreMesh(
    core_axis_name="c", subcore_axis_name="s", num_cores=NC, num_subcores=NS)


@functools.partial(
    pl.kernel,
    out_type=jax.ShapeDtypeStruct((NC, N, D), jnp.float32),
    mesh=_sc_mesh,
    scratch_types=[
        pltpu.VMEM((K,), jnp.int32),
        pltpu.VMEM((K,), jnp.int32),
        pltpu.VMEM((K, D), jnp.float32),
        pltpu.VMEM((RZ, D), jnp.float32),
        pltpu.VMEM_SHARED((N, D), jnp.float32),
        pltpu.SemaphoreType.DMA,
    ],
)
def _sc_agg(h_hbm, src_hbm, dst_hbm, out_hbm, src_v, dst_v, rows_v, zero_v,
            agg_sh, sem):
    c = lax.axis_index("c")
    s = lax.axis_index("s")
    wid = s * NC + c

    z16 = jnp.zeros((16,), jnp.float32)

    def _zero_body(i, carry):
        zero_v[i // (D // 16), pl.ds((i % (D // 16)) * 16, 16)] = z16
        return carry

    lax.fori_loop(0, RZ * (D // 16), _zero_body, 0)
    for r in range(RPT // RZ):
        pltpu.sync_copy(zero_v, agg_sh.at[pl.ds(s * RPT + r * RZ, RZ)])

    @pl.when(s == NS - 1)
    def _zero_tail():
        pltpu.sync_copy(zero_v.at[pl.ds(0, RTAIL)],
                        agg_sh.at[pl.ds(NS * RPT, RTAIL)])

    plsc.subcore_barrier()

    base = wid * ET

    def _chunk_body(ci, carry):
        off = base + ci * K
        pltpu.sync_copy(src_hbm.at[pl.ds(off, K)], src_v)
        pltpu.sync_copy(dst_hbm.at[pl.ds(off, K)], dst_v)
        pltpu.async_copy(h_hbm.at[src_v], rows_v, sem).wait()
        pltpu.sync_copy(rows_v, agg_sh.at[dst_v], add=True)
        return carry

    lax.fori_loop(0, NCHUNK, _chunk_body, 0)
    plsc.subcore_barrier()

    pltpu.sync_copy(agg_sh.at[pl.ds(s * RPT, RPT)],
                    out_hbm.at[c, pl.ds(s * RPT, RPT)])

    @pl.when(s == NS - 1)
    def _copy_tail():
        pltpu.sync_copy(agg_sh.at[pl.ds(NS * RPT, RTAIL)],
                        out_hbm.at[c, pl.ds(NS * RPT, RTAIL)])


def _encoder_body(x_ref, w_ref, b_ref, o_ref):
    o_ref[...] = (jnp.dot(x_ref[...], w_ref[...],
                          preferred_element_type=jnp.float32) + b_ref[...])


def _dense_bn_body(h_ref, p0_ref, p1_ref, w1_ref, b1_ref, w2_ref, b2_ref,
                   g_ref, be_ref, o_ref):
    h2 = h_ref[...] + p0_ref[...] + p1_ref[...]
    t = jnp.maximum(jnp.dot(h2, w1_ref[...],
                            preferred_element_type=jnp.float32) + b1_ref[...],
                    0.0)
    u = (jnp.dot(t, w2_ref[...], preferred_element_type=jnp.float32)
         + b2_ref[...])
    v = jnp.maximum(u, 0.0)
    mu = jnp.mean(v, axis=0, keepdims=True)
    dv = v - mu
    var = jnp.mean(dv * dv, axis=0, keepdims=True)
    o_ref[...] = (dv / jnp.sqrt(var + 1e-5) * g_ref[...] + be_ref[...])


def _pool_fc_body(h_ref, b_ref, w1_ref, b1_ref, w2_ref, b2_ref, o_ref):
    gids = lax.broadcasted_iota(jnp.int32, (G, N), 0)
    onehot = (b_ref[...] == gids).astype(jnp.float32)
    pooled = jnp.dot(onehot, h_ref[...], preferred_element_type=jnp.float32)
    t = jnp.maximum(jnp.dot(pooled, w1_ref[...],
                            preferred_element_type=jnp.float32) + b1_ref[...],
                    0.0)
    o_ref[...] = (jnp.dot(t, w2_ref[...], preferred_element_type=jnp.float32)
                  + b2_ref[...])


def kernel(x, edge_index, batch, params):
    order = jnp.argsort(edge_index[1], stable=True)
    src = edge_index[0][order].astype(jnp.int32)
    dst = edge_index[1][order].astype(jnp.int32)
    batch2 = batch.reshape(1, N).astype(jnp.int32)

    def row(v):
        return v.reshape(1, D)

    h = pl.pallas_call(
        _encoder_body,
        out_shape=jax.ShapeDtypeStruct((N, D), jnp.float32),
    )(x, params["encoder"]["W"], row(params["encoder"]["b"]))

    for i in range(1, 6):
        parts = _sc_agg(h, src, dst)
        cp = params[f"conv{i}"]
        bp = params[f"bn{i}"]
        h = pl.pallas_call(
            _dense_bn_body,
            out_shape=jax.ShapeDtypeStruct((N, D), jnp.float32),
        )(h, parts[0], parts[1],
          cp["lin1"]["W"], row(cp["lin1"]["b"]),
          cp["lin2"]["W"], row(cp["lin2"]["b"]),
          row(bp["gamma"]), row(bp["beta"]))

    out = pl.pallas_call(
        _pool_fc_body,
        out_shape=jax.ShapeDtypeStruct((G, D), jnp.float32),
    )(h, batch2,
      params["fc1"]["W"], row(params["fc1"]["b"]),
      params["fc2"]["W"], row(params["fc2"]["b"]))
    return out

# --- scband reference (transcript-rebuilt; emitter-appended) ---
"""Pipeline reference for scband-ginnet-15015205667106 (READ-ONLY COPY).

The authoritative reference and input builder live on the scoring server;
editing this copy changes nothing except your own understanding.
"""

import jax, jax.numpy as jnp
import numpy as np

N = 10000
E = 320000
D = 128
G = 64


def _lin(k, din, dout):
    k1, k2 = jax.random.split(k)
    s = 1.0 / np.sqrt(din)
    return {"W": jax.random.uniform(k1, (din, dout), minval=-s, maxval=s, dtype=jnp.float32),
            "b": jax.random.uniform(k2, (dout,), minval=-s, maxval=s, dtype=jnp.float32)}


def setup_inputs(seed: int = 0) -> dict:
    key = jax.random.key(seed)
    ks = jax.random.split(key, 32)
    x = jax.random.normal(ks[0], (N, D), dtype=jnp.float32)
    edge_index = jax.random.randint(ks[1], (2, E), 0, N)
    batch = jnp.sort(jax.random.randint(ks[2], (N,), 0, G))
    params = {"encoder": _lin(ks[3], D, 128)}
    for i in range(5):
        params[f"conv{i+1}"] = {"lin1": _lin(ks[4 + 2 * i], 128, 128),
                                 "lin2": _lin(ks[5 + 2 * i], 128, 128)}
        params[f"bn{i+1}"] = {"gamma": jnp.ones((128,), dtype=jnp.float32),
                               "beta": jnp.zeros((128,), dtype=jnp.float32)}
    params["fc1"] = _lin(ks[20], 128, 128)
    params["fc2"] = _lin(ks[21], 128, 128)
    return {"x": x, "edge_index": edge_index, "batch": batch, "params": params}


def reference(x, edge_index, batch, params):
    src = edge_index[0]
    dst = edge_index[1]

    def dense(p, h):
        return h @ p["W"] + p["b"]

    def gin_conv(p, h):
        # GINConv, eps=0: nn((1+eps)*x_i + sum_{j in N(i)} x_j)
        agg = jnp.zeros_like(h).at[dst].add(h[src])
        h2 = h + agg
        return dense(p["lin2"], jax.nn.relu(dense(p["lin1"], h2)))

    def bn(p, h):
        # BatchNorm1d in training mode: batch statistics
        mu = jnp.mean(h, axis=0)
        var = jnp.var(h, axis=0)
        return (h - mu) / jnp.sqrt(var + 1e-5) * p["gamma"] + p["beta"]

    h = dense(params["encoder"], x)
    for i in range(1, 6):
        h = jax.nn.relu(gin_conv(params[f"conv{i}"], h))
        h = bn(params[f"bn{i}"], h)
    pooled = jax.ops.segment_sum(h, batch, num_segments=G)
    h = jax.nn.relu(dense(params["fc1"], pooled))
    # dropout is identity in deterministic/eval forward
    return dense(params["fc2"], h)

if __name__ == "__main__":
    import jax
    _d = setup_inputs()
    print(jax.jit(kernel)(*tuple(_d.values())))

</pallas_src>

<mosaic_0001>
#map = affine_map<(d0, d1) -> (0, 0)>
#map1 = affine_map<(d0, d1) -> (0)>
#map2 = affine_map<(d0, d1) -> (0, 0, 0)>
module attributes {stable_mosaic.version = 14 : i64} {
  func.func @_sc_agg(%arg0: i32, %arg1: i32, %arg2: memref<10000x128xf32, #tpu.memory_space<hbm>>, %arg3: memref<320000xi32, #tpu.memory_space<hbm>>, %arg4: memref<320000xi32, #tpu.memory_space<hbm>>, %arg5: memref<2x10000x128xf32, #tpu.memory_space<hbm>>, %arg6: memref<80xi32, #tpu.memory_space<vmem>>, %arg7: memref<80xi32, #tpu.memory_space<vmem>>, %arg8: memref<80x128xf32, #tpu.memory_space<vmem>>, %arg9: memref<208x128xf32, #tpu.memory_space<vmem>>, %arg10: memref<10000x128xf32, #tpu.memory_space<vmem_shared>>, %arg11: memref<!tpu.dma_semaphore, #tpu.memory_space<semaphore_mem>>) attributes {dimension_semantics = [#tpu.dimension_semantics<core_parallel>, #tpu.dimension_semantics<subcore_parallel>], iteration_bounds = array<i64: 2, 16>, scalar_prefetch = 0 : i64, scratch_operands = 6 : i64, tpu.core_type = #tpu.core_type<sc_vector_subcore>, window_params = [{transform_indices = #map}, {transform_indices = #map1}, {transform_indices = #map1}, {transform_indices = #map2}]} {
    %mul3A = arith.constant 2 : i32
    %mul3A_0 = arith.muli %arg1, %mul3A : i32
    %add3A = arith.addi %mul3A_0, %arg0 : i32
    %broadcast_in_dim3A = arith.constant 0.000000e+00 : f32
    %broadcast_in_dim3A_1 = vector.broadcast %broadcast_in_dim3A : f32 to vector<16xf32>
    %scan3A = arith.constant 0 : i32
    %scan3A_2 = arith.constant 0 : i32
    %scan3A_3 = arith.constant 1664 : i32
    %scan3A_4 = arith.addi %scan3A_2, %scan3A_3 : i32
    %scan3A_5 = arith.constant 1 : i32
    scf.for %scan3A_39 = %scan3A_2 to %scan3A_4 step %scan3A_5  : i32 {
      %jit3A = arith.constant 8 : i32
      %div3A = arith.divsi %scan3A_39, %jit3A : i32
      %sign3A = arith.constant 0 : i32
      %sign3A_40 = arith.cmpi sgt, %scan3A_39, %sign3A : i32
      %sign3A_41 = arith.extui %sign3A_40 : i1 to i32
      %sign3A_42 = arith.constant 0 : i32
      %sign3A_43 = arith.cmpi slt, %scan3A_39, %sign3A_42 : i32
      %sign3A_44 = arith.extui %sign3A_43 : i1 to i32
      %sign3A_45 = arith.subi %sign3A_41, %sign3A_44 : i32
      %sign3A_46 = arith.constant 0 : i32
      %sign3A_47 = arith.cmpi sgt, %jit3A, %sign3A_46 : i32
      %sign3A_48 = arith.extui %sign3A_47 : i1 to i32
      %sign3A_49 = arith.constant 0 : i32
      %sign3A_50 = arith.cmpi slt, %jit3A, %sign3A_49 : i32
      %sign3A_51 = arith.extui %sign3A_50 : i1 to i32
      %sign3A_52 = arith.subi %sign3A_48, %sign3A_51 : i32
      %ne3A = arith.cmpi ne, %sign3A_45, %sign3A_52 : i32
      %rem3A = arith.remsi %scan3A_39, %jit3A : i32
      %ne3A_53 = arith.constant 0 : i32
      %ne3A_54 = arith.cmpi ne, %rem3A, %ne3A_53 : i32
      %and3A = arith.andi %ne3A, %ne3A_54 : i1
      %sub3A = arith.constant 1 : i32
      %sub3A_55 = arith.subi %div3A, %sub3A : i32
      %select_n3A = arith.select %and3A, %sub3A_55, %div3A : i32
      %jit3A_56 = arith.constant 8 : i32
      %eq3A_57 = arith.constant 0 : i32
      %eq3A_58 = arith.cmpi eq, %jit3A_56, %eq3A_57 : i32
      %jit3A_59 = arith.constant 1 : i32
      %select_n3A_60 = arith.select %eq3A_58, %jit3A_59, %jit3A_56 : i32
      %rem3A_61 = arith.remsi %scan3A_39, %select_n3A_60 : i32
      %ne3A_62 = arith.constant 0 : i32
      %ne3A_63 = arith.cmpi ne, %rem3A_61, %ne3A_62 : i32
      %lt3A = arith.constant 0 : i32
      %lt3A_64 = arith.cmpi slt, %rem3A_61, %lt3A : i32
      %lt3A_65 = arith.constant 0 : i32
      %lt3A_66 = arith.cmpi slt, %select_n3A_60, %lt3A_65 : i32
      %ne3A_67 = arith.xori %lt3A_64, %lt3A_66 : i1
      %and3A_68 = arith.andi %ne3A_67, %ne3A_63 : i1
      %add3A_69 = arith.addi %rem3A_61, %select_n3A_60 : i32
      %select_n3A_70 = arith.select %and3A_68, %add3A_69, %rem3A_61 : i32
      %mul3A_71 = arith.constant 16 : i32
      %mul3A_72 = arith.muli %select_n3A_70, %mul3A_71 : i32
      %swap3A = arith.index_cast %select_n3A : i32 to index
      %swap3A_73 = arith.index_cast %mul3A_72 : i32 to index
      %swap3A_74 = tpu.vector_load %arg9[%swap3A, %swap3A_73] {strides = array<i32>} : memref<208x128xf32, #tpu.memory_space<vmem>>, vector<1x16xf32>,
      %swap3A_75 = vector.shape_cast %swap3A_74 : vector<1x16xf32> to vector<16xf32>
      %swap3A_76 = vector.shape_cast %broadcast_in_dim3A_1 : vector<16xf32> to vector<1x16xf32>
      tpu.vector_store %arg9[%swap3A, %swap3A_73], %swap3A_76 {strides = array<i32>} : memref<208x128xf32, #tpu.memory_space<vmem>>, vector<1x16xf32>,
    }
    %scan3A_6 = arith.constant 1664 : i32
    %mul3A_7 = arith.constant 624 : i32
    %mul3A_8 = arith.muli %arg1, %mul3A_7 : i32
    %add3A_9 = arith.constant 0 : i32
    %add3A_10 = arith.addi %mul3A_8, %add3A_9 : i32
    "tpu.region"() ({
      %run_scoped3A = tpu.sem_alloc : memref<!tpu.dma_semaphore, #tpu.memory_space<semaphore_mem>>
      %dma_start3A = arith.constant 0 : i32
      %dma_start3A_39 = tpu.memref_slice %arg10[%add3A_10, %dma_start3A] : memref<10000x128xf32, #tpu.memory_space<vmem_shared>> -> memref<208x128xf32, #tpu.memory_space<vmem_shared>>
      %dma_start3A_40 = arith.constant 0 : i32
      %dma_start3A_41 = tpu.memref_slice %arg10[%add3A_10, %dma_start3A_40] : memref<10000x128xf32, #tpu.memory_space<vmem_shared>> -> memref<208x128xf32, #tpu.memory_space<vmem_shared>>
      tpu.enqueue_dma source(%arg9 : memref<208x128xf32, #tpu.memory_space<vmem>>) target(%dma_start3A_41 : memref<208x128xf32, #tpu.memory_space<vmem_shared>>) target_semaphore(%run_scoped3A : memref<!tpu.dma_semaphore, #tpu.memory_space<semaphore_mem>>)
      %dma_wait3A = arith.constant 0 : i32
      %dma_wait3A_42 = tpu.memref_slice %arg10[%add3A_10, %dma_wait3A] : memref<10000x128xf32, #tpu.memory_space<vmem_shared>> -> memref<208x128xf32, #tpu.memory_space<vmem_shared>>
      %dma_wait3A_43 = arith.constant 0 : i32
      %dma_wait3A_44 = tpu.memref_slice %arg10[%add3A_10, %dma_wait3A_43] : memref<10000x128xf32, #tpu.memory_space<vmem_shared>> -> memref<208x128xf32, #tpu.memory_space<vmem_shared>>
      tpu.wait_dma2 semaphore(%run_scoped3A : memref<!tpu.dma_semaphore, #tpu.memory_space<semaphore_mem>>) src(%arg9 : memref<208x128xf32, #tpu.memory_space<vmem>>) dst(%dma_wait3A_44 : memref<208x128xf32, #tpu.memory_space<vmem_shared>>)
      tpu.yield
    }) : () -> ()
    %mul3A_11 = arith.constant 624 : i32
    %mul3A_12 = arith.muli %arg1, %mul3A_11 : i32
    %add3A_13 = arith.constant 208 : i32
    %add3A_14 = arith.addi %mul3A_12, %add3A_13 : i32
    "tpu.region"() ({
      %run_scoped3A = tpu.sem_alloc : memref<!tpu.dma_semaphore, #tpu.memory_space<semaphore_mem>>
      %dma_start3A = arith.constant 0 : i32
      %dma_start3A_39 = tpu.memref_slice %arg10[%add3A_14, %dma_start3A] : memref<10000x128xf32, #tpu.memory_space<vmem_shared>> -> memref<208x128xf32, #tpu.memory_space<vmem_shared>>
      %dma_start3A_40 = arith.constant 0 : i32
      %dma_start3A_41 = tpu.memref_slice %arg10[%add3A_14, %dma_start3A_40] : memref<10000x128xf32, #tpu.memory_space<vmem_shared>> -> memref<208x128xf32, #tpu.memory_space<vmem_shared>>
      tpu.enqueue_dma source(%arg9 : memref<208x128xf32, #tpu.memory_space<vmem>>) target(%dma_start3A_41 : memref<208x128xf32, #tpu.memory_space<vmem_shared>>) target_semaphore(%run_scoped3A : memref<!tpu.dma_semaphore, #tpu.memory_space<semaphore_mem>>)
      %dma_wait3A = arith.constant 0 : i32
      %dma_wait3A_42 = tpu.memref_slice %arg10[%add3A_14, %dma_wait3A] : memref<10000x128xf32, #tpu.memory_space<vmem_shared>> -> memref<208x128xf32, #tpu.memory_space<vmem_shared>>
      %dma_wait3A_43 = arith.constant 0 : i32
      %dma_wait3A_44 = tpu.memref_slice %arg10[%add3A_14, %dma_wait3A_43] : memref<10000x128xf32, #tpu.memory_space<vmem_shared>> -> memref<208x128xf32, #tpu.memory_space<vmem_shared>>
      tpu.wait_dma2 semaphore(%run_scoped3A : memref<!tpu.dma_semaphore, #tpu.memory_space<semaphore_mem>>) src(%arg9 : memref<208x128xf32, #tpu.memory_space<vmem>>) dst(%dma_wait3A_44 : memref<208x128xf32, #tpu.memory_space<vmem_shared>>)
      tpu.yield
    }) : () -> ()
    %mul3A_15 = arith.constant 624 : i32
    %mul3A_16 = arith.muli %arg1, %mul3A_15 : i32
    %add3A_17 = arith.constant 416 : i32
    %add3A_18 = arith.addi %mul3A_16, %add3A_17 : i32
    "tpu.region"() ({
      %run_scoped3A = tpu.sem_alloc : memref<!tpu.dma_semaphore, #tpu.memory_space<semaphore_mem>>
      %dma_start3A = arith.constant 0 : i32
      %dma_start3A_39 = tpu.memref_slice %arg10[%add3A_18, %dma_start3A] : memref<10000x128xf32, #tpu.memory_space<vmem_shared>> -> memref<208x128xf32, #tpu.memory_space<vmem_shared>>
      %dma_start3A_40 = arith.constant 0 : i32
      %dma_start3A_41 = tpu.memref_slice %arg10[%add3A_18, %dma_start3A_40] : memref<10000x128xf32, #tpu.memory_space<vmem_shared>> -> memref<208x128xf32, #tpu.memory_space<vmem_shared>>
      tpu.enqueue_dma source(%arg9 : memref<208x128xf32, #tpu.memory_space<vmem>>) target(%dma_start3A_41 : memref<208x128xf32, #tpu.memory_space<vmem_shared>>) target_semaphore(%run_scoped3A : memref<!tpu.dma_semaphore, #tpu.memory_space<semaphore_mem>>)
      %dma_wait3A = arith.constant 0 : i32
      %dma_wait3A_42 = tpu.memref_slice %arg10[%add3A_18, %dma_wait3A] : memref<10000x128xf32, #tpu.memory_space<vmem_shared>> -> memref<208x128xf32, #tpu.memory_space<vmem_shared>>
      %dma_wait3A_43 = arith.constant 0 : i32
      %dma_wait3A_44 = tpu.memref_slice %arg10[%add3A_18, %dma_wait3A_43] : memref<10000x128xf32, #tpu.memory_space<vmem_shared>> -> memref<208x128xf32, #tpu.memory_space<vmem_shared>>
      tpu.wait_dma2 semaphore(%run_scoped3A : memref<!tpu.dma_semaphore, #tpu.memory_space<semaphore_mem>>) src(%arg9 : memref<208x128xf32, #tpu.memory_space<vmem>>) dst(%dma_wait3A_44 : memref<208x128xf32, #tpu.memory_space<vmem_shared>>)
      tpu.yield
    }) : () -> ()
    %eq3A = arith.constant 15 : i32
    %eq3A_19 = arith.cmpi eq, %arg1, %eq3A : i32
    %convert_element_type3A = arith.extui %eq3A_19 : i1 to i32
    %cond3A = arith.constant 0 : i32
    %cond3A_20 = arith.cmpi ne, %convert_element_type3A, %cond3A : i32
    scf.if %cond3A_20 {
      "tpu.region"() ({
        %run_scoped3A = tpu.sem_alloc : memref<!tpu.dma_semaphore, #tpu.memory_space<semaphore_mem>>
        %dma_start3A = arith.constant 0 : i32
        %dma_start3A_39 = arith.constant 0 : i32
        %dma_start3A_40 = tpu.memref_slice %arg9[%dma_start3A, %dma_start3A_39] : memref<208x128xf32, #tpu.memory_space<vmem>> -> memref<16x128xf32, #tpu.memory_space<vmem>>
        %dma_start3A_41 = arith.constant 9984 : i32
        %dma_start3A_42 = arith.constant 0 : i32
        %dma_start3A_43 = tpu.memref_slice %arg10[%dma_start3A_41, %dma_start3A_42] : memref<10000x128xf32, #tpu.memory_space<vmem_shared>> -> memref<16x128xf32, #tpu.memory_space<vmem_shared>>
        %dma_start3A_44 = arith.constant 9984 : i32
        %dma_start3A_45 = arith.constant 0 : i32
        %dma_start3A_46 = tpu.memref_slice %arg10[%dma_start3A_44, %dma_start3A_45] : memref<10000x128xf32, #tpu.memory_space<vmem_shared>> -> memref<16x128xf32, #tpu.memory_space<vmem_shared>>
        %dma_start3A_47 = arith.constant 0 : i32
        %dma_start3A_48 = arith.constant 0 : i32
        %dma_start3A_49 = tpu.memref_slice %arg9[%dma_start3A_47, %dma_start3A_48] : memref<208x128xf32, #tpu.memory_space<vmem>> -> memref<16x128xf32, #tpu.memory_space<vmem>>
        tpu.enqueue_dma source(%dma_start3A_49 : memref<16x128xf32, #tpu.memory_space<vmem>>) target(%dma_start3A_46 : memref<16x128xf32, #tpu.memory_space<vmem_shared>>) target_semaphore(%run_scoped3A : memref<!tpu.dma_semaphore, #tpu.memory_space<semaphore_mem>>)
        %dma_wait3A = arith.constant 0 : i32
        %dma_wait3A_50 = arith.constant 0 : i32
        %dma_wait3A_51 = tpu.memref_slice %arg9[%dma_wait3A, %dma_wait3A_50] : memref<208x128xf32, #tpu.memory_space<vmem>> -> memref<16x128xf32, #tpu.memory_space<vmem>>
        %dma_wait3A_52 = arith.constant 9984 : i32
        %dma_wait3A_53 = arith.constant 0 : i32
        %dma_wait3A_54 = tpu.memref_slice %arg10[%dma_wait3A_52, %dma_wait3A_53] : memref<10000x128xf32, #tpu.memory_space<vmem_shared>> -> memref<16x128xf32, #tpu.memory_space<vmem_shared>>
        %dma_wait3A_55 = arith.constant 9984 : i32
        %dma_wait3A_56 = arith.constant 0 : i32
        %dma_wait3A_57 = tpu.memref_slice %arg10[%dma_wait3A_55, %dma_wait3A_56] : memref<10000x128xf32, #tpu.memory_space<vmem_shared>> -> memref<16x128xf32, #tpu.memory_space<vmem_shared>>
        %dma_wait3A_58 = arith.constant 0 : i32
        %dma_wait3A_59 = arith.constant 0 : i32
        %dma_wait3A_60 = tpu.memref_slice %arg9[%dma_wait3A_58, %dma_wait3A_59] : memref<208x128xf32, #tpu.memory_space<vmem>> -> memref<16x128xf32, #tpu.memory_space<vmem>>
        tpu.wait_dma2 semaphore(%run_scoped3A : memref<!tpu.dma_semaphore, #tpu.memory_space<semaphore_mem>>) src(%dma_wait3A_60 : memref<16x128xf32, #tpu.memory_space<vmem>>) dst(%dma_wait3A_57 : memref<16x128xf32, #tpu.memory_space<vmem_shared>>)
        tpu.yield
      }) : () -> ()
    } else {
    }
    %barrier3A = arith.constant 0 : index
    tpu.barrier barrier_id(%barrier3A)
    %mul3A_21 = arith.constant 10000 : i32
    %mul3A_22 = arith.muli %add3A, %mul3A_21 : i32
    %scan3A_23 = arith.constant 0 : i32
    %scan3A_24 = arith.constant 0 : i32
    %scan3A_25 = arith.constant 125 : i32
    %scan3A_26 = arith.addi %scan3A_24, %scan3A_25 : i32
    %scan3A_27 = arith.constant 1 : i32
    scf.for %scan3A_39 = %scan3A_24 to %scan3A_26 step %scan3A_27  : i32 {
      %mul3A_40 = arith.constant 80 : i32
      %mul3A_41 = arith.muli %scan3A_39, %mul3A_40 : i32
      %add3A_42 = arith.addi %mul3A_22, %mul3A_41 : i32
      "tpu.region"() ({
        %run_scoped3A = tpu.sem_alloc : memref<!tpu.dma_semaphore, #tpu.memory_space<semaphore_mem>>
        %dma_start3A_47 = tpu.memref_slice %arg3[%add3A_42] : memref<320000xi32, #tpu.memory_space<hbm>> -> memref<80xi32, #tpu.memory_space<hbm>>
        %dma_start3A_48 = tpu.memref_slice %arg3[%add3A_42] : memref<320000xi32, #tpu.memory_space<hbm>> -> memref<80xi32, #tpu.memory_space<hbm>>
        tpu.enqueue_dma source(%dma_start3A_48 : memref<80xi32, #tpu.memory_space<hbm>>) target(%arg6 : memref<80xi32, #tpu.memory_space<vmem>>) target_semaphore(%run_scoped3A : memref<!tpu.dma_semaphore, #tpu.memory_space<semaphore_mem>>)
        %dma_wait3A_49 = tpu.memref_slice %arg3[%add3A_42] : memref<320000xi32, #tpu.memory_space<hbm>> -> memref<80xi32, #tpu.memory_space<hbm>>
        %dma_wait3A_50 = tpu.memref_slice %arg3[%add3A_42] : memref<320000xi32, #tpu.memory_space<hbm>> -> memref<80xi32, #tpu.memory_space<hbm>>
        tpu.wait_dma2 semaphore(%run_scoped3A : memref<!tpu.dma_semaphore, #tpu.memory_space<semaphore_mem>>) src(%dma_wait3A_50 : memref<80xi32, #tpu.memory_space<hbm>>) dst(%arg6 : memref<80xi32, #tpu.memory_space<vmem>>)
        tpu.yield
      }) : () -> ()
      "tpu.region"() ({
        %run_scoped3A = tpu.sem_alloc : memref<!tpu.dma_semaphore, #tpu.memory_space<semaphore_mem>>
        %dma_start3A_47 = tpu.memref_slice %arg4[%add3A_42] : memref<320000xi32, #tpu.memory_space<hbm>> -> memref<80xi32, #tpu.memory_space<hbm>>
        %dma_start3A_48 = tpu.memref_slice %arg4[%add3A_42] : memref<320000xi32, #tpu.memory_space<hbm>> -> memref<80xi32, #tpu.memory_space<hbm>>
        tpu.enqueue_dma source(%dma_start3A_48 : memref<80xi32, #tpu.memory_space<hbm>>) target(%arg7 : memref<80xi32, #tpu.memory_space<vmem>>) target_semaphore(%run_scoped3A : memref<!tpu.dma_semaphore, #tpu.memory_space<semaphore_mem>>)
        %dma_wait3A_49 = tpu.memref_slice %arg4[%add3A_42] : memref<320000xi32, #tpu.memory_space<hbm>> -> memref<80xi32, #tpu.memory_space<hbm>>
        %dma_wait3A_50 = tpu.memref_slice %arg4[%add3A_42] : memref<320000xi32, #tpu.memory_space<hbm>> -> memref<80xi32, #tpu.memory_space<hbm>>
        tpu.wait_dma2 semaphore(%run_scoped3A : memref<!tpu.dma_semaphore, #tpu.memory_space<semaphore_mem>>) src(%dma_wait3A_50 : memref<80xi32, #tpu.memory_space<hbm>>) dst(%arg7 : memref<80xi32, #tpu.memory_space<vmem>>)
        tpu.yield
      }) : () -> ()
      %dma_start3A = arith.constant 0 : i32
      %dma_start3A_43 = arith.constant 0 : i32
      %dma_start3A_44 = tpu.memref_slice %arg2[%dma_start3A, %dma_start3A_43] : memref<10000x128xf32, #tpu.memory_space<hbm>> -> memref<10000x128xf32, #tpu.memory_space<hbm>>
      tpu.enqueue_indirect_dma source(%dma_start3A_44 : memref<10000x128xf32, #tpu.memory_space<hbm>>) target(%arg8 : memref<80x128xf32, #tpu.memory_space<vmem>>) offsets(%arg6 : memref<80xi32, #tpu.memory_space<vmem>>) semaphore(%arg11 : memref<!tpu.dma_semaphore, #tpu.memory_space<semaphore_mem>>)
      %dma_wait3A = arith.constant 0 : i32
      %dma_wait3A_45 = arith.constant 0 : i32
      %dma_wait3A_46 = tpu.memref_slice %arg2[%dma_wait3A, %dma_wait3A_45] : memref<10000x128xf32, #tpu.memory_space<hbm>> -> memref<10000x128xf32, #tpu.memory_space<hbm>>
      tpu.wait_indirect_dma semaphore(%arg11 : memref<!tpu.dma_semaphore, #tpu.memory_space<semaphore_mem>>) src(%dma_wait3A_46 : memref<10000x128xf32, #tpu.memory_space<hbm>>) dst(%arg8 : memref<80x128xf32, #tpu.memory_space<vmem>>)
      "tpu.region"() ({
        %run_scoped3A = tpu.sem_alloc : memref<!tpu.dma_semaphore, #tpu.memory_space<semaphore_mem>>
        %dma_start3A_47 = arith.constant 0 : i32
        %dma_start3A_48 = arith.constant 0 : i32
        %dma_start3A_49 = tpu.memref_slice %arg10[%dma_start3A_47, %dma_start3A_48] : memref<10000x128xf32, #tpu.memory_space<vmem_shared>> -> memref<10000x128xf32, #tpu.memory_space<vmem_shared>>
        tpu.enqueue_indirect_dma source(%arg8 : memref<80x128xf32, #tpu.memory_space<vmem>>) target(%dma_start3A_49 : memref<10000x128xf32, #tpu.memory_space<vmem_shared>>) offsets(%arg7 : memref<80xi32, #tpu.memory_space<vmem>>) semaphore(%run_scoped3A : memref<!tpu.dma_semaphore, #tpu.memory_space<semaphore_mem>>) {add = true}
        %dma_wait3A_50 = arith.constant 0 : i32
        %dma_wait3A_51 = arith.constant 0 : i32
        %dma_wait3A_52 = tpu.memref_slice %arg10[%dma_wait3A_50, %dma_wait3A_51] : memref<10000x128xf32, #tpu.memory_space<vmem_shared>> -> memref<10000x128xf32, #tpu.memory_space<vmem_shared>>
        tpu.wait_indirect_dma semaphore(%run_scoped3A : memref<!tpu.dma_semaphore, #tpu.memory_space<semaphore_mem>>) src(%arg8 : memref<80x128xf32, #tpu.memory_space<vmem>>) dst(%dma_wait3A_52 : memref<10000x128xf32, #tpu.memory_space<vmem_shared>>)
        tpu.yield
      }) : () -> ()
    }
    %scan3A_28 = arith.constant 125 : i32
    %barrier3A_29 = arith.constant 0 : index
    tpu.barrier barrier_id(%barrier3A_29)
    %mul3A_30 = arith.constant 624 : i32
    %mul3A_31 = arith.muli %arg1, %mul3A_30 : i32
    %mul3A_32 = arith.constant 624 : i32
    %mul3A_33 = arith.muli %arg1, %mul3A_32 : i32
    "tpu.region"() ({
      %run_scoped3A = tpu.sem_alloc : memref<!tpu.dma_semaphore, #tpu.memory_space<semaphore_mem>>
      %dma_start3A = arith.constant 0 : i32
      %dma_start3A_39 = tpu.memref_slice %arg5[%arg0, %mul3A_33, %dma_start3A] : memref<2x10000x128xf32, #tpu.memory_space<hbm>> -> memref<1x624x128xf32, #tpu.memory_space<hbm>>
      %dma_start3A_40 = tpu.memref_squeeze %dma_start3A_39 : memref<1x624x128xf32, #tpu.memory_space<hbm>> -> memref<624x128xf32, #tpu.memory_space<hbm>>
      %dma_start3A_41 = arith.constant 0 : i32
      %dma_start3A_42 = tpu.memref_slice %arg10[%mul3A_31, %dma_start3A_41] : memref<10000x128xf32, #tpu.memory_space<vmem_shared>> -> memref<624x128xf32, #tpu.memory_space<vmem_shared>>
      tpu.enqueue_dma source(%dma_start3A_42 : memref<624x128xf32, #tpu.memory_space<vmem_shared>>) target(%dma_start3A_40 : memref<624x128xf32, #tpu.memory_space<hbm>>) target_semaphore(%run_scoped3A : memref<!tpu.dma_semaphore, #tpu.memory_space<semaphore_mem>>)
      %dma_wait3A = arith.constant 0 : i32
      %dma_wait3A_43 = tpu.memref_slice %arg5[%arg0, %mul3A_33, %dma_wait3A] : memref<2x10000x128xf32, #tpu.memory_space<hbm>> -> memref<1x624x128xf32, #tpu.memory_space<hbm>>
      %dma_wait3A_44 = tpu.memref_squeeze %dma_wait3A_43 : memref<1x624x128xf32, #tpu.memory_space<hbm>> -> memref<624x128xf32, #tpu.memory_space<hbm>>
      %dma_wait3A_45 = arith.constant 0 : i32
      %dma_wait3A_46 = tpu.memref_slice %arg10[%mul3A_31, %dma_wait3A_45] : memref<10000x128xf32, #tpu.memory_space<vmem_shared>> -> memref<624x128xf32, #tpu.memory_space<vmem_shared>>
      tpu.wait_dma2 semaphore(%run_scoped3A : memref<!tpu.dma_semaphore, #tpu.memory_space<semaphore_mem>>) src(%dma_wait3A_46 : memref<624x128xf32, #tpu.memory_space<vmem_shared>>) dst(%dma_wait3A_44 : memref<624x128xf32, #tpu.memory_space<hbm>>)
      tpu.yield
    }) : () -> ()
    %eq3A_34 = arith.constant 15 : i32
    %eq3A_35 = arith.cmpi eq, %arg1, %eq3A_34 : i32
    %convert_element_type3A_36 = arith.extui %eq3A_35 : i1 to i32
    %cond3A_37 = arith.constant 0 : i32
    %cond3A_38 = arith.cmpi ne, %convert_element_type3A_36, %cond3A_37 : i32
    scf.if %cond3A_38 {
      "tpu.region"() ({
        %run_scoped3A = tpu.sem_alloc : memref<!tpu.dma_semaphore, #tpu.memory_space<semaphore_mem>>
        %dma_start3A = arith.constant 9984 : i32
        %dma_start3A_39 = arith.constant 0 : i32
        %dma_start3A_40 = tpu.memref_slice %arg5[%arg0, %dma_start3A, %dma_start3A_39] : memref<2x10000x128xf32, #tpu.memory_space<hbm>> -> memref<1x16x128xf32, #tpu.memory_space<hbm>>
        %dma_start3A_41 = tpu.memref_squeeze %dma_start3A_40 : memref<1x16x128xf32, #tpu.memory_space<hbm>> -> memref<16x128xf32, #tpu.memory_space<hbm>>
        %dma_start3A_42 = arith.constant 9984 : i32
        %dma_start3A_43 = arith.constant 0 : i32
        %dma_start3A_44 = tpu.memref_slice %arg10[%dma_start3A_42, %dma_start3A_43] : memref<10000x128xf32, #tpu.memory_space<vmem_shared>> -> memref<16x128xf32, #tpu.memory_space<vmem_shared>>
        tpu.enqueue_dma source(%dma_start3A_44 : memref<16x128xf32, #tpu.memory_space<vmem_shared>>) target(%dma_start3A_41 : memref<16x128xf32, #tpu.memory_space<hbm>>) target_semaphore(%run_scoped3A : memref<!tpu.dma_semaphore, #tpu.memory_space<semaphore_mem>>)
        %dma_wait3A = arith.constant 9984 : i32
        %dma_wait3A_45 = arith.constant 0 : i32
        %dma_wait3A_46 = tpu.memref_slice %arg5[%arg0, %dma_wait3A, %dma_wait3A_45] : memref<2x10000x128xf32, #tpu.memory_space<hbm>> -> memref<1x16x128xf32, #tpu.memory_space<hbm>>
        %dma_wait3A_47 = tpu.memref_squeeze %dma_wait3A_46 : memref<1x16x128xf32, #tpu.memory_space<hbm>> -> memref<16x128xf32, #tpu.memory_space<hbm>>
        %dma_wait3A_48 = arith.constant 9984 : i32
        %dma_wait3A_49 = arith.constant 0 : i32
        %dma_wait3A_50 = tpu.memref_slice %arg10[%dma_wait3A_48, %dma_wait3A_49] : memref<10000x128xf32, #tpu.memory_space<vmem_shared>> -> memref<16x128xf32, #tpu.memory_space<vmem_shared>>
        tpu.wait_dma2 semaphore(%run_scoped3A : memref<!tpu.dma_semaphore, #tpu.memory_space<semaphore_mem>>) src(%dma_wait3A_50 : memref<16x128xf32, #tpu.memory_space<vmem_shared>>) dst(%dma_wait3A_47 : memref<16x128xf32, #tpu.memory_space<hbm>>)
        tpu.yield
      }) : () -> ()
    } else {
    }
    return
  }
}

#map = affine_map<(d0, d1) -> (0, 0)>
#map1 = affine_map<(d0, d1) -> (0)>
#map2 = affine_map<(d0, d1) -> (0, 0, 0)>
module attributes {stable_mosaic.version = 14 : i64} {
  func.func @_sc_agg(%arg0: i32, %arg1: i32, %arg2: memref<10000x128xf32, #tpu.memory_space<hbm>>, %arg3: memref<320000xi32, #tpu.memory_space<hbm>>, %arg4: memref<320000xi32, #tpu.memory_space<hbm>>, %arg5: memref<2x10000x128xf32, #tpu.memory_space<hbm>>, %arg6: memref<80xi32, #tpu.memory_space<vmem>>, %arg7: memref<80xi32, #tpu.memory_space<vmem>>, %arg8: memref<80x128xf32, #tpu.memory_space<vmem>>, %arg9: memref<208x128xf32, #tpu.memory_space<vmem>>, %arg10: memref<10000x128xf32, #tpu.memory_space<vmem_shared>>, %arg11: memref<!tpu.dma_semaphore, #tpu.memory_space<semaphore_mem>>) attributes {dimension_semantics = [#tpu.dimension_semantics<core_parallel>, #tpu.dimension_semantics<subcore_parallel>], iteration_bounds = array<i64: 2, 16>, scalar_prefetch = 0 : i64, scratch_operands = 6 : i64, tpu.core_type = #tpu.core_type<sc_vector_subcore>, window_params = [{transform_indices = #map}, {transform_indices = #map1}, {transform_indices = #map1}, {transform_indices = #map2}]} {
    %mul3A = arith.constant 2 : i32
    %mul3A_0 = arith.muli %arg1, %mul3A : i32
    %add3A = arith.addi %mul3A_0, %arg0 : i32
    %broadcast_in_dim3A = arith.constant 0.000000e+00 : f32
    %broadcast_in_dim3A_1 = vector.broadcast %broadcast_in_dim3A : f32 to vector<16xf32>
    %scan3A = arith.constant 0 : i32
    %scan3A_2 = arith.constant 0 : i32
    %scan3A_3 = arith.constant 1664 : i32
    %scan3A_4 = arith.addi %scan3A_2, %scan3A_3 : i32
    %scan3A_5 = arith.constant 1 : i32
    scf.for %scan3A_39 = %scan3A_2 to %scan3A_4 step %scan3A_5  : i32 {
      %jit3A = arith.constant 8 : i32
      %div3A = arith.divsi %scan3A_39, %jit3A : i32
      %sign3A = arith.constant 0 : i32
      %sign3A_40 = arith.cmpi sgt, %scan3A_39, %sign3A : i32
      %sign3A_41 = arith.extui %sign3A_40 : i1 to i32
      %sign3A_42 = arith.constant 0 : i32
      %sign3A_43 = arith.cmpi slt, %scan3A_39, %sign3A_42 : i32
      %sign3A_44 = arith.extui %sign3A_43 : i1 to i32
      %sign3A_45 = arith.subi %sign3A_41, %sign3A_44 : i32
      %sign3A_46 = arith.constant 0 : i32
      %sign3A_47 = arith.cmpi sgt, %jit3A, %sign3A_46 : i32
      %sign3A_48 = arith.extui %sign3A_47 : i1 to i32
      %sign3A_49 = arith.constant 0 : i32
      %sign3A_50 = arith.cmpi slt, %jit3A, %sign3A_49 : i32
      %sign3A_51 = arith.extui %sign3A_50 : i1 to i32
      %sign3A_52 = arith.subi %sign3A_48, %sign3A_51 : i32
      %ne3A = arith.cmpi ne, %sign3A_45, %sign3A_52 : i32
      %rem3A = arith.remsi %scan3A_39, %jit3A : i32
      %ne3A_53 = arith.constant 0 : i32
      %ne3A_54 = arith.cmpi ne, %rem3A, %ne3A_53 : i32
      %and3A = arith.andi %ne3A, %ne3A_54 : i1
      %sub3A = arith.constant 1 : i32
      %sub3A_55 = arith.subi %div3A, %sub3A : i32
      %select_n3A = arith.select %and3A, %sub3A_55, %div3A : i32
      %jit3A_56 = arith.constant 8 : i32
      %eq3A_57 = arith.constant 0 : i32
      %eq3A_58 = arith.cmpi eq, %jit3A_56, %eq3A_57 : i32
      %jit3A_59 = arith.constant 1 : i32
      %select_n3A_60 = arith.select %eq3A_58, %jit3A_59, %jit3A_56 : i32
      %rem3A_61 = arith.remsi %scan3A_39, %select_n3A_60 : i32
      %ne3A_62 = arith.constant 0 : i32
      %ne3A_63 = arith.cmpi ne, %rem3A_61, %ne3A_62 : i32
      %lt3A = arith.constant 0 : i32
      %lt3A_64 = arith.cmpi slt, %rem3A_61, %lt3A : i32
      %lt3A_65 = arith.constant 0 : i32
      %lt3A_66 = arith.cmpi slt, %select_n3A_60, %lt3A_65 : i32
      %ne3A_67 = arith.xori %lt3A_64, %lt3A_66 : i1
      %and3A_68 = arith.andi %ne3A_67, %ne3A_63 : i1
      %add3A_69 = arith.addi %rem3A_61, %select_n3A_60 : i32
      %select_n3A_70 = arith.select %and3A_68, %add3A_69, %rem3A_61 : i32
      %mul3A_71 = arith.constant 16 : i32
      %mul3A_72 = arith.muli %select_n3A_70, %mul3A_71 : i32
      %swap3A = arith.index_cast %select_n3A : i32 to index
      %swap3A_73 = arith.index_cast %mul3A_72 : i32 to index
      %swap3A_74 = tpu.vector_load %arg9[%swap3A, %swap3A_73] {strides = array<i32>} : memref<208x128xf32, #tpu.memory_space<vmem>>, vector<1x16xf32>,
      %swap3A_75 = vector.shape_cast %swap3A_74 : vector<1x16xf32> to vector<16xf32>
      %swap3A_76 = vector.shape_cast %broadcast_in_dim3A_1 : vector<16xf32> to vector<1x16xf32>
      tpu.vector_store %arg9[%swap3A, %swap3A_73], %swap3A_76 {strides = array<i32>} : memref<208x128xf32, #tpu.memory_space<vmem>>, vector<1x16xf32>,
    }
    %scan3A_6 = arith.constant 1664 : i32
    %mul3A_7 = arith.constant 624 : i32
    %mul3A_8 = arith.muli %arg1, %mul3A_7 : i32
    %add3A_9 = arith.constant 0 : i32
    %add3A_10 = arith.addi %mul3A_8, %add3A_9 : i32
    "tpu.region"() ({
      %run_scoped3A = tpu.sem_alloc : memref<!tpu.dma_semaphore, #tpu.memory_space<semaphore_mem>>
      %dma_start3A = arith.constant 0 : i32
      %dma_start3A_39 = tpu.memref_slice %arg10[%add3A_10, %dma_start3A] : memref<10000x128xf32, #tpu.memory_space<vmem_shared>> -> memref<208x128xf32, #tpu.memory_space<vmem_shared>>
      %dma_start3A_40 = arith.constant 0 : i32
      %dma_start3A_41 = tpu.memref_slice %arg10[%add3A_10, %dma_start3A_40] : memref<10000x128xf32, #tpu.memory_space<vmem_shared>> -> memref<208x128xf32, #tpu.memory_space<vmem_shared>>
      tpu.enqueue_dma source(%arg9 : memref<208x128xf32, #tpu.memory_space<vmem>>) target(%dma_start3A_41 : memref<208x128xf32, #tpu.memory_space<vmem_shared>>) target_semaphore(%run_scoped3A : memref<!tpu.dma_semaphore, #tpu.memory_space<semaphore_mem>>)
      %dma_wait3A = arith.constant 0 : i32
      %dma_wait3A_42 = tpu.memref_slice %arg10[%add3A_10, %dma_wait3A] : memref<10000x128xf32, #tpu.memory_space<vmem_shared>> -> memref<208x128xf32, #tpu.memory_space<vmem_shared>>
      %dma_wait3A_43 = arith.constant 0 : i32
      %dma_wait3A_44 = tpu.memref_slice %arg10[%add3A_10, %dma_wait3A_43] : memref<10000x128xf32, #tpu.memory_space<vmem_shared>> -> memref<208x128xf32, #tpu.memory_space<vmem_shared>>
      tpu.wait_dma2 semaphore(%run_scoped3A : memref<!tpu.dma_semaphore, #tpu.memory_space<semaphore_mem>>) src(%arg9 : memref<208x128xf32, #tpu.memory_space<vmem>>) dst(%dma_wait3A_44 : memref<208x128xf32, #tpu.memory_space<vmem_shared>>)
      tpu.yield
    }) : () -> ()
    %mul3A_11 = arith.constant 624 : i32
    %mul3A_12 = arith.muli %arg1, %mul3A_11 : i32
    %add3A_13 = arith.constant 208 : i32
    %add3A_14 = arith.addi %mul3A_12, %add3A_13 : i32
    "tpu.region"() ({
      %run_scoped3A = tpu.sem_alloc : memref<!tpu.dma_semaphore, #tpu.memory_space<semaphore_mem>>
      %dma_start3A = arith.constant 0 : i32
      %dma_start3A_39 = tpu.memref_slice %arg10[%add3A_14, %dma_start3A] : memref<10000x128xf32, #tpu.memory_space<vmem_shared>> -> memref<208x128xf32, #tpu.memory_space<vmem_shared>>
      %dma_start3A_40 = arith.constant 0 : i32
      %dma_start3A_41 = tpu.memref_slice %arg10[%add3A_14, %dma_start3A_40] : memref<10000x128xf32, #tpu.memory_space<vmem_shared>> -> memref<208x128xf32, #tpu.memory_space<vmem_shared>>
      tpu.enqueue_dma source(%arg9 : memref<208x128xf32, #tpu.memory_space<vmem>>) target(%dma_start3A_41 : memref<208x128xf32, #tpu.memory_space<vmem_shared>>) target_semaphore(%run_scoped3A : memref<!tpu.dma_semaphore, #tpu.memory_space<semaphore_mem>>)
      %dma_wait3A = arith.constant 0 : i32
      %dma_wait3A_42 = tpu.memref_slice %arg10[%add3A_14, %dma_wait3A] : memref<10000x128xf32, #tpu.memory_space<vmem_shared>> -> memref<208x128xf32, #tpu.memory_space<vmem_shared>>
      %dma_wait3A_43 = arith.constant 0 : i32
      %dma_wait3A_44 = tpu.memref_slice %arg10[%add3A_14, %dma_wait3A_43] : memref<10000x128xf32, #tpu.memory_space<vmem_shared>> -> memref<208x128xf32, #tpu.memory_space<vmem_shared>>
      tpu.wait_dma2 semaphore(%run_scoped3A : memref<!tpu.dma_semaphore, #tpu.memory_space<semaphore_mem>>) src(%arg9 : memref<208x128xf32, #tpu.memory_space<vmem>>) dst(%dma_wait3A_44 : memref<208x128xf32, #tpu.memory_space<vmem_shared>>)
      tpu.yield
    }) : () -> ()
    %mul3A_15 = arith.constant 624 : i32
    %mul3A_16 = arith.muli %arg1, %mul3A_15 : i32
    %add3A_17 = arith.constant 416 : i32
    %add3A_18 = arith.addi %mul3A_16, %add3A_17 : i32
    "tpu.region"() ({
      %run_scoped3A = tpu.sem_alloc : memref<!tpu.dma_semaphore, #tpu.memory_space<semaphore_mem>>
      %dma_start3A = arith.constant 0 : i32
      %dma_start3A_39 = tpu.memref_slice %arg10[%add3A_18, %dma_start3A] : memref<10000x128xf32, #tpu.memory_space<vmem_shared>> -> memref<208x128xf32, #tpu.memory_space<vmem_shared>>
      %dma_start3A_40 = arith.constant 0 : i32
      %dma_start3A_41 = tpu.memref_slice %arg10[%add3A_18, %dma_start3A_40] : memref<10000x128xf32, #tpu.memory_space<vmem_shared>> -> memref<208x128xf32, #tpu.memory_space<vmem_shared>>
      tpu.enqueue_dma source(%arg9 : memref<208x128xf32, #tpu.memory_space<vmem>>) target(%dma_start3A_41 : memref<208x128xf32, #tpu.memory_space<vmem_shared>>) target_semaphore(%run_scoped3A : memref<!tpu.dma_semaphore, #tpu.memory_space<semaphore_mem>>)
      %dma_wait3A = arith.constant 0 : i32
      %dma_wait3A_42 = tpu.memref_slice %arg10[%add3A_18, %dma_wait3A] : memref<10000x128xf32, #tpu.memory_space<vmem_shared>> -> memref<208x128xf32, #tpu.memory_space<vmem_shared>>
      %dma_wait3A_43 = arith.constant 0 : i32
      %dma_wait3A_44 = tpu.memref_slice %arg10[%add3A_18, %dma_wait3A_43] : memref<10000x128xf32, #tpu.memory_space<vmem_shared>> -> memref<208x128xf32, #tpu.memory_space<vmem_shared>>
      tpu.wait_dma2 semaphore(%run_scoped3A : memref<!tpu.dma_semaphore, #tpu.memory_space<semaphore_mem>>) src(%arg9 : memref<208x128xf32, #tpu.memory_space<vmem>>) dst(%dma_wait3A_44 : memref<208x128xf32, #tpu.memory_space<vmem_shared>>)
      tpu.yield
    }) : () -> ()
    %eq3A = arith.constant 15 : i32
    %eq3A_19 = arith.cmpi eq, %arg1, %eq3A : i32
    %convert_element_type3A = arith.extui %eq3A_19 : i1 to i32
    %cond3A = arith.constant 0 : i32
    %cond3A_20 = arith.cmpi ne, %convert_element_type3A, %cond3A : i32
    scf.if %cond3A_20 {
      "tpu.region"() ({
        %run_scoped3A = tpu.sem_alloc : memref<!tpu.dma_semaphore, #tpu.memory_space<semaphore_mem>>
        %dma_start3A = arith.constant 0 : i32
        %dma_start3A_39 = arith.constant 0 : i32
        %dma_start3A_40 = tpu.memref_slice %arg9[%dma_start3A, %dma_start3A_39] : memref<208x128xf32, #tpu.memory_space<vmem>> -> memref<16x128xf32, #tpu.memory_space<vmem>>
        %dma_start3A_41 = arith.constant 9984 : i32
        %dma_start3A_42 = arith.constant 0 : i32
        %dma_start3A_43 = tpu.memref_slice %arg10[%dma_start3A_41, %dma_start3A_42] : memref<10000x128xf32, #tpu.memory_space<vmem_shared>> -> memref<16x128xf32, #tpu.memory_space<vmem_shared>>
        %dma_start3A_44 = arith.constant 9984 : i32
        %dma_start3A_45 = arith.constant 0 : i32
        %dma_start3A_46 = tpu.memref_slice %arg10[%dma_start3A_44, %dma_start3A_45] : memref<10000x128xf32, #tpu.memory_space<vmem_shared>> -> memref<16x128xf32, #tpu.memory_space<vmem_shared>>
        %dma_start3A_47 = arith.constant 0 : i32
        %dma_start3A_48 = arith.constant 0 : i32
        %dma_start3A_49 = tpu.memref_slice %arg9[%dma_start3A_47, %dma_start3A_48] : memref<208x128xf32, #tpu.memory_space<vmem>> -> memref<16x128xf32, #tpu.memory_space<vmem>>
        tpu.enqueue_dma source(%dma_start3A_49 : memref<16x128xf32, #tpu.memory_space<vmem>>) target(%dma_start3A_46 : memref<16x128xf32, #tpu.memory_space<vmem_shared>>) target_semaphore(%run_scoped3A : memref<!tpu.dma_semaphore, #tpu.memory_space<semaphore_mem>>)
        %dma_wait3A = arith.constant 0 : i32
        %dma_wait3A_50 = arith.constant 0 : i32
        %dma_wait3A_51 = tpu.memref_slice %arg9[%dma_wait3A, %dma_wait3A_50] : memref<208x128xf32, #tpu.memory_space<vmem>> -> memref<16x128xf32, #tpu.memory_space<vmem>>
        %dma_wait3A_52 = arith.constant 9984 : i32
        %dma_wait3A_53 = arith.constant 0 : i32
        %dma_wait3A_54 = tpu.memref_slice %arg10[%dma_wait3A_52, %dma_wait3A_53] : memref<10000x128xf32, #tpu.memory_space<vmem_shared>> -> memref<16x128xf32, #tpu.memory_space<vmem_shared>>
        %dma_wait3A_55 = arith.constant 9984 : i32
        %dma_wait3A_56 = arith.constant 0 : i32
        %dma_wait3A_57 = tpu.memref_slice %arg10[%dma_wait3A_55, %dma_wait3A_56] : memref<10000x128xf32, #tpu.memory_space<vmem_shared>> -> memref<16x128xf32, #tpu.memory_space<vmem_shared>>
        %dma_wait3A_58 = arith.constant 0 : i32
        %dma_wait3A_59 = arith.constant 0 : i32
        %dma_wait3A_60 = tpu.memref_slice %arg9[%dma_wait3A_58, %dma_wait3A_59] : memref<208x128xf32, #tpu.memory_space<vmem>> -> memref<16x128xf32, #tpu.memory_space<vmem>>
        tpu.wait_dma2 semaphore(%run_scoped3A : memref<!tpu.dma_semaphore, #tpu.memory_space<semaphore_mem>>) src(%dma_wait3A_60 : memref<16x128xf32, #tpu.memory_space<vmem>>) dst(%dma_wait3A_57 : memref<16x128xf32, #tpu.memory_space<vmem_shared>>)
        tpu.yield
      }) : () -> ()
    } else {
    }
    %barrier3A = arith.constant 0 : index
    tpu.barrier barrier_id(%barrier3A)
    %mul3A_21 = arith.constant 10000 : i32
    %mul3A_22 = arith.muli %add3A, %mul3A_21 : i32
    %scan3A_23 = arith.constant 0 : i32
    %scan3A_24 = arith.constant 0 : i32
    %scan3A_25 = arith.constant 125 : i32
    %scan3A_26 = arith.addi %scan3A_24, %scan3A_25 : i32
    %scan3A_27 = arith.constant 1 : i32
    scf.for %scan3A_39 = %scan3A_24 to %scan3A_26 step %scan3A_27  : i32 {
      %mul3A_40 = arith.constant 80 : i32
      %mul3A_41 = arith.muli %scan3A_39, %mul3A_40 : i32
      %add3A_42 = arith.addi %mul3A_22, %mul3A_41 : i32
      "tpu.region"() ({
        %run_scoped3A = tpu.sem_alloc : memref<!tpu.dma_semaphore, #tpu.memory_space<semaphore_mem>>
        %dma_start3A_47 = tpu.memref_slice %arg3[%add3A_42] : memref<320000xi32, #tpu.memory_space<hbm>> -> memref<80xi32, #tpu.memory_space<hbm>>
        %dma_start3A_48 = tpu.memref_slice %arg3[%add3A_42] : memref<320000xi32, #tpu.memory_space<hbm>> -> memref<80xi32, #tpu.memory_space<hbm>>
        tpu.enqueue_dma source(%dma_start3A_48 : memref<80xi32, #tpu.memory_space<hbm>>) target(%arg6 : memref<80xi32, #tpu.memory_space<vmem>>) target_semaphore(%run_scoped3A : memref<!tpu.dma_semaphore, #tpu.memory_space<semaphore_mem>>)
        %dma_wait3A_49 = tpu.memref_slice %arg3[%add3A_42] : memref<320000xi32, #tpu.memory_space<hbm>> -> memref<80xi32, #tpu.memory_space<hbm>>
        %dma_wait3A_50 = tpu.memref_slice %arg3[%add3A_42] : memref<320000xi32, #tpu.memory_space<hbm>> -> memref<80xi32, #tpu.memory_space<hbm>>
        tpu.wait_dma2 semaphore(%run_scoped3A : memref<!tpu.dma_semaphore, #tpu.memory_space<semaphore_mem>>) src(%dma_wait3A_50 : memref<80xi32, #tpu.memory_space<hbm>>) dst(%arg6 : memref<80xi32, #tpu.memory_space<vmem>>)
        tpu.yield
      }) : () -> ()
      "tpu.region"() ({
        %run_scoped3A = tpu.sem_alloc : memref<!tpu.dma_semaphore, #tpu.memory_space<semaphore_mem>>
        %dma_start3A_47 = tpu.memref_slice %arg4[%add3A_42] : memref<320000xi32, #tpu.memory_space<hbm>> -> memref<80xi32, #tpu.memory_space<hbm>>
        %dma_start3A_48 = tpu.memref_slice %arg4[%add3A_42] : memref<320000xi32, #tpu.memory_space<hbm>> -> memref<80xi32, #tpu.memory_space<hbm>>
        tpu.enqueue_dma source(%dma_start3A_48 : memref<80xi32, #tpu.memory_space<hbm>>) target(%arg7 : memref<80xi32, #tpu.memory_space<vmem>>) target_semaphore(%run_scoped3A : memref<!tpu.dma_semaphore, #tpu.memory_space<semaphore_mem>>)
        %dma_wait3A_49 = tpu.memref_slice %arg4[%add3A_42] : memref<320000xi32, #tpu.memory_space<hbm>> -> memref<80xi32, #tpu.memory_space<hbm>>
        %dma_wait3A_50 = tpu.memref_slice %arg4[%add3A_42] : memref<320000xi32, #tpu.memory_space<hbm>> -> memref<80xi32, #tpu.memory_space<hbm>>
        tpu.wait_dma2 semaphore(%run_scoped3A : memref<!tpu.dma_semaphore, #tpu.memory_space<semaphore_mem>>) src(%dma_wait3A_50 : memref<80xi32, #tpu.memory_space<hbm>>) dst(%arg7 : memref<80xi32, #tpu.memory_space<vmem>>)
        tpu.yield
      }) : () -> ()
      %dma_start3A = arith.constant 0 : i32
      %dma_start3A_43 = arith.constant 0 : i32
      %dma_start3A_44 = tpu.memref_slice %arg2[%dma_start3A, %dma_start3A_43] : memref<10000x128xf32, #tpu.memory_space<hbm>> -> memref<10000x128xf32, #tpu.memory_space<hbm>>
      tpu.enqueue_indirect_dma source(%dma_start3A_44 : memref<10000x128xf32, #tpu.memory_space<hbm>>) target(%arg8 : memref<80x128xf32, #tpu.memory_space<vmem>>) offsets(%arg6 : memref<80xi32, #tpu.memory_space<vmem>>) semaphore(%arg11 : memref<!tpu.dma_semaphore, #tpu.memory_space<semaphore_mem>>)
      %dma_wait3A = arith.constant 0 : i32
      %dma_wait3A_45 = arith.constant 0 : i32
      %dma_wait3A_46 = tpu.memref_slice %arg2[%dma_wait3A, %dma_wait3A_45] : memref<10000x128xf32, #tpu.memory_space<hbm>> -> memref<10000x128xf32, #tpu.memory_space<hbm>>
      tpu.wait_indirect_dma semaphore(%arg11 : memref<!tpu.dma_semaphore, #tpu.memory_space<semaphore_mem>>) src(%dma_wait3A_46 : memref<10000x128xf32, #tpu.memory_space<hbm>>) dst(%arg8 : memref<80x128xf32, #tpu.memory_space<vmem>>)
      "tpu.region"() ({
        %run_scoped3A = tpu.sem_alloc : memref<!tpu.dma_semaphore, #tpu.memory_space<semaphore_mem>>
        %dma_start3A_47 = arith.constant 0 : i32
        %dma_start3A_48 = arith.constant 0 : i32
        %dma_start3A_49 = tpu.memref_slice %arg10[%dma_start3A_47, %dma_start3A_48] : memref<10000x128xf32, #tpu.memory_space<vmem_shared>> -> memref<10000x128xf32, #tpu.memory_space<vmem_shared>>
        tpu.enqueue_indirect_dma source(%arg8 : memref<80x128xf32, #tpu.memory_space<vmem>>) target(%dma_start3A_49 : memref<10000x128xf32, #tpu.memory_space<vmem_shared>>) offsets(%arg7 : memref<80xi32, #tpu.memory_space<vmem>>) semaphore(%run_scoped3A : memref<!tpu.dma_semaphore, #tpu.memory_space<semaphore_mem>>) {add = true}
        %dma_wait3A_50 = arith.constant 0 : i32
        %dma_wait3A_51 = arith.constant 0 : i32
        %dma_wait3A_52 = tpu.memref_slice %arg10[%dma_wait3A_50, %dma_wait3A_51] : memref<10000x128xf32, #tpu.memory_space<vmem_shared>> -> memref<10000x128xf32, #tpu.memory_space<vmem_shared>>
        tpu.wait_indirect_dma semaphore(%run_scoped3A : memref<!tpu.dma_semaphore, #tpu.memory_space<semaphore_mem>>) src(%arg8 : memref<80x128xf32, #tpu.memory_space<vmem>>) dst(%dma_wait3A_52 : memref<10000x128xf32, #tpu.memory_space<vmem_shared>>)
        tpu.yield
      }) : () -> ()
    }
    %scan3A_28 = arith.constant 125 : i32
    %barrier3A_29 = arith.constant 0 : index
    tpu.barrier barrier_id(%barrier3A_29)
    %mul3A_30 = arith.constant 624 : i32
    %mul3A_31 = arith.muli %arg1, %mul3A_30 : i32
    %mul3A_32 = arith.constant 624 : i32
    %mul3A_33 = arith.muli %arg1, %mul3A_32 : i32
    "tpu.region"() ({
      %run_scoped3A = tpu.sem_alloc : memref<!tpu.dma_semaphore, #tpu.memory_space<semaphore_mem>>
      %dma_start3A = arith.constant 0 : i32
      %dma_start3A_39 = tpu.memref_slice %arg5[%arg0, %mul3A_33, %dma_start3A] : memref<2x10000x128xf32, #tpu.memory_space<hbm>> -> memref<1x624x128xf32, #tpu.memory_space<hbm>>
      %dma_start3A_40 = tpu.memref_squeeze %dma_start3A_39 : memref<1x624x128xf32, #tpu.memory_space<hbm>> -> memref<624x128xf32, #tpu.memory_space<hbm>>
      %dma_start3A_41 = arith.constant 0 : i32
      %dma_start3A_42 = tpu.memref_slice %arg10[%mul3A_31, %dma_start3A_41] : memref<10000x128xf32, #tpu.memory_space<vmem_shared>> -> memref<624x128xf32, #tpu.memory_space<vmem_shared>>
      tpu.enqueue_dma source(%dma_start3A_42 : memref<624x128xf32, #tpu.memory_space<vmem_shared>>) target(%dma_start3A_40 : memref<624x128xf32, #tpu.memory_space<hbm>>) target_semaphore(%run_scoped3A : memref<!tpu.dma_semaphore, #tpu.memory_space<semaphore_mem>>)
      %dma_wait3A = arith.constant 0 : i32
      %dma_wait3A_43 = tpu.memref_slice %arg5[%arg0, %mul3A_33, %dma_wait3A] : memref<2x10000x128xf32, #tpu.memory_space<hbm>> -> memref<1x624x128xf32, #tpu.memory_space<hbm>>
      %dma_wait3A_44 = tpu.memref_squeeze %dma_wait3A_43 : memref<1x624x128xf32, #tpu.memory_space<hbm>> -> memref<624x128xf32, #tpu.memory_space<hbm>>
      %dma_wait3A_45 = arith.constant 0 : i32
      %dma_wait3A_46 = tpu.memref_slice %arg10[%mul3A_31, %dma_wait3A_45] : memref<10000x128xf32, #tpu.memory_space<vmem_shared>> -> memref<624x128xf32, #tpu.memory_space<vmem_shared>>
      tpu.wait_dma2 semaphore(%run_scoped3A : memref<!tpu.dma_semaphore, #tpu.memory_space<semaphore_mem>>) src(%dma_wait3A_46 : memref<624x128xf32, #tpu.memory_space<vmem_shared>>) dst(%dma_wait3A_44 : memref<624x128xf32, #tpu.memory_space<hbm>>)
      tpu.yield
    }) : () -> ()
    %eq3A_34 = arith.constant 15 : i32
    %eq3A_35 = arith.cmpi eq, %arg1, %eq3A_34 : i32
    %convert_element_type3A_36 = arith.extui %eq3A_35 : i1 to i32
    %cond3A_37 = arith.constant 0 : i32
    %cond3A_38 = arith.cmpi ne, %convert_element_type3A_36, %cond3A_37 : i32
    scf.if %cond3A_38 {
      "tpu.region"() ({
        %run_scoped3A = tpu.sem_alloc : memref<!tpu.dma_semaphore, #tpu.memory_space<semaphore_mem>>
        %dma_start3A = arith.constant 9984 : i32
        %dma_start3A_39 = arith.constant 0 : i32
        %dma_start3A_40 = tpu.memref_slice %arg5[%arg0, %dma_start3A, %dma_start3A_39] : memref<2x10000x128xf32, #tpu.memory_space<hbm>> -> memref<1x16x128xf32, #tpu.memory_space<hbm>>
        %dma_start3A_41 = tpu.memref_squeeze %dma_start3A_40 : memref<1x16x128xf32, #tpu.memory_space<hbm>> -> memref<16x128xf32, #tpu.memory_space<hbm>>
        %dma_start3A_42 = arith.constant 9984 : i32
        %dma_start3A_43 = arith.constant 0 : i32
        %dma_start3A_44 = tpu.memref_slice %arg10[%dma_start3A_42, %dma_start3A_43] : memref<10000x128xf32, #tpu.memory_space<vmem_shared>> -> memref<16x128xf32, #tpu.memory_space<vmem_shared>>
        tpu.enqueue_dma source(%dma_start3A_44 : memref<16x128xf32, #tpu.memory_space<vmem_shared>>) target(%dma_start3A_41 : memref<16x128xf32, #tpu.memory_space<hbm>>) target_semaphore(%run_scoped3A : memref<!tpu.dma_semaphore, #tpu.memory_space<semaphore_mem>>)
        %dma_wait3A = arith.constant 9984 : i32
        %dma_wait3A_45 = arith.constant 0 : i32
        %dma_wait3A_46 = tpu.memref_slice %arg5[%arg0, %dma_wait3A, %dma_wait3A_45] : memref<2x10000x128xf32, #tpu.memory_space<hbm>> -> memref<1x16x128xf32, #tpu.memory_space<hbm>>
        %dma_wait3A_47 = tpu.memref_squeeze %dma_wait3A_46 : memref<1x16x128xf32, #tpu.memory_space<hbm>> -> memref<16x128xf32, #tpu.memory_space<hbm>>
        %dma_wait3A_48 = arith.constant 9984 : i32
        %dma_wait3A_49 = arith.constant 0 : i32
        %dma_wait3A_50 = tpu.memref_slice %arg10[%dma_wait3A_48, %dma_wait3A_49] : memref<10000x128xf32, #tpu.memory_space<vmem_shared>> -> memref<16x128xf32, #tpu.memory_space<vmem_shared>>
        tpu.wait_dma2 semaphore(%run_scoped3A : memref<!tpu.dma_semaphore, #tpu.memory_space<semaphore_mem>>) src(%dma_wait3A_50 : memref<16x128xf32, #tpu.memory_space<vmem_shared>>) dst(%dma_wait3A_47 : memref<16x128xf32, #tpu.memory_space<hbm>>)
        tpu.yield
      }) : () -> ()
    } else {
    }
    return
  }
}

#map = affine_map<(d0, d1) -> (0, 0)>
#map1 = affine_map<(d0, d1) -> (0)>
#map2 = affine_map<(d0, d1) -> (0, 0, 0)>
module attributes {stable_mosaic.version = 14 : i64} {
  func.func @_sc_agg(%arg0: i32, %arg1: i32, %arg2: memref<10000x128xf32, #tpu.memory_space<hbm>>, %arg3: memref<320000xi32, #tpu.memory_space<hbm>>, %arg4: memref<320000xi32, #tpu.memory_space<hbm>>, %arg5: memref<2x10000x128xf32, #tpu.memory_space<hbm>>, %arg6: memref<80xi32, #tpu.memory_space<vmem>>, %arg7: memref<80xi32, #tpu.memory_space<vmem>>, %arg8: memref<80x128xf32, #tpu.memory_space<vmem>>, %arg9: memref<208x128xf32, #tpu.memory_space<vmem>>, %arg10: memref<10000x128xf32, #tpu.memory_space<vmem_shared>>, %arg11: memref<!tpu.dma_semaphore, #tpu.memory_space<semaphore_mem>>) attributes {dimension_semantics = [#tpu.dimension_semantics<core_parallel>, #tpu.dimension_semantics<subcore_parallel>], iteration_bounds = array<i64: 2, 16>, scalar_prefetch = 0 : i64, scratch_operands = 6 : i64, tpu.core_type = #tpu.core_type<sc_vector_subcore>, window_params = [{transform_indices = #map}, {transform_indices = #map1}, {transform_indices = #map1}, {transform_indices = #map2}]} {
    %mul3A = arith.constant 2 : i32
    %mul3A_0 = arith.muli %arg1, %mul3A : i32
    %add3A = arith.addi %mul3A_0, %arg0 : i32
    %broadcast_in_dim3A = arith.constant 0.000000e+00 : f32
    %broadcast_in_dim3A_1 = vector.broadcast %broadcast_in_dim3A : f32 to vector<16xf32>
    %scan3A = arith.constant 0 : i32
    %scan3A_2 = arith.constant 0 : i32
    %scan3A_3 = arith.constant 1664 : i32
    %scan3A_4 = arith.addi %scan3A_2, %scan3A_3 : i32
    %scan3A_5 = arith.constant 1 : i32
    scf.for %scan3A_39 = %scan3A_2 to %scan3A_4 step %scan3A_5  : i32 {
      %jit3A = arith.constant 8 : i32
      %div3A = arith.divsi %scan3A_39, %jit3A : i32
      %sign3A = arith.constant 0 : i32
      %sign3A_40 = arith.cmpi sgt, %scan3A_39, %sign3A : i32
      %sign3A_41 = arith.extui %sign3A_40 : i1 to i32
      %sign3A_42 = arith.constant 0 : i32
      %sign3A_43 = arith.cmpi slt, %scan3A_39, %sign3A_42 : i32
      %sign3A_44 = arith.extui %sign3A_43 : i1 to i32
      %sign3A_45 = arith.subi %sign3A_41, %sign3A_44 : i32
      %sign3A_46 = arith.constant 0 : i32
      %sign3A_47 = arith.cmpi sgt, %jit3A, %sign3A_46 : i32
      %sign3A_48 = arith.extui %sign3A_47 : i1 to i32
      %sign3A_49 = arith.constant 0 : i32
      %sign3A_50 = arith.cmpi slt, %jit3A, %sign3A_49 : i32
      %sign3A_51 = arith.extui %sign3A_50 : i1 to i32
      %sign3A_52 = arith.subi %sign3A_48, %sign3A_51 : i32
      %ne3A = arith.cmpi ne, %sign3A_45, %sign3A_52 : i32
      %rem3A = arith.remsi %scan3A_39, %jit3A : i32
      %ne3A_53 = arith.constant 0 : i32
      %ne3A_54 = arith.cmpi ne, %rem3A, %ne3A_53 : i32
      %and3A = arith.andi %ne3A, %ne3A_54 : i1
      %sub3A = arith.constant 1 : i32
      %sub3A_55 = arith.subi %div3A, %sub3A : i32
      %select_n3A = arith.select %and3A, %sub3A_55, %div3A : i32
      %jit3A_56 = arith.constant 8 : i32
      %eq3A_57 = arith.constant 0 : i32
      %eq3A_58 = arith.cmpi eq, %jit3A_56, %eq3A_57 : i32
      %jit3A_59 = arith.constant 1 : i32
      %select_n3A_60 = arith.select %eq3A_58, %jit3A_59, %jit3A_56 : i32
      %rem3A_61 = arith.remsi %scan3A_39, %select_n3A_60 : i32
      %ne3A_62 = arith.constant 0 : i32
      %ne3A_63 = arith.cmpi ne, %rem3A_61, %ne3A_62 : i32
      %lt3A = arith.constant 0 : i32
      %lt3A_64 = arith.cmpi slt, %rem3A_61, %lt3A : i32
      %lt3A_65 = arith.constant 0 : i32
      %lt3A_66 = arith.cmpi slt, %select_n3A_60, %lt3A_65 : i32
      %ne3A_67 = arith.xori %lt3A_64, %lt3A_66 : i1
      %and3A_68 = arith.andi %ne3A_67, %ne3A_63 : i1
      %add3A_69 = arith.addi %rem3A_61, %select_n3A_60 : i32
      %select_n3A_70 = arith.select %and3A_68, %add3A_69, %rem3A_61 : i32
      %mul3A_71 = arith.constant 16 : i32
      %mul3A_72 = arith.muli %select_n3A_70, %mul3A_71 : i32
      %swap3A = arith.index_cast %select_n3A : i32 to index
      %swap3A_73 = arith.index_cast %mul3A_72 : i32 to index
      %swap3A_74 = tpu.vector_load %arg9[%swap3A, %swap3A_73] {strides = array<i32>} : memref<208x128xf32, #tpu.memory_space<vmem>>, vector<1x16xf32>,
      %swap3A_75 = vector.shape_cast %swap3A_74 : vector<1x16xf32> to vector<16xf32>
      %swap3A_76 = vector.shape_cast %broadcast_in_dim3A_1 : vector<16xf32> to vector<1x16xf32>
      tpu.vector_store %arg9[%swap3A, %swap3A_73], %swap3A_76 {strides = array<i32>} : memref<208x128xf32, #tpu.memory_space<vmem>>, vector<1x16xf32>,
    }
    %scan3A_6 = arith.constant 1664 : i32
    %mul3A_7 = arith.constant 624 : i32
    %mul3A_8 = arith.muli %arg1, %mul3A_7 : i32
    %add3A_9 = arith.constant 0 : i32
    %add3A_10 = arith.addi %mul3A_8, %add3A_9 : i32
    "tpu.region"() ({
      %run_scoped3A = tpu.sem_alloc : memref<!tpu.dma_semaphore, #tpu.memory_space<semaphore_mem>>
      %dma_start3A = arith.constant 0 : i32
      %dma_start3A_39 = tpu.memref_slice %arg10[%add3A_10, %dma_start3A] : memref<10000x128xf32, #tpu.memory_space<vmem_shared>> -> memref<208x128xf32, #tpu.memory_space<vmem_shared>>
      %dma_start3A_40 = arith.constant 0 : i32
      %dma_start3A_41 = tpu.memref_slice %arg10[%add3A_10, %dma_start3A_40] : memref<10000x128xf32, #tpu.memory_space<vmem_shared>> -> memref<208x128xf32, #tpu.memory_space<vmem_shared>>
      tpu.enqueue_dma source(%arg9 : memref<208x128xf32, #tpu.memory_space<vmem>>) target(%dma_start3A_41 : memref<208x128xf32, #tpu.memory_space<vmem_shared>>) target_semaphore(%run_scoped3A : memref<!tpu.dma_semaphore, #tpu.memory_space<semaphore_mem>>)
      %dma_wait3A = arith.constant 0 : i32
      %dma_wait3A_42 = tpu.memref_slice %arg10[%add3A_10, %dma_wait3A] : memref<10000x128xf32, #tpu.memory_space<vmem_shared>> -> memref<208x128xf32, #tpu.memory_space<vmem_shared>>
      %dma_wait3A_43 = arith.constant 0 : i32
      %dma_wait3A_44 = tpu.memref_slice %arg10[%add3A_10, %dma_wait3A_43] : memref<10000x128xf32, #tpu.memory_space<vmem_shared>> -> memref<208x128xf32, #tpu.memory_space<vmem_shared>>
      tpu.wait_dma2 semaphore(%run_scoped3A : memref<!tpu.dma_semaphore, #tpu.memory_space<semaphore_mem>>) src(%arg9 : memref<208x128xf32, #tpu.memory_space<vmem>>) dst(%dma_wait3A_44 : memref<208x128xf32, #tpu.memory_space<vmem_shared>>)
      tpu.yield
    }) : () -> ()
    %mul3A_11 = arith.constant 624 : i32
    %mul3A_12 = arith.muli %arg1, %mul3A_11 : i32
    %add3A_13 = arith.constant 208 : i32
    %add3A_14 = arith.addi %mul3A_12, %add3A_13 : i32
    "tpu.region"() ({
      %run_scoped3A = tpu.sem_alloc : memref<!tpu.dma_semaphore, #tpu.memory_space<semaphore_mem>>
      %dma_start3A = arith.constant 0 : i32
      %dma_start3A_39 = tpu.memref_slice %arg10[%add3A_14, %dma_start3A] : memref<10000x128xf32, #tpu.memory_space<vmem_shared>> -> memref<208x128xf32, #tpu.memory_space<vmem_shared>>
      %dma_start3A_40 = arith.constant 0 : i32
      %dma_start3A_41 = tpu.memref_slice %arg10[%add3A_14, %dma_start3A_40] : memref<10000x128xf32, #tpu.memory_space<vmem_shared>> -> memref<208x128xf32, #tpu.memory_space<vmem_shared>>
      tpu.enqueue_dma source(%arg9 : memref<208x128xf32, #tpu.memory_space<vmem>>) target(%dma_start3A_41 : memref<208x128xf32, #tpu.memory_space<vmem_shared>>) target_semaphore(%run_scoped3A : memref<!tpu.dma_semaphore, #tpu.memory_space<semaphore_mem>>)
      %dma_wait3A = arith.constant 0 : i32
      %dma_wait3A_42 = tpu.memref_slice %arg10[%add3A_14, %dma_wait3A] : memref<10000x128xf32, #tpu.memory_space<vmem_shared>> -> memref<208x128xf32, #tpu.memory_space<vmem_shared>>
      %dma_wait3A_43 = arith.constant 0 : i32
      %dma_wait3A_44 = tpu.memref_slice %arg10[%add3A_14, %dma_wait3A_43] : memref<10000x128xf32, #tpu.memory_space<vmem_shared>> -> memref<208x128xf32, #tpu.memory_space<vmem_shared>>
      tpu.wait_dma2 semaphore(%run_scoped3A : memref<!tpu.dma_semaphore, #tpu.memory_space<semaphore_mem>>) src(%arg9 : memref<208x128xf32, #tpu.memory_space<vmem>>) dst(%dma_wait3A_44 : memref<208x128xf32, #tpu.memory_space<vmem_shared>>)
      tpu.yield
    }) : () -> ()
    %mul3A_15 = arith.constant 624 : i32
    %mul3A_16 = arith.muli %arg1, %mul3A_15 : i32
    %add3A_17 = arith.constant 416 : i32
    %add3A_18 = arith.addi %mul3A_16, %add3A_17 : i32
    "tpu.region"() ({
      %run_scoped3A = tpu.sem_alloc : memref<!tpu.dma_semaphore, #tpu.memory_space<semaphore_mem>>
      %dma_start3A = arith.constant 0 : i32
      %dma_start3A_39 = tpu.memref_slice %arg10[%add3A_18, %dma_start3A] : memref<10000x128xf32, #tpu.memory_space<vmem_shared>> -> memref<208x128xf32, #tpu.memory_space<vmem_shared>>
      %dma_start3A_40 = arith.constant 0 : i32
      %dma_start3A_41 = tpu.memref_slice %arg10[%add3A_18, %dma_start3A_40] : memref<10000x128xf32, #tpu.memory_space<vmem_shared>> -> memref<208x128xf32, #tpu.memory_space<vmem_shared>>
      tpu.enqueue_dma source(%arg9 : memref<208x128xf32, #tpu.memory_space<vmem>>) target(%dma_start3A_41 : memref<208x128xf32, #tpu.memory_space<vmem_shared>>) target_semaphore(%run_scoped3A : memref<!tpu.dma_semaphore, #tpu.memory_space<semaphore_mem>>)
      %dma_wait3A = arith.constant 0 : i32
      %dma_wait3A_42 = tpu.memref_slice %arg10[%add3A_18, %dma_wait3A] : memref<10000x128xf32, #tpu.memory_space<vmem_shared>> -> memref<208x128xf32, #tpu.memory_space<vmem_shared>>
      %dma_wait3A_43 = arith.constant 0 : i32
      %dma_wait3A_44 = tpu.memref_slice %arg10[%add3A_18, %dma_wait3A_43] : memref<10000x128xf32, #tpu.memory_space<vmem_shared>> -> memref<208x128xf32, #tpu.memory_space<vmem_shared>>
      tpu.wait_dma2 semaphore(%run_scoped3A : memref<!tpu.dma_semaphore, #tpu.memory_space<semaphore_mem>>) src(%arg9 : memref<208x128xf32, #tpu.memory_space<vmem>>) dst(%dma_wait3A_44 : memref<208x128xf32, #tpu.memory_space<vmem_shared>>)
      tpu.yield
    }) : () -> ()
    %eq3A = arith.constant 15 : i32
    %eq3A_19 = arith.cmpi eq, %arg1, %eq3A : i32
    %convert_element_type3A = arith.extui %eq3A_19 : i1 to i32
    %cond3A = arith.constant 0 : i32
    %cond3A_20 = arith.cmpi ne, %convert_element_type3A, %cond3A : i32
    scf.if %cond3A_20 {
      "tpu.region"() ({
        %run_scoped3A = tpu.sem_alloc : memref<!tpu.dma_semaphore, #tpu.memory_space<semaphore_mem>>
        %dma_start3A = arith.constant 0 : i32
        %dma_start3A_39 = arith.constant 0 : i32
        %dma_start3A_40 = tpu.memref_slice %arg9[%dma_start3A, %dma_start3A_39] : memref<208x128xf32, #tpu.memory_space<vmem>> -> memref<16x128xf32, #tpu.memory_space<vmem>>
        %dma_start3A_41 = arith.constant 9984 : i32
        %dma_start3A_42 = arith.constant 0 : i32
        %dma_start3A_43 = tpu.memref_slice %arg10[%dma_start3A_41, %dma_start3A_42] : memref<10000x128xf32, #tpu.memory_space<vmem_shared>> -> memref<16x128xf32, #tpu.memory_space<vmem_shared>>
        %dma_start3A_44 = arith.constant 9984 : i32
        %dma_start3A_45 = arith.constant 0 : i32
        %dma_start3A_46 = tpu.memref_slice %arg10[%dma_start3A_44, %dma_start3A_45] : memref<10000x128xf32, #tpu.memory_space<vmem_shared>> -> memref<16x128xf32, #tpu.memory_space<vmem_shared>>
        %dma_start3A_47 = arith.constant 0 : i32
        %dma_start3A_48 = arith.constant 0 : i32
        %dma_start3A_49 = tpu.memref_slice %arg9[%dma_start3A_47, %dma_start3A_48] : memref<208x128xf32, #tpu.memory_space<vmem>> -> memref<16x128xf32, #tpu.memory_space<vmem>>
        tpu.enqueue_dma source(%dma_start3A_49 : memref<16x128xf32, #tpu.memory_space<vmem>>) target(%dma_start3A_46 : memref<16x128xf32, #tpu.memory_space<vmem_shared>>) target_semaphore(%run_scoped3A : memref<!tpu.dma_semaphore, #tpu.memory_space<semaphore_mem>>)
        %dma_wait3A = arith.constant 0 : i32
        %dma_wait3A_50 = arith.constant 0 : i32
        %dma_wait3A_51 = tpu.memref_slice %arg9[%dma_wait3A, %dma_wait3A_50] : memref<208x128xf32, #tpu.memory_space<vmem>> -> memref<16x128xf32, #tpu.memory_space<vmem>>
        %dma_wait3A_52 = arith.constant 9984 : i32
        %dma_wait3A_53 = arith.constant 0 : i32
        %dma_wait3A_54 = tpu.memref_slice %arg10[%dma_wait3A_52, %dma_wait3A_53] : memref<10000x128xf32, #tpu.memory_space<vmem_shared>> -> memref<16x128xf32, #tpu.memory_space<vmem_shared>>
        %dma_wait3A_55 = arith.constant 9984 : i32
        %dma_wait3A_56 = arith.constant 0 : i32
        %dma_wait3A_57 = tpu.memref_slice %arg10[%dma_wait3A_55, %dma_wait3A_56] : memref<10000x128xf32, #tpu.memory_space<vmem_shared>> -> memref<16x128xf32, #tpu.memory_space<vmem_shared>>
        %dma_wait3A_58 = arith.constant 0 : i32
        %dma_wait3A_59 = arith.constant 0 : i32
        %dma_wait3A_60 = tpu.memref_slice %arg9[%dma_wait3A_58, %dma_wait3A_59] : memref<208x128xf32, #tpu.memory_space<vmem>> -> memref<16x128xf32, #tpu.memory_space<vmem>>
        tpu.wait_dma2 semaphore(%run_scoped3A : memref<!tpu.dma_semaphore, #tpu.memory_space<semaphore_mem>>) src(%dma_wait3A_60 : memref<16x128xf32, #tpu.memory_space<vmem>>) dst(%dma_wait3A_57 : memref<16x128xf32, #tpu.memory_space<vmem_shared>>)
        tpu.yield
      }) : () -> ()
    } else {
    }
    %barrier3A = arith.constant 0 : index
    tpu.barrier barrier_id(%barrier3A)
    %mul3A_21 = arith.constant 10000 : i32
    %mul3A_22 = arith.muli %add3A, %mul3A_21 : i32
    %scan3A_23 = arith.constant 0 : i32
    %scan3A_24 = arith.constant 0 : i32
    %scan3A_25 = arith.constant 125 : i32
    %scan3A_26 = arith.addi %scan3A_24, %scan3A_25 : i32
    %scan3A_27 = arith.constant 1 : i32
    scf.for %scan3A_39 = %scan3A_24 to %scan3A_26 step %scan3A_27  : i32 {
      %mul3A_40 = arith.constant 80 : i32
      %mul3A_41 = arith.muli %scan3A_39, %mul3A_40 : i32
      %add3A_42 = arith.addi %mul3A_22, %mul3A_41 : i32
      "tpu.region"() ({
        %run_scoped3A = tpu.sem_alloc : memref<!tpu.dma_semaphore, #tpu.memory_space<semaphore_mem>>
        %dma_start3A_47 = tpu.memref_slice %arg3[%add3A_42] : memref<320000xi32, #tpu.memory_space<hbm>> -> memref<80xi32, #tpu.memory_space<hbm>>
        %dma_start3A_48 = tpu.memref_slice %arg3[%add3A_42] : memref<320000xi32, #tpu.memory_space<hbm>> -> memref<80xi32, #tpu.memory_space<hbm>>
        tpu.enqueue_dma source(%dma_start3A_48 : memref<80xi32, #tpu.memory_space<hbm>>) target(%arg6 : memref<80xi32, #tpu.memory_space<vmem>>) target_semaphore(%run_scoped3A : memref<!tpu.dma_semaphore, #tpu.memory_space<semaphore_mem>>)
        %dma_wait3A_49 = tpu.memref_slice %arg3[%add3A_42] : memref<320000xi32, #tpu.memory_space<hbm>> -> memref<80xi32, #tpu.memory_space<hbm>>
        %dma_wait3A_50 = tpu.memref_slice %arg3[%add3A_42] : memref<320000xi32, #tpu.memory_space<hbm>> -> memref<80xi32, #tpu.memory_space<hbm>>
        tpu.wait_dma2 semaphore(%run_scoped3A : memref<!tpu.dma_semaphore, #tpu.memory_space<semaphore_mem>>) src(%dma_wait3A_50 : memref<80xi32, #tpu.memory_space<hbm>>) dst(%arg6 : memref<80xi32, #tpu.memory_space<vmem>>)
        tpu.yield
      }) : () -> ()
      "tpu.region"() ({
        %run_scoped3A = tpu.sem_alloc : memref<!tpu.dma_semaphore, #tpu.memory_space<semaphore_mem>>
        %dma_start3A_47 = tpu.memref_slice %arg4[%add3A_42] : memref<320000xi32, #tpu.memory_space<hbm>> -> memref<80xi32, #tpu.memory_space<hbm>>
        %dma_start3A_48 = tpu.memref_slice %arg4[%add3A_42] : memref<320000xi32, #tpu.memory_space<hbm>> -> memref<80xi32, #tpu.memory_space<hbm>>
        tpu.enqueue_dma source(%dma_start3A_48 : memref<80xi32, #tpu.memory_space<hbm>>) target(%arg7 : memref<80xi32, #tpu.memory_space<vmem>>) target_semaphore(%run_scoped3A : memref<!tpu.dma_semaphore, #tpu.memory_space<semaphore_mem>>)
        %dma_wait3A_49 = tpu.memref_slice %arg4[%add3A_42] : memref<320000xi32, #tpu.memory_space<hbm>> -> memref<80xi32, #tpu.memory_space<hbm>>
        %dma_wait3A_50 = tpu.memref_slice %arg4[%add3A_42] : memref<320000xi32, #tpu.memory_space<hbm>> -> memref<80xi32, #tpu.memory_space<hbm>>
        tpu.wait_dma2 semaphore(%run_scoped3A : memref<!tpu.dma_semaphore, #tpu.memory_space<semaphore_mem>>) src(%dma_wait3A_50 : memref<80xi32, #tpu.memory_space<hbm>>) dst(%arg7 : memref<80xi32, #tpu.memory_space<vmem>>)
        tpu.yield
      }) : () -> ()
      %dma_start3A = arith.constant 0 : i32
      %dma_start3A_43 = arith.constant 0 : i32
      %dma_start3A_44 = tpu.memref_slice %arg2[%dma_start3A, %dma_start3A_43] : memref<10000x128xf32, #tpu.memory_space<hbm>> -> memref<10000x128xf32, #tpu.memory_space<hbm>>
      tpu.enqueue_indirect_dma source(%dma_start3A_44 : memref<10000x128xf32, #tpu.memory_space<hbm>>) target(%arg8 : memref<80x128xf32, #tpu.memory_space<vmem>>) offsets(%arg6 : memref<80xi32, #tpu.memory_space<vmem>>) semaphore(%arg11 : memref<!tpu.dma_semaphore, #tpu.memory_space<semaphore_mem>>)
      %dma_wait3A = arith.constant 0 : i32
      %dma_wait3A_45 = arith.constant 0 : i32
      %dma_wait3A_46 = tpu.memref_slice %arg2[%dma_wait3A, %dma_wait3A_45] : memref<10000x128xf32, #tpu.memory_space<hbm>> -> memref<10000x128xf32, #tpu.memory_space<hbm>>
      tpu.wait_indirect_dma semaphore(%arg11 : memref<!tpu.dma_semaphore, #tpu.memory_space<semaphore_mem>>) src(%dma_wait3A_46 : memref<10000x128xf32, #tpu.memory_space<hbm>>) dst(%arg8 : memref<80x128xf32, #tpu.memory_space<vmem>>)
      "tpu.region"() ({
        %run_scoped3A = tpu.sem_alloc : memref<!tpu.dma_semaphore, #tpu.memory_space<semaphore_mem>>
        %dma_start3A_47 = arith.constant 0 : i32
        %dma_start3A_48 = arith.constant 0 : i32
        %dma_start3A_49 = tpu.memref_slice %arg10[%dma_start3A_47, %dma_start3A_48] : memref<10000x128xf32, #tpu.memory_space<vmem_shared>> -> memref<10000x128xf32, #tpu.memory_space<vmem_shared>>
        tpu.enqueue_indirect_dma source(%arg8 : memref<80x128xf32, #tpu.memory_space<vmem>>) target(%dma_start3A_49 : memref<10000x128xf32, #tpu.memory_space<vmem_shared>>) offsets(%arg7 : memref<80xi32, #tpu.memory_space<vmem>>) semaphore(%run_scoped3A : memref<!tpu.dma_semaphore, #tpu.memory_space<semaphore_mem>>) {add = true}
        %dma_wait3A_50 = arith.constant 0 : i32
        %dma_wait3A_51 = arith.constant 0 : i32
        %dma_wait3A_52 = tpu.memref_slice %arg10[%dma_wait3A_50, %dma_wait3A_51] : memref<10000x128xf32, #tpu.memory_space<vmem_shared>> -> memref<10000x128xf32, #tpu.memory_space<vmem_shared>>
        tpu.wait_indirect_dma semaphore(%run_scoped3A : memref<!tpu.dma_semaphore, #tpu.memory_space<semaphore_mem>>) src(%arg8 : memref<80x128xf32, #tpu.memory_space<vmem>>) dst(%dma_wait3A_52 : memref<10000x128xf32, #tpu.memory_space<vmem_shared>>)
        tpu.yield
      }) : () -> ()
    }
    %scan3A_28 = arith.constant 125 : i32
    %barrier3A_29 = arith.constant 0 : index
    tpu.barrier barrier_id(%barrier3A_29)
    %mul3A_30 = arith.constant 624 : i32
    %mul3A_31 = arith.muli %arg1, %mul3A_30 : i32
    %mul3A_32 = arith.constant 624 : i32
    %mul3A_33 = arith.muli %arg1, %mul3A_32 : i32
    "tpu.region"() ({
      %run_scoped3A = tpu.sem_alloc : memref<!tpu.dma_semaphore, #tpu.memory_space<semaphore_mem>>
      %dma_start3A = arith.constant 0 : i32
      %dma_start3A_39 = tpu.memref_slice %arg5[%arg0, %mul3A_33, %dma_start3A] : memref<2x10000x128xf32, #tpu.memory_space<hbm>> -> memref<1x624x128xf32, #tpu.memory_space<hbm>>
      %dma_start3A_40 = tpu.memref_squeeze %dma_start3A_39 : memref<1x624x128xf32, #tpu.memory_space<hbm>> -> memref<624x128xf32, #tpu.memory_space<hbm>>
      %dma_start3A_41 = arith.constant 0 : i32
      %dma_start3A_42 = tpu.memref_slice %arg10[%mul3A_31, %dma_start3A_41] : memref<10000x128xf32, #tpu.memory_space<vmem_shared>> -> memref<624x128xf32, #tpu.memory_space<vmem_shared>>
      tpu.enqueue_dma source(%dma_start3A_42 : memref<624x128xf32, #tpu.memory_space<vmem_shared>>) target(%dma_start3A_40 : memref<624x128xf32, #tpu.memory_space<hbm>>) target_semaphore(%run_scoped3A : memref<!tpu.dma_semaphore, #tpu.memory_space<semaphore_mem>>)
      %dma_wait3A = arith.constant 0 : i32
      %dma_wait3A_43 = tpu.memref_slice %arg5[%arg0, %mul3A_33, %dma_wait3A] : memref<2x10000x128xf32, #tpu.memory_space<hbm>> -> memref<1x624x128xf32, #tpu.memory_space<hbm>>
      %dma_wait3A_44 = tpu.memref_squeeze %dma_wait3A_43 : memref<1x624x128xf32, #tpu.memory_space<hbm>> -> memref<624x128xf32, #tpu.memory_space<hbm>>
      %dma_wait3A_45 = arith.constant 0 : i32
      %dma_wait3A_46 = tpu.memref_slice %arg10[%mul3A_31, %dma_wait3A_45] : memref<10000x128xf32, #tpu.memory_space<vmem_shared>> -> memref<624x128xf32, #tpu.memory_space<vmem_shared>>
      tpu.wait_dma2 semaphore(%run_scoped3A : memref<!tpu.dma_semaphore, #tpu.memory_space<semaphore_mem>>) src(%dma_wait3A_46 : memref<624x128xf32, #tpu.memory_space<vmem_shared>>) dst(%dma_wait3A_44 : memref<624x128xf32, #tpu.memory_space<hbm>>)
      tpu.yield
    }) : () -> ()
    %eq3A_34 = arith.constant 15 : i32
    %eq3A_35 = arith.cmpi eq, %arg1, %eq3A_34 : i32
    %convert_element_type3A_36 = arith.extui %eq3A_35 : i1 to i32
    %cond3A_37 = arith.constant 0 : i32
    %cond3A_38 = arith.cmpi ne, %convert_element_type3A_36, %cond3A_37 : i32
    scf.if %cond3A_38 {
      "tpu.region"() ({
        %run_scoped3A = tpu.sem_alloc : memref<!tpu.dma_semaphore, #tpu.memory_space<semaphore_mem>>
        %dma_start3A = arith.constant 9984 : i32
        %dma_start3A_39 = arith.constant 0 : i32
        %dma_start3A_40 = tpu.memref_slice %arg5[%arg0, %dma_start3A, %dma_start3A_39] : memref<2x10000x128xf32, #tpu.memory_space<hbm>> -> memref<1x16x128xf32, #tpu.memory_space<hbm>>
        %dma_start3A_41 = tpu.memref_squeeze %dma_start3A_40 : memref<1x16x128xf32, #tpu.memory_space<hbm>> -> memref<16x128xf32, #tpu.memory_space<hbm>>
        %dma_start3A_42 = arith.constant 9984 : i32
        %dma_start3A_43 = arith.constant 0 : i32
        %dma_start3A_44 = tpu.memref_slice %arg10[%dma_start3A_42, %dma_start3A_43] : memref<10000x128xf32, #tpu.memory_space<vmem_shared>> -> memref<16x128xf32, #tpu.memory_space<vmem_shared>>
        tpu.enqueue_dma source(%dma_start3A_44 : memref<16x128xf32, #tpu.memory_space<vmem_shared>>) target(%dma_start3A_41 : memref<16x128xf32, #tpu.memory_space<hbm>>) target_semaphore(%run_scoped3A : memref<!tpu.dma_semaphore, #tpu.memory_space<semaphore_mem>>)
        %dma_wait3A = arith.constant 9984 : i32
        %dma_wait3A_45 = arith.constant 0 : i32
        %dma_wait3A_46 = tpu.memref_slice %arg5[%arg0, %dma_wait3A, %dma_wait3A_45] : memref<2x10000x128xf32, #tpu.memory_space<hbm>> -> memref<1x16x128xf32, #tpu.memory_space<hbm>>
        %dma_wait3A_47 = tpu.memref_squeeze %dma_wait3A_46 : memref<1x16x128xf32, #tpu.memory_space<hbm>> -> memref<16x128xf32, #tpu.memory_space<hbm>>
        %dma_wait3A_48 = arith.constant 9984 : i32
        %dma_wait3A_49 = arith.constant 0 : i32
        %dma_wait3A_50 = tpu.memref_slice %arg10[%dma_wait3A_48, %dma_wait3A_49] : memref<10000x128xf32, #tpu.memory_space<vmem_shared>> -> memref<16x128xf32, #tpu.memory_space<vmem_shared>>
        tpu.wait_dma2 semaphore(%run_scoped3A : memref<!tpu.dma_semaphore, #tpu.memory_space<semaphore_mem>>) src(%dma_wait3A_50 : memref<16x128xf32, #tpu.memory_space<vmem_shared>>) dst(%dma_wait3A_47 : memref<16x128xf32, #tpu.memory_space<hbm>>)
        tpu.yield
      }) : () -> ()
    } else {
    }
    return
  }
}

#map = affine_map<(d0, d1) -> (0, 0)>
#map1 = affine_map<(d0, d1) -> (0)>
#map2 = affine_map<(d0, d1) -> (0, 0, 0)>
module attributes {stable_mosaic.version = 14 : i64} {
  func.func @_sc_agg(%arg0: i32, %arg1: i32, %arg2: memref<10000x128xf32, #tpu.memory_space<hbm>>, %arg3: memref<320000xi32, #tpu.memory_space<hbm>>, %arg4: memref<320000xi32, #tpu.memory_space<hbm>>, %arg5: memref<2x10000x128xf32, #tpu.memory_space<hbm>>, %arg6: memref<80xi32, #tpu.memory_space<vmem>>, %arg7: memref<80xi32, #tpu.memory_space<vmem>>, %arg8: memref<80x128xf32, #tpu.memory_space<vmem>>, %arg9: memref<208x128xf32, #tpu.memory_space<vmem>>, %arg10: memref<10000x128xf32, #tpu.memory_space<vmem_shared>>, %arg11: memref<!tpu.dma_semaphore, #tpu.memory_space<semaphore_mem>>) attributes {dimension_semantics = [#tpu.dimension_semantics<core_parallel>, #tpu.dimension_semantics<subcore_parallel>], iteration_bounds = array<i64: 2, 16>, scalar_prefetch = 0 : i64, scratch_operands = 6 : i64, tpu.core_type = #tpu.core_type<sc_vector_subcore>, window_params = [{transform_indices = #map}, {transform_indices = #map1}, {transform_indices = #map1}, {transform_indices = #map2}]} {
    %mul3A = arith.constant 2 : i32
    %mul3A_0 = arith.muli %arg1, %mul3A : i32
    %add3A = arith.addi %mul3A_0, %arg0 : i32
    %broadcast_in_dim3A = arith.constant 0.000000e+00 : f32
    %broadcast_in_dim3A_1 = vector.broadcast %broadcast_in_dim3A : f32 to vector<16xf32>
    %scan3A = arith.constant 0 : i32
    %scan3A_2 = arith.constant 0 : i32
    %scan3A_3 = arith.constant 1664 : i32
    %scan3A_4 = arith.addi %scan3A_2, %scan3A_3 : i32
    %scan3A_5 = arith.constant 1 : i32
    scf.for %scan3A_39 = %scan3A_2 to %scan3A_4 step %scan3A_5  : i32 {
      %jit3A = arith.constant 8 : i32
      %div3A = arith.divsi %scan3A_39, %jit3A : i32
      %sign3A = arith.constant 0 : i32
      %sign3A_40 = arith.cmpi sgt, %scan3A_39, %sign3A : i32
      %sign3A_41 = arith.extui %sign3A_40 : i1 to i32
      %sign3A_42 = arith.constant 0 : i32
      %sign3A_43 = arith.cmpi slt, %scan3A_39, %sign3A_42 : i32
      %sign3A_44 = arith.extui %sign3A_43 : i1 to i32
      %sign3A_45 = arith.subi %sign3A_41, %sign3A_44 : i32
      %sign3A_46 = arith.constant 0 : i32
      %sign3A_47 = arith.cmpi sgt, %jit3A, %sign3A_46 : i32
      %sign3A_48 = arith.extui %sign3A_47 : i1 to i32
      %sign3A_49 = arith.constant 0 : i32
      %sign3A_50 = arith.cmpi slt, %jit3A, %sign3A_49 : i32
      %sign3A_51 = arith.extui %sign3A_50 : i1 to i32
      %sign3A_52 = arith.subi %sign3A_48, %sign3A_51 : i32
      %ne3A = arith.cmpi ne, %sign3A_45, %sign3A_52 : i32
      %rem3A = arith.remsi %scan3A_39, %jit3A : i32
      %ne3A_53 = arith.constant 0 : i32
      %ne3A_54 = arith.cmpi ne, %rem3A, %ne3A_53 : i32
      %and3A = arith.andi %ne3A, %ne3A_54 : i1
      %sub3A = arith.constant 1 : i32
      %sub3A_55 = arith.subi %div3A, %sub3A : i32
      %select_n3A = arith.select %and3A, %sub3A_55, %div3A : i32
      %jit3A_56 = arith.constant 8 : i32
      %eq3A_57 = arith.constant 0 : i32
      %eq3A_58 = arith.cmpi eq, %jit3A_56, %eq3A_57 : i32
      %jit3A_59 = arith.constant 1 : i32
      %select_n3A_60 = arith.select %eq3A_58, %jit3A_59, %jit3A_56 : i32
      %rem3A_61 = arith.remsi %scan3A_39, %select_n3A_60 : i32
      %ne3A_62 = arith.constant 0 : i32
      %ne3A_63 = arith.cmpi ne, %rem3A_61, %ne3A_62 : i32
      %lt3A = arith.constant 0 : i32
      %lt3A_64 = arith.cmpi slt, %rem3A_61, %lt3A : i32
      %lt3A_65 = arith.constant 0 : i32
      %lt3A_66 = arith.cmpi slt, %select_n3A_60, %lt3A_65 : i32
      %ne3A_67 = arith.xori %lt3A_64, %lt3A_66 : i1
      %and3A_68 = arith.andi %ne3A_67, %ne3A_63 : i1
      %add3A_69 = arith.addi %rem3A_61, %select_n3A_60 : i32
      %select_n3A_70 = arith.select %and3A_68, %add3A_69, %rem3A_61 : i32
      %mul3A_71 = arith.constant 16 : i32
      %mul3A_72 = arith.muli %select_n3A_70, %mul3A_71 : i32
      %swap3A = arith.index_cast %select_n3A : i32 to index
      %swap3A_73 = arith.index_cast %mul3A_72 : i32 to index
      %swap3A_74 = tpu.vector_load %arg9[%swap3A, %swap3A_73] {strides = array<i32>} : memref<208x128xf32, #tpu.memory_space<vmem>>, vector<1x16xf32>,
      %swap3A_75 = vector.shape_cast %swap3A_74 : vector<1x16xf32> to vector<16xf32>
      %swap3A_76 = vector.shape_cast %broadcast_in_dim3A_1 : vector<16xf32> to vector<1x16xf32>
      tpu.vector_store %arg9[%swap3A, %swap3A_73], %swap3A_76 {strides = array<i32>} : memref<208x128xf32, #tpu.memory_space<vmem>>, vector<1x16xf32>,
    }
    %scan3A_6 = arith.constant 1664 : i32
    %mul3A_7 = arith.constant 624 : i32
    %mul3A_8 = arith.muli %arg1, %mul3A_7 : i32
    %add3A_9 = arith.constant 0 : i32
    %add3A_10 = arith.addi %mul3A_8, %add3A_9 : i32
    "tpu.region"() ({
      %run_scoped3A = tpu.sem_alloc : memref<!tpu.dma_semaphore, #tpu.memory_space<semaphore_mem>>
      %dma_start3A = arith.constant 0 : i32
      %dma_start3A_39 = tpu.memref_slice %arg10[%add3A_10, %dma_start3A] : memref<10000x128xf32, #tpu.memory_space<vmem_shared>> -> memref<208x128xf32, #tpu.memory_space<vmem_shared>>
      %dma_start3A_40 = arith.constant 0 : i32
      %dma_start3A_41 = tpu.memref_slice %arg10[%add3A_10, %dma_start3A_40] : memref<10000x128xf32, #tpu.memory_space<vmem_shared>> -> memref<208x128xf32, #tpu.memory_space<vmem_shared>>
      tpu.enqueue_dma source(%arg9 : memref<208x128xf32, #tpu.memory_space<vmem>>) target(%dma_start3A_41 : memref<208x128xf32, #tpu.memory_space<vmem_shared>>) target_semaphore(%run_scoped3A : memref<!tpu.dma_semaphore, #tpu.memory_space<semaphore_mem>>)
      %dma_wait3A = arith.constant 0 : i32
      %dma_wait3A_42 = tpu.memref_slice %arg10[%add3A_10, %dma_wait3A] : memref<10000x128xf32, #tpu.memory_space<vmem_shared>> -> memref<208x128xf32, #tpu.memory_space<vmem_shared>>
      %dma_wait3A_43 = arith.constant 0 : i32
      %dma_wait3A_44 = tpu.memref_slice %arg10[%add3A_10, %dma_wait3A_43] : memref<10000x128xf32, #tpu.memory_space<vmem_shared>> -> memref<208x128xf32, #tpu.memory_space<vmem_shared>>
      tpu.wait_dma2 semaphore(%run_scoped3A : memref<!tpu.dma_semaphore, #tpu.memory_space<semaphore_mem>>) src(%arg9 : memref<208x128xf32, #tpu.memory_space<vmem>>) dst(%dma_wait3A_44 : memref<208x128xf32, #tpu.memory_space<vmem_shared>>)
      tpu.yield
    }) : () -> ()
    %mul3A_11 = arith.constant 624 : i32
    %mul3A_12 = arith.muli %arg1, %mul3A_11 : i32
    %add3A_13 = arith.constant 208 : i32
    %add3A_14 = arith.addi %mul3A_12, %add3A_13 : i32
    "tpu.region"() ({
      %run_scoped3A = tpu.sem_alloc : memref<!tpu.dma_semaphore, #tpu.memory_space<semaphore_mem>>
      %dma_start3A = arith.constant 0 : i32
      %dma_start3A_39 = tpu.memref_slice %arg10[%add3A_14, %dma_start3A] : memref<10000x128xf32, #tpu.memory_space<vmem_shared>> -> memref<208x128xf32, #tpu.memory_space<vmem_shared>>
      %dma_start3A_40 = arith.constant 0 : i32
      %dma_start3A_41 = tpu.memref_slice %arg10[%add3A_14, %dma_start3A_40] : memref<10000x128xf32, #tpu.memory_space<vmem_shared>> -> memref<208x128xf32, #tpu.memory_space<vmem_shared>>
      tpu.enqueue_dma source(%arg9 : memref<208x128xf32, #tpu.memory_space<vmem>>) target(%dma_start3A_41 : memref<208x128xf32, #tpu.memory_space<vmem_shared>>) target_semaphore(%run_scoped3A : memref<!tpu.dma_semaphore, #tpu.memory_space<semaphore_mem>>)
      %dma_wait3A = arith.constant 0 : i32
      %dma_wait3A_42 = tpu.memref_slice %arg10[%add3A_14, %dma_wait3A] : memref<10000x128xf32, #tpu.memory_space<vmem_shared>> -> memref<208x128xf32, #tpu.memory_space<vmem_shared>>
      %dma_wait3A_43 = arith.constant 0 : i32
      %dma_wait3A_44 = tpu.memref_slice %arg10[%add3A_14, %dma_wait3A_43] : memref<10000x128xf32, #tpu.memory_space<vmem_shared>> -> memref<208x128xf32, #tpu.memory_space<vmem_shared>>
      tpu.wait_dma2 semaphore(%run_scoped3A : memref<!tpu.dma_semaphore, #tpu.memory_space<semaphore_mem>>) src(%arg9 : memref<208x128xf32, #tpu.memory_space<vmem>>) dst(%dma_wait3A_44 : memref<208x128xf32, #tpu.memory_space<vmem_shared>>)
      tpu.yield
    }) : () -> ()
    %mul3A_15 = arith.constant 624 : i32
    %mul3A_16 = arith.muli %arg1, %mul3A_15 : i32
    %add3A_17 = arith.constant 416 : i32
    %add3A_18 = arith.addi %mul3A_16, %add3A_17 : i32
    "tpu.region"() ({
      %run_scoped3A = tpu.sem_alloc : memref<!tpu.dma_semaphore, #tpu.memory_space<semaphore_mem>>
      %dma_start3A = arith.constant 0 : i32
      %dma_start3A_39 = tpu.memref_slice %arg10[%add3A_18, %dma_start3A] : memref<10000x128xf32, #tpu.memory_space<vmem_shared>> -> memref<208x128xf32, #tpu.memory_space<vmem_shared>>
      %dma_start3A_40 = arith.constant 0 : i32
      %dma_start3A_41 = tpu.memref_slice %arg10[%add3A_18, %dma_start3A_40] : memref<10000x128xf32, #tpu.memory_space<vmem_shared>> -> memref<208x128xf32, #tpu.memory_space<vmem_shared>>
      tpu.enqueue_dma source(%arg9 : memref<208x128xf32, #tpu.memory_space<vmem>>) target(%dma_start3A_41 : memref<208x128xf32, #tpu.memory_space<vmem_shared>>) target_semaphore(%run_scoped3A : memref<!tpu.dma_semaphore, #tpu.memory_space<semaphore_mem>>)
      %dma_wait3A = arith.constant 0 : i32
      %dma_wait3A_42 = tpu.memref_slice %arg10[%add3A_18, %dma_wait3A] : memref<10000x128xf32, #tpu.memory_space<vmem_shared>> -> memref<208x128xf32, #tpu.memory_space<vmem_shared>>
      %dma_wait3A_43 = arith.constant 0 : i32
      %dma_wait3A_44 = tpu.memref_slice %arg10[%add3A_18, %dma_wait3A_43] : memref<10000x128xf32, #tpu.memory_space<vmem_shared>> -> memref<208x128xf32, #tpu.memory_space<vmem_shared>>
      tpu.wait_dma2 semaphore(%run_scoped3A : memref<!tpu.dma_semaphore, #tpu.memory_space<semaphore_mem>>) src(%arg9 : memref<208x128xf32, #tpu.memory_space<vmem>>) dst(%dma_wait3A_44 : memref<208x128xf32, #tpu.memory_space<vmem_shared>>)
      tpu.yield
    }) : () -> ()
    %eq3A = arith.constant 15 : i32
    %eq3A_19 = arith.cmpi eq, %arg1, %eq3A : i32
    %convert_element_type3A = arith.extui %eq3A_19 : i1 to i32
    %cond3A = arith.constant 0 : i32
    %cond3A_20 = arith.cmpi ne, %convert_element_type3A, %cond3A : i32
    scf.if %cond3A_20 {
      "tpu.region"() ({
        %run_scoped3A = tpu.sem_alloc : memref<!tpu.dma_semaphore, #tpu.memory_space<semaphore_mem>>
        %dma_start3A = arith.constant 0 : i32
        %dma_start3A_39 = arith.constant 0 : i32
        %dma_start3A_40 = tpu.memref_slice %arg9[%dma_start3A, %dma_start3A_39] : memref<208x128xf32, #tpu.memory_space<vmem>> -> memref<16x128xf32, #tpu.memory_space<vmem>>
        %dma_start3A_41 = arith.constant 9984 : i32
        %dma_start3A_42 = arith.constant 0 : i32
        %dma_start3A_43 = tpu.memref_slice %arg10[%dma_start3A_41, %dma_start3A_42] : memref<10000x128xf32, #tpu.memory_space<vmem_shared>> -> memref<16x128xf32, #tpu.memory_space<vmem_shared>>
        %dma_start3A_44 = arith.constant 9984 : i32
        %dma_start3A_45 = arith.constant 0 : i32
        %dma_start3A_46 = tpu.memref_slice %arg10[%dma_start3A_44, %dma_start3A_45] : memref<10000x128xf32, #tpu.memory_space<vmem_shared>> -> memref<16x128xf32, #tpu.memory_space<vmem_shared>>
        %dma_start3A_47 = arith.constant 0 : i32
        %dma_start3A_48 = arith.constant 0 : i32
        %dma_start3A_49 = tpu.memref_slice %arg9[%dma_start3A_47, %dma_start3A_48] : memref<208x128xf32, #tpu.memory_space<vmem>> -> memref<16x128xf32, #tpu.memory_space<vmem>>
        tpu.enqueue_dma source(%dma_start3A_49 : memref<16x128xf32, #tpu.memory_space<vmem>>) target(%dma_start3A_46 : memref<16x128xf32, #tpu.memory_space<vmem_shared>>) target_semaphore(%run_scoped3A : memref<!tpu.dma_semaphore, #tpu.memory_space<semaphore_mem>>)
        %dma_wait3A = arith.constant 0 : i32
        %dma_wait3A_50 = arith.constant 0 : i32
        %dma_wait3A_51 = tpu.memref_slice %arg9[%dma_wait3A, %dma_wait3A_50] : memref<208x128xf32, #tpu.memory_space<vmem>> -> memref<16x128xf32, #tpu.memory_space<vmem>>
        %dma_wait3A_52 = arith.constant 9984 : i32
        %dma_wait3A_53 = arith.constant 0 : i32
        %dma_wait3A_54 = tpu.memref_slice %arg10[%dma_wait3A_52, %dma_wait3A_53] : memref<10000x128xf32, #tpu.memory_space<vmem_shared>> -> memref<16x128xf32, #tpu.memory_space<vmem_shared>>
        %dma_wait3A_55 = arith.constant 9984 : i32
        %dma_wait3A_56 = arith.constant 0 : i32
        %dma_wait3A_57 = tpu.memref_slice %arg10[%dma_wait3A_55, %dma_wait3A_56] : memref<10000x128xf32, #tpu.memory_space<vmem_shared>> -> memref<16x128xf32, #tpu.memory_space<vmem_shared>>
        %dma_wait3A_58 = arith.constant 0 : i32
        %dma_wait3A_59 = arith.constant 0 : i32
        %dma_wait3A_60 = tpu.memref_slice %arg9[%dma_wait3A_58, %dma_wait3A_59] : memref<208x128xf32, #tpu.memory_space<vmem>> -> memref<16x128xf32, #tpu.memory_space<vmem>>
        tpu.wait_dma2 semaphore(%run_scoped3A : memref<!tpu.dma_semaphore, #tpu.memory_space<semaphore_mem>>) src(%dma_wait3A_60 : memref<16x128xf32, #tpu.memory_space<vmem>>) dst(%dma_wait3A_57 : memref<16x128xf32, #tpu.memory_space<vmem_shared>>)
        tpu.yield
      }) : () -> ()
    } else {
    }
    %barrier3A = arith.constant 0 : index
    tpu.barrier barrier_id(%barrier3A)
    %mul3A_21 = arith.constant 10000 : i32
    %mul3A_22 = arith.muli %add3A, %mul3A_21 : i32
    %scan3A_23 = arith.constant 0 : i32
    %scan3A_24 = arith.constant 0 : i32
    %scan3A_25 = arith.constant 125 : i32
    %scan3A_26 = arith.addi %scan3A_24, %scan3A_25 : i32
    %scan3A_27 = arith.constant 1 : i32
    scf.for %scan3A_39 = %scan3A_24 to %scan3A_26 step %scan3A_27  : i32 {
      %mul3A_40 = arith.constant 80 : i32
      %mul3A_41 = arith.muli %scan3A_39, %mul3A_40 : i32
      %add3A_42 = arith.addi %mul3A_22, %mul3A_41 : i32
      "tpu.region"() ({
        %run_scoped3A = tpu.sem_alloc : memref<!tpu.dma_semaphore, #tpu.memory_space<semaphore_mem>>
        %dma_start3A_47 = tpu.memref_slice %arg3[%add3A_42] : memref<320000xi32, #tpu.memory_space<hbm>> -> memref<80xi32, #tpu.memory_space<hbm>>
        %dma_start3A_48 = tpu.memref_slice %arg3[%add3A_42] : memref<320000xi32, #tpu.memory_space<hbm>> -> memref<80xi32, #tpu.memory_space<hbm>>
        tpu.enqueue_dma source(%dma_start3A_48 : memref<80xi32, #tpu.memory_space<hbm>>) target(%arg6 : memref<80xi32, #tpu.memory_space<vmem>>) target_semaphore(%run_scoped3A : memref<!tpu.dma_semaphore, #tpu.memory_space<semaphore_mem>>)
        %dma_wait3A_49 = tpu.memref_slice %arg3[%add3A_42] : memref<320000xi32, #tpu.memory_space<hbm>> -> memref<80xi32, #tpu.memory_space<hbm>>
        %dma_wait3A_50 = tpu.memref_slice %arg3[%add3A_42] : memref<320000xi32, #tpu.memory_space<hbm>> -> memref<80xi32, #tpu.memory_space<hbm>>
        tpu.wait_dma2 semaphore(%run_scoped3A : memref<!tpu.dma_semaphore, #tpu.memory_space<semaphore_mem>>) src(%dma_wait3A_50 : memref<80xi32, #tpu.memory_space<hbm>>) dst(%arg6 : memref<80xi32, #tpu.memory_space<vmem>>)
        tpu.yield
      }) : () -> ()
      "tpu.region"() ({
        %run_scoped3A = tpu.sem_alloc : memref<!tpu.dma_semaphore, #tpu.memory_space<semaphore_mem>>
        %dma_start3A_47 = tpu.memref_slice %arg4[%add3A_42] : memref<320000xi32, #tpu.memory_space<hbm>> -> memref<80xi32, #tpu.memory_space<hbm>>
        %dma_start3A_48 = tpu.memref_slice %arg4[%add3A_42] : memref<320000xi32, #tpu.memory_space<hbm>> -> memref<80xi32, #tpu.memory_space<hbm>>
        tpu.enqueue_dma source(%dma_start3A_48 : memref<80xi32, #tpu.memory_space<hbm>>) target(%arg7 : memref<80xi32, #tpu.memory_space<vmem>>) target_semaphore(%run_scoped3A : memref<!tpu.dma_semaphore, #tpu.memory_space<semaphore_mem>>)
        %dma_wait3A_49 = tpu.memref_slice %arg4[%add3A_42] : memref<320000xi32, #tpu.memory_space<hbm>> -> memref<80xi32, #tpu.memory_space<hbm>>
        %dma_wait3A_50 = tpu.memref_slice %arg4[%add3A_42] : memref<320000xi32, #tpu.memory_space<hbm>> -> memref<80xi32, #tpu.memory_space<hbm>>
        tpu.wait_dma2 semaphore(%run_scoped3A : memref<!tpu.dma_semaphore, #tpu.memory_space<semaphore_mem>>) src(%dma_wait3A_50 : memref<80xi32, #tpu.memory_space<hbm>>) dst(%arg7 : memref<80xi32, #tpu.memory_space<vmem>>)
        tpu.yield
      }) : () -> ()
      %dma_start3A = arith.constant 0 : i32
      %dma_start3A_43 = arith.constant 0 : i32
      %dma_start3A_44 = tpu.memref_slice %arg2[%dma_start3A, %dma_start3A_43] : memref<10000x128xf32, #tpu.memory_space<hbm>> -> memref<10000x128xf32, #tpu.memory_space<hbm>>
      tpu.enqueue_indirect_dma source(%dma_start3A_44 : memref<10000x128xf32, #tpu.memory_space<hbm>>) target(%arg8 : memref<80x128xf32, #tpu.memory_space<vmem>>) offsets(%arg6 : memref<80xi32, #tpu.memory_space<vmem>>) semaphore(%arg11 : memref<!tpu.dma_semaphore, #tpu.memory_space<semaphore_mem>>)
      %dma_wait3A = arith.constant 0 : i32
      %dma_wait3A_45 = arith.constant 0 : i32
      %dma_wait3A_46 = tpu.memref_slice %arg2[%dma_wait3A, %dma_wait3A_45] : memref<10000x128xf32, #tpu.memory_space<hbm>> -> memref<10000x128xf32, #tpu.memory_space<hbm>>
      tpu.wait_indirect_dma semaphore(%arg11 : memref<!tpu.dma_semaphore, #tpu.memory_space<semaphore_mem>>) src(%dma_wait3A_46 : memref<10000x128xf32, #tpu.memory_space<hbm>>) dst(%arg8 : memref<80x128xf32, #tpu.memory_space<vmem>>)
      "tpu.region"() ({
        %run_scoped3A = tpu.sem_alloc : memref<!tpu.dma_semaphore, #tpu.memory_space<semaphore_mem>>
        %dma_start3A_47 = arith.constant 0 : i32
        %dma_start3A_48 = arith.constant 0 : i32
        %dma_start3A_49 = tpu.memref_slice %arg10[%dma_start3A_47, %dma_start3A_48] : memref<10000x128xf32, #tpu.memory_space<vmem_shared>> -> memref<10000x128xf32, #tpu.memory_space<vmem_shared>>
        tpu.enqueue_indirect_dma source(%arg8 : memref<80x128xf32, #tpu.memory_space<vmem>>) target(%dma_start3A_49 : memref<10000x128xf32, #tpu.memory_space<vmem_shared>>) offsets(%arg7 : memref<80xi32, #tpu.memory_space<vmem>>) semaphore(%run_scoped3A : memref<!tpu.dma_semaphore, #tpu.memory_space<semaphore_mem>>) {add = true}
        %dma_wait3A_50 = arith.constant 0 : i32
        %dma_wait3A_51 = arith.constant 0 : i32
        %dma_wait3A_52 = tpu.memref_slice %arg10[%dma_wait3A_50, %dma_wait3A_51] : memref<10000x128xf32, #tpu.memory_space<vmem_shared>> -> memref<10000x128xf32, #tpu.memory_space<vmem_shared>>
        tpu.wait_indirect_dma semaphore(%run_scoped3A : memref<!tpu.dma_semaphore, #tpu.memory_space<semaphore_mem>>) src(%arg8 : memref<80x128xf32, #tpu.memory_space<vmem>>) dst(%dma_wait3A_52 : memref<10000x128xf32, #tpu.memory_space<vmem_shared>>)
        tpu.yield
      }) : () -> ()
    }
    %scan3A_28 = arith.constant 125 : i32
    %barrier3A_29 = arith.constant 0 : index
    tpu.barrier barrier_id(%barrier3A_29)
    %mul3A_30 = arith.constant 624 : i32
    %mul3A_31 = arith.muli %arg1, %mul3A_30 : i32
    %mul3A_32 = arith.constant 624 : i32
    %mul3A_33 = arith.muli %arg1, %mul3A_32 : i32
    "tpu.region"() ({
      %run_scoped3A = tpu.sem_alloc : memref<!tpu.dma_semaphore, #tpu.memory_space<semaphore_mem>>
      %dma_start3A = arith.constant 0 : i32
      %dma_start3A_39 = tpu.memref_slice %arg5[%arg0, %mul3A_33, %dma_start3A] : memref<2x10000x128xf32, #tpu.memory_space<hbm>> -> memref<1x624x128xf32, #tpu.memory_space<hbm>>
      %dma_start3A_40 = tpu.memref_squeeze %dma_start3A_39 : memref<1x624x128xf32, #tpu.memory_space<hbm>> -> memref<624x128xf32, #tpu.memory_space<hbm>>
      %dma_start3A_41 = arith.constant 0 : i32
      %dma_start3A_42 = tpu.memref_slice %arg10[%mul3A_31, %dma_start3A_41] : memref<10000x128xf32, #tpu.memory_space<vmem_shared>> -> memref<624x128xf32, #tpu.memory_space<vmem_shared>>
      tpu.enqueue_dma source(%dma_start3A_42 : memref<624x128xf32, #tpu.memory_space<vmem_shared>>) target(%dma_start3A_40 : memref<624x128xf32, #tpu.memory_space<hbm>>) target_semaphore(%run_scoped3A : memref<!tpu.dma_semaphore, #tpu.memory_space<semaphore_mem>>)
      %dma_wait3A = arith.constant 0 : i32
      %dma_wait3A_43 = tpu.memref_slice %arg5[%arg0, %mul3A_33, %dma_wait3A] : memref<2x10000x128xf32, #tpu.memory_space<hbm>> -> memref<1x624x128xf32, #tpu.memory_space<hbm>>
      %dma_wait3A_44 = tpu.memref_squeeze %dma_wait3A_43 : memref<1x624x128xf32, #tpu.memory_space<hbm>> -> memref<624x128xf32, #tpu.memory_space<hbm>>
      %dma_wait3A_45 = arith.constant 0 : i32
      %dma_wait3A_46 = tpu.memref_slice %arg10[%mul3A_31, %dma_wait3A_45] : memref<10000x128xf32, #tpu.memory_space<vmem_shared>> -> memref<624x128xf32, #tpu.memory_space<vmem_shared>>
      tpu.wait_dma2 semaphore(%run_scoped3A : memref<!tpu.dma_semaphore, #tpu.memory_space<semaphore_mem>>) src(%dma_wait3A_46 : memref<624x128xf32, #tpu.memory_space<vmem_shared>>) dst(%dma_wait3A_44 : memref<624x128xf32, #tpu.memory_space<hbm>>)
      tpu.yield
    }) : () -> ()
    %eq3A_34 = arith.constant 15 : i32
    %eq3A_35 = arith.cmpi eq, %arg1, %eq3A_34 : i32
    %convert_element_type3A_36 = arith.extui %eq3A_35 : i1 to i32
    %cond3A_37 = arith.constant 0 : i32
    %cond3A_38 = arith.cmpi ne, %convert_element_type3A_36, %cond3A_37 : i32
    scf.if %cond3A_38 {
      "tpu.region"() ({
        %run_scoped3A = tpu.sem_alloc : memref<!tpu.dma_semaphore, #tpu.memory_space<semaphore_mem>>
        %dma_start3A = arith.constant 9984 : i32
        %dma_start3A_39 = arith.constant 0 : i32
        %dma_start3A_40 = tpu.memref_slice %arg5[%arg0, %dma_start3A, %dma_start3A_39] : memref<2x10000x128xf32, #tpu.memory_space<hbm>> -> memref<1x16x128xf32, #tpu.memory_space<hbm>>
        %dma_start3A_41 = tpu.memref_squeeze %dma_start3A_40 : memref<1x16x128xf32, #tpu.memory_space<hbm>> -> memref<16x128xf32, #tpu.memory_space<hbm>>
        %dma_start3A_42 = arith.constant 9984 : i32
        %dma_start3A_43 = arith.constant 0 : i32
        %dma_start3A_44 = tpu.memref_slice %arg10[%dma_start3A_42, %dma_start3A_43] : memref<10000x128xf32, #tpu.memory_space<vmem_shared>> -> memref<16x128xf32, #tpu.memory_space<vmem_shared>>
        tpu.enqueue_dma source(%dma_start3A_44 : memref<16x128xf32, #tpu.memory_space<vmem_shared>>) target(%dma_start3A_41 : memref<16x128xf32, #tpu.memory_space<hbm>>) target_semaphore(%run_scoped3A : memref<!tpu.dma_semaphore, #tpu.memory_space<semaphore_mem>>)
        %dma_wait3A = arith.constant 9984 : i32
        %dma_wait3A_45 = arith.constant 0 : i32
        %dma_wait3A_46 = tpu.memref_slice %arg5[%arg0, %dma_wait3A, %dma_wait3A_45] : memref<2x10000x128xf32, #tpu.memory_space<hbm>> -> memref<1x16x128xf32, #tpu.memory_space<hbm>>
        %dma_wait3A_47 = tpu.memref_squeeze %dma_wait3A_46 : memref<1x16x128xf32, #tpu.memory_space<hbm>> -> memref<16x128xf32, #tpu.memory_space<hbm>>
        %dma_wait3A_48 = arith.constant 9984 : i32
        %dma_wait3A_49 = arith.constant 0 : i32
        %dma_wait3A_50 = tpu.memref_slice %arg10[%dma_wait3A_48, %dma_wait3A_49] : memref<10000x128xf32, #tpu.memory_space<vmem_shared>> -> memref<16x128xf32, #tpu.memory_space<vmem_shared>>
        tpu.wait_dma2 semaphore(%run_scoped3A : memref<!tpu.dma_semaphore, #tpu.memory_space<semaphore_mem>>) src(%dma_wait3A_50 : memref<16x128xf32, #tpu.memory_space<vmem_shared>>) dst(%dma_wait3A_47 : memref<16x128xf32, #tpu.memory_space<hbm>>)
        tpu.yield
      }) : () -> ()
    } else {
    }
    return
  }
}

#map = affine_map<(d0, d1) -> (0, 0)>
#map1 = affine_map<(d0, d1) -> (0)>
#map2 = affine_map<(d0, d1) -> (0, 0, 0)>
module attributes {stable_mosaic.version = 14 : i64} {
  func.func @_sc_agg(%arg0: i32, %arg1: i32, %arg2: memref<10000x128xf32, #tpu.memory_space<hbm>>, %arg3: memref<320000xi32, #tpu.memory_space<hbm>>, %arg4: memref<320000xi32, #tpu.memory_space<hbm>>, %arg5: memref<2x10000x128xf32, #tpu.memory_space<hbm>>, %arg6: memref<80xi32, #tpu.memory_space<vmem>>, %arg7: memref<80xi32, #tpu.memory_space<vmem>>, %arg8: memref<80x128xf32, #tpu.memory_space<vmem>>, %arg9: memref<208x128xf32, #tpu.memory_space<vmem>>, %arg10: memref<10000x128xf32, #tpu.memory_space<vmem_shared>>, %arg11: memref<!tpu.dma_semaphore, #tpu.memory_space<semaphore_mem>>) attributes {dimension_semantics = [#tpu.dimension_semantics<core_parallel>, #tpu.dimension_semantics<subcore_parallel>], iteration_bounds = array<i64: 2, 16>, scalar_prefetch = 0 : i64, scratch_operands = 6 : i64, tpu.core_type = #tpu.core_type<sc_vector_subcore>, window_params = [{transform_indices = #map}, {transform_indices = #map1}, {transform_indices = #map1}, {transform_indices = #map2}]} {
    %mul3A = arith.constant 2 : i32
    %mul3A_0 = arith.muli %arg1, %mul3A : i32
    %add3A = arith.addi %mul3A_0, %arg0 : i32
    %broadcast_in_dim3A = arith.constant 0.000000e+00 : f32
    %broadcast_in_dim3A_1 = vector.broadcast %broadcast_in_dim3A : f32 to vector<16xf32>
    %scan3A = arith.constant 0 : i32
    %scan3A_2 = arith.constant 0 : i32
    %scan3A_3 = arith.constant 1664 : i32
    %scan3A_4 = arith.addi %scan3A_2, %scan3A_3 : i32
    %scan3A_5 = arith.constant 1 : i32
    scf.for %scan3A_39 = %scan3A_2 to %scan3A_4 step %scan3A_5  : i32 {
      %jit3A = arith.constant 8 : i32
      %div3A = arith.divsi %scan3A_39, %jit3A : i32
      %sign3A = arith.constant 0 : i32
      %sign3A_40 = arith.cmpi sgt, %scan3A_39, %sign3A : i32
      %sign3A_41 = arith.extui %sign3A_40 : i1 to i32
      %sign3A_42 = arith.constant 0 : i32
      %sign3A_43 = arith.cmpi slt, %scan3A_39, %sign3A_42 : i32
      %sign3A_44 = arith.extui %sign3A_43 : i1 to i32
      %sign3A_45 = arith.subi %sign3A_41, %sign3A_44 : i32
      %sign3A_46 = arith.constant 0 : i32
      %sign3A_47 = arith.cmpi sgt, %jit3A, %sign3A_46 : i32
      %sign3A_48 = arith.extui %sign3A_47 : i1 to i32
      %sign3A_49 = arith.constant 0 : i32
      %sign3A_50 = arith.cmpi slt, %jit3A, %sign3A_49 : i32
      %sign3A_51 = arith.extui %sign3A_50 : i1 to i32
      %sign3A_52 = arith.subi %sign3A_48, %sign3A_51 : i32
      %ne3A = arith.cmpi ne, %sign3A_45, %sign3A_52 : i32
      %rem3A = arith.remsi %scan3A_39, %jit3A : i32
      %ne3A_53 = arith.constant 0 : i32
      %ne3A_54 = arith.cmpi ne, %rem3A, %ne3A_53 : i32
      %and3A = arith.andi %ne3A, %ne3A_54 : i1
      %sub3A = arith.constant 1 : i32
      %sub3A_55 = arith.subi %div3A, %sub3A : i32
      %select_n3A = arith.select %and3A, %sub3A_55, %div3A : i32
      %jit3A_56 = arith.constant 8 : i32
      %eq3A_57 = arith.constant 0 : i32
      %eq3A_58 = arith.cmpi eq, %jit3A_56, %eq3A_57 : i32
      %jit3A_59 = arith.constant 1 : i32
      %select_n3A_60 = arith.select %eq3A_58, %jit3A_59, %jit3A_56 : i32
      %rem3A_61 = arith.remsi %scan3A_39, %select_n3A_60 : i32
      %ne3A_62 = arith.constant 0 : i32
      %ne3A_63 = arith.cmpi ne, %rem3A_61, %ne3A_62 : i32
      %lt3A = arith.constant 0 : i32
      %lt3A_64 = arith.cmpi slt, %rem3A_61, %lt3A : i32
      %lt3A_65 = arith.constant 0 : i32
      %lt3A_66 = arith.cmpi slt, %select_n3A_60, %lt3A_65 : i32
      %ne3A_67 = arith.xori %lt3A_64, %lt3A_66 : i1
      %and3A_68 = arith.andi %ne3A_67, %ne3A_63 : i1
      %add3A_69 = arith.addi %rem3A_61, %select_n3A_60 : i32
      %select_n3A_70 = arith.select %and3A_68, %add3A_69, %rem3A_61 : i32
      %mul3A_71 = arith.constant 16 : i32
      %mul3A_72 = arith.muli %select_n3A_70, %mul3A_71 : i32
      %swap3A = arith.index_cast %select_n3A : i32 to index
      %swap3A_73 = arith.index_cast %mul3A_72 : i32 to index
      %swap3A_74 = tpu.vector_load %arg9[%swap3A, %swap3A_73] {strides = array<i32>} : memref<208x128xf32, #tpu.memory_space<vmem>>, vector<1x16xf32>,
      %swap3A_75 = vector.shape_cast %swap3A_74 : vector<1x16xf32> to vector<16xf32>
      %swap3A_76 = vector.shape_cast %broadcast_in_dim3A_1 : vector<16xf32> to vector<1x16xf32>
      tpu.vector_store %arg9[%swap3A, %swap3A_73], %swap3A_76 {strides = array<i32>} : memref<208x128xf32, #tpu.memory_space<vmem>>, vector<1x16xf32>,
    }
    %scan3A_6 = arith.constant 1664 : i32
    %mul3A_7 = arith.constant 624 : i32
    %mul3A_8 = arith.muli %arg1, %mul3A_7 : i32
    %add3A_9 = arith.constant 0 : i32
    %add3A_10 = arith.addi %mul3A_8, %add3A_9 : i32
    "tpu.region"() ({
      %run_scoped3A = tpu.sem_alloc : memref<!tpu.dma_semaphore, #tpu.memory_space<semaphore_mem>>
      %dma_start3A = arith.constant 0 : i32
      %dma_start3A_39 = tpu.memref_slice %arg10[%add3A_10, %dma_start3A] : memref<10000x128xf32, #tpu.memory_space<vmem_shared>> -> memref<208x128xf32, #tpu.memory_space<vmem_shared>>
      %dma_start3A_40 = arith.constant 0 : i32
      %dma_start3A_41 = tpu.memref_slice %arg10[%add3A_10, %dma_start3A_40] : memref<10000x128xf32, #tpu.memory_space<vmem_shared>> -> memref<208x128xf32, #tpu.memory_space<vmem_shared>>
      tpu.enqueue_dma source(%arg9 : memref<208x128xf32, #tpu.memory_space<vmem>>) target(%dma_start3A_41 : memref<208x128xf32, #tpu.memory_space<vmem_shared>>) target_semaphore(%run_scoped3A : memref<!tpu.dma_semaphore, #tpu.memory_space<semaphore_mem>>)
      %dma_wait3A = arith.constant 0 : i32
      %dma_wait3A_42 = tpu.memref_slice %arg10[%add3A_10, %dma_wait3A] : memref<10000x128xf32, #tpu.memory_space<vmem_shared>> -> memref<208x128xf32, #tpu.memory_space<vmem_shared>>
      %dma_wait3A_43 = arith.constant 0 : i32
      %dma_wait3A_44 = tpu.memref_slice %arg10[%add3A_10, %dma_wait3A_43] : memref<10000x128xf32, #tpu.memory_space<vmem_shared>> -> memref<208x128xf32, #tpu.memory_space<vmem_shared>>
      tpu.wait_dma2 semaphore(%run_scoped3A : memref<!tpu.dma_semaphore, #tpu.memory_space<semaphore_mem>>) src(%arg9 : memref<208x128xf32, #tpu.memory_space<vmem>>) dst(%dma_wait3A_44 : memref<208x128xf32, #tpu.memory_space<vmem_shared>>)
      tpu.yield
    }) : () -> ()
    %mul3A_11 = arith.constant 624 : i32
    %mul3A_12 = arith.muli %arg1, %mul3A_11 : i32
    %add3A_13 = arith.constant 208 : i32
    %add3A_14 = arith.addi %mul3A_12, %add3A_13 : i32
    "tpu.region"() ({
      %run_scoped3A = tpu.sem_alloc : memref<!tpu.dma_semaphore, #tpu.memory_space<semaphore_mem>>
      %dma_start3A = arith.constant 0 : i32
      %dma_start3A_39 = tpu.memref_slice %arg10[%add3A_14, %dma_start3A] : memref<10000x128xf32, #tpu.memory_space<vmem_shared>> -> memref<208x128xf32, #tpu.memory_space<vmem_shared>>
      %dma_start3A_40 = arith.constant 0 : i32
      %dma_start3A_41 = tpu.memref_slice %arg10[%add3A_14, %dma_start3A_40] : memref<10000x128xf32, #tpu.memory_space<vmem_shared>> -> memref<208x128xf32, #tpu.memory_space<vmem_shared>>
      tpu.enqueue_dma source(%arg9 : memref<208x128xf32, #tpu.memory_space<vmem>>) target(%dma_start3A_41 : memref<208x128xf32, #tpu.memory_space<vmem_shared>>) target_semaphore(%run_scoped3A : memref<!tpu.dma_semaphore, #tpu.memory_space<semaphore_mem>>)
      %dma_wait3A = arith.constant 0 : i32
      %dma_wait3A_42 = tpu.memref_slice %arg10[%add3A_14, %dma_wait3A] : memref<10000x128xf32, #tpu.memory_space<vmem_shared>> -> memref<208x128xf32, #tpu.memory_space<vmem_shared>>
      %dma_wait3A_43 = arith.constant 0 : i32
      %dma_wait3A_44 = tpu.memref_slice %arg10[%add3A_14, %dma_wait3A_43] : memref<10000x128xf32, #tpu.memory_space<vmem_shared>> -> memref<208x128xf32, #tpu.memory_space<vmem_shared>>
      tpu.wait_dma2 semaphore(%run_scoped3A : memref<!tpu.dma_semaphore, #tpu.memory_space<semaphore_mem>>) src(%arg9 : memref<208x128xf32, #tpu.memory_space<vmem>>) dst(%dma_wait3A_44 : memref<208x128xf32, #tpu.memory_space<vmem_shared>>)
      tpu.yield
    }) : () -> ()
    %mul3A_15 = arith.constant 624 : i32
    %mul3A_16 = arith.muli %arg1, %mul3A_15 : i32
    %add3A_17 = arith.constant 416 : i32
    %add3A_18 = arith.addi %mul3A_16, %add3A_17 : i32
    "tpu.region"() ({
      %run_scoped3A = tpu.sem_alloc : memref<!tpu.dma_semaphore, #tpu.memory_space<semaphore_mem>>
      %dma_start3A = arith.constant 0 : i32
      %dma_start3A_39 = tpu.memref_slice %arg10[%add3A_18, %dma_start3A] : memref<10000x128xf32, #tpu.memory_space<vmem_shared>> -> memref<208x128xf32, #tpu.memory_space<vmem_shared>>
      %dma_start3A_40 = arith.constant 0 : i32
      %dma_start3A_41 = tpu.memref_slice %arg10[%add3A_18, %dma_start3A_40] : memref<10000x128xf32, #tpu.memory_space<vmem_shared>> -> memref<208x128xf32, #tpu.memory_space<vmem_shared>>
      tpu.enqueue_dma source(%arg9 : memref<208x128xf32, #tpu.memory_space<vmem>>) target(%dma_start3A_41 : memref<208x128xf32, #tpu.memory_space<vmem_shared>>) target_semaphore(%run_scoped3A : memref<!tpu.dma_semaphore, #tpu.memory_space<semaphore_mem>>)
      %dma_wait3A = arith.constant 0 : i32
      %dma_wait3A_42 = tpu.memref_slice %arg10[%add3A_18, %dma_wait3A] : memref<10000x128xf32, #tpu.memory_space<vmem_shared>> -> memref<208x128xf32, #tpu.memory_space<vmem_shared>>
      %dma_wait3A_43 = arith.constant 0 : i32
      %dma_wait3A_44 = tpu.memref_slice %arg10[%add3A_18, %dma_wait3A_43] : memref<10000x128xf32, #tpu.memory_space<vmem_shared>> -> memref<208x128xf32, #tpu.memory_space<vmem_shared>>
      tpu.wait_dma2 semaphore(%run_scoped3A : memref<!tpu.dma_semaphore, #tpu.memory_space<semaphore_mem>>) src(%arg9 : memref<208x128xf32, #tpu.memory_space<vmem>>) dst(%dma_wait3A_44 : memref<208x128xf32, #tpu.memory_space<vmem_shared>>)
      tpu.yield
    }) : () -> ()
    %eq3A = arith.constant 15 : i32
    %eq3A_19 = arith.cmpi eq, %arg1, %eq3A : i32
    %convert_element_type3A = arith.extui %eq3A_19 : i1 to i32
    %cond3A = arith.constant 0 : i32
    %cond3A_20 = arith.cmpi ne, %convert_element_type3A, %cond3A : i32
    scf.if %cond3A_20 {
      "tpu.region"() ({
        %run_scoped3A = tpu.sem_alloc : memref<!tpu.dma_semaphore, #tpu.memory_space<semaphore_mem>>
        %dma_start3A = arith.constant 0 : i32
        %dma_start3A_39 = arith.constant 0 : i32
        %dma_start3A_40 = tpu.memref_slice %arg9[%dma_start3A, %dma_start3A_39] : memref<208x128xf32, #tpu.memory_space<vmem>> -> memref<16x128xf32, #tpu.memory_space<vmem>>
        %dma_start3A_41 = arith.constant 9984 : i32
        %dma_start3A_42 = arith.constant 0 : i32
        %dma_start3A_43 = tpu.memref_slice %arg10[%dma_start3A_41, %dma_start3A_42] : memref<10000x128xf32, #tpu.memory_space<vmem_shared>> -> memref<16x128xf32, #tpu.memory_space<vmem_shared>>
        %dma_start3A_44 = arith.constant 9984 : i32
        %dma_start3A_45 = arith.constant 0 : i32
        %dma_start3A_46 = tpu.memref_slice %arg10[%dma_start3A_44, %dma_start3A_45] : memref<10000x128xf32, #tpu.memory_space<vmem_shared>> -> memref<16x128xf32, #tpu.memory_space<vmem_shared>>
        %dma_start3A_47 = arith.constant 0 : i32
        %dma_start3A_48 = arith.constant 0 : i32
        %dma_start3A_49 = tpu.memref_slice %arg9[%dma_start3A_47, %dma_start3A_48] : memref<208x128xf32, #tpu.memory_space<vmem>> -> memref<16x128xf32, #tpu.memory_space<vmem>>
        tpu.enqueue_dma source(%dma_start3A_49 : memref<16x128xf32, #tpu.memory_space<vmem>>) target(%dma_start3A_46 : memref<16x128xf32, #tpu.memory_space<vmem_shared>>) target_semaphore(%run_scoped3A : memref<!tpu.dma_semaphore, #tpu.memory_space<semaphore_mem>>)
        %dma_wait3A = arith.constant 0 : i32
        %dma_wait3A_50 = arith.constant 0 : i32
        %dma_wait3A_51 = tpu.memref_slice %arg9[%dma_wait3A, %dma_wait3A_50] : memref<208x128xf32, #tpu.memory_space<vmem>> -> memref<16x128xf32, #tpu.memory_space<vmem>>
        %dma_wait3A_52 = arith.constant 9984 : i32
        %dma_wait3A_53 = arith.constant 0 : i32
        %dma_wait3A_54 = tpu.memref_slice %arg10[%dma_wait3A_52, %dma_wait3A_53] : memref<10000x128xf32, #tpu.memory_space<vmem_shared>> -> memref<16x128xf32, #tpu.memory_space<vmem_shared>>
        %dma_wait3A_55 = arith.constant 9984 : i32
        %dma_wait3A_56 = arith.constant 0 : i32
        %dma_wait3A_57 = tpu.memref_slice %arg10[%dma_wait3A_55, %dma_wait3A_56] : memref<10000x128xf32, #tpu.memory_space<vmem_shared>> -> memref<16x128xf32, #tpu.memory_space<vmem_shared>>
        %dma_wait3A_58 = arith.constant 0 : i32
        %dma_wait3A_59 = arith.constant 0 : i32
        %dma_wait3A_60 = tpu.memref_slice %arg9[%dma_wait3A_58, %dma_wait3A_59] : memref<208x128xf32, #tpu.memory_space<vmem>> -> memref<16x128xf32, #tpu.memory_space<vmem>>
        tpu.wait_dma2 semaphore(%run_scoped3A : memref<!tpu.dma_semaphore, #tpu.memory_space<semaphore_mem>>) src(%dma_wait3A_60 : memref<16x128xf32, #tpu.memory_space<vmem>>) dst(%dma_wait3A_57 : memref<16x128xf32, #tpu.memory_space<vmem_shared>>)
        tpu.yield
      }) : () -> ()
    } else {
    }
    %barrier3A = arith.constant 0 : index
    tpu.barrier barrier_id(%barrier3A)
    %mul3A_21 = arith.constant 10000 : i32
    %mul3A_22 = arith.muli %add3A, %mul3A_21 : i32
    %scan3A_23 = arith.constant 0 : i32
    %scan3A_24 = arith.constant 0 : i32
    %scan3A_25 = arith.constant 125 : i32
    %scan3A_26 = arith.addi %scan3A_24, %scan3A_25 : i32
    %scan3A_27 = arith.constant 1 : i32
    scf.for %scan3A_39 = %scan3A_24 to %scan3A_26 step %scan3A_27  : i32 {
      %mul3A_40 = arith.constant 80 : i32
      %mul3A_41 = arith.muli %scan3A_39, %mul3A_40 : i32
      %add3A_42 = arith.addi %mul3A_22, %mul3A_41 : i32
      "tpu.region"() ({
        %run_scoped3A = tpu.sem_alloc : memref<!tpu.dma_semaphore, #tpu.memory_space<semaphore_mem>>
        %dma_start3A_47 = tpu.memref_slice %arg3[%add3A_42] : memref<320000xi32, #tpu.memory_space<hbm>> -> memref<80xi32, #tpu.memory_space<hbm>>
        %dma_start3A_48 = tpu.memref_slice %arg3[%add3A_42] : memref<320000xi32, #tpu.memory_space<hbm>> -> memref<80xi32, #tpu.memory_space<hbm>>
        tpu.enqueue_dma source(%dma_start3A_48 : memref<80xi32, #tpu.memory_space<hbm>>) target(%arg6 : memref<80xi32, #tpu.memory_space<vmem>>) target_semaphore(%run_scoped3A : memref<!tpu.dma_semaphore, #tpu.memory_space<semaphore_mem>>)
        %dma_wait3A_49 = tpu.memref_slice %arg3[%add3A_42] : memref<320000xi32, #tpu.memory_space<hbm>> -> memref<80xi32, #tpu.memory_space<hbm>>
        %dma_wait3A_50 = tpu.memref_slice %arg3[%add3A_42] : memref<320000xi32, #tpu.memory_space<hbm>> -> memref<80xi32, #tpu.memory_space<hbm>>
        tpu.wait_dma2 semaphore(%run_scoped3A : memref<!tpu.dma_semaphore, #tpu.memory_space<semaphore_mem>>) src(%dma_wait3A_50 : memref<80xi32, #tpu.memory_space<hbm>>) dst(%arg6 : memref<80xi32, #tpu.memory_space<vmem>>)
        tpu.yield
      }) : () -> ()
      "tpu.region"() ({
        %run_scoped3A = tpu.sem_alloc : memref<!tpu.dma_semaphore, #tpu.memory_space<semaphore_mem>>
        %dma_start3A_47 = tpu.memref_slice %arg4[%add3A_42] : memref<320000xi32, #tpu.memory_space<hbm>> -> memref<80xi32, #tpu.memory_space<hbm>>
        %dma_start3A_48 = tpu.memref_slice %arg4[%add3A_42] : memref<320000xi32, #tpu.memory_space<hbm>> -> memref<80xi32, #tpu.memory_space<hbm>>
        tpu.enqueue_dma source(%dma_start3A_48 : memref<80xi32, #tpu.memory_space<hbm>>) target(%arg7 : memref<80xi32, #tpu.memory_space<vmem>>) target_semaphore(%run_scoped3A : memref<!tpu.dma_semaphore, #tpu.memory_space<semaphore_mem>>)
        %dma_wait3A_49 = tpu.memref_slice %arg4[%add3A_42] : memref<320000xi32, #tpu.memory_space<hbm>> -> memref<80xi32, #tpu.memory_space<hbm>>
        %dma_wait3A_50 = tpu.memref_slice %arg4[%add3A_42] : memref<320000xi32, #tpu.memory_space<hbm>> -> memref<80xi32, #tpu.memory_space<hbm>>
        tpu.wait_dma2 semaphore(%run_scoped3A : memref<!tpu.dma_semaphore, #tpu.memory_space<semaphore_mem>>) src(%dma_wait3A_50 : memref<80xi32, #tpu.memory_space<hbm>>) dst(%arg7 : memref<80xi32, #tpu.memory_space<vmem>>)
        tpu.yield
      }) : () -> ()
      %dma_start3A = arith.constant 0 : i32
      %dma_start3A_43 = arith.constant 0 : i32
      %dma_start3A_44 = tpu.memref_slice %arg2[%dma_start3A, %dma_start3A_43] : memref<10000x128xf32, #tpu.memory_space<hbm>> -> memref<10000x128xf32, #tpu.memory_space<hbm>>
      tpu.enqueue_indirect_dma source(%dma_start3A_44 : memref<10000x128xf32, #tpu.memory_space<hbm>>) target(%arg8 : memref<80x128xf32, #tpu.memory_space<vmem>>) offsets(%arg6 : memref<80xi32, #tpu.memory_space<vmem>>) semaphore(%arg11 : memref<!tpu.dma_semaphore, #tpu.memory_space<semaphore_mem>>)
      %dma_wait3A = arith.constant 0 : i32
      %dma_wait3A_45 = arith.constant 0 : i32
      %dma_wait3A_46 = tpu.memref_slice %arg2[%dma_wait3A, %dma_wait3A_45] : memref<10000x128xf32, #tpu.memory_space<hbm>> -> memref<10000x128xf32, #tpu.memory_space<hbm>>
      tpu.wait_indirect_dma semaphore(%arg11 : memref<!tpu.dma_semaphore, #tpu.memory_space<semaphore_mem>>) src(%dma_wait3A_46 : memref<10000x128xf32, #tpu.memory_space<hbm>>) dst(%arg8 : memref<80x128xf32, #tpu.memory_space<vmem>>)
      "tpu.region"() ({
        %run_scoped3A = tpu.sem_alloc : memref<!tpu.dma_semaphore, #tpu.memory_space<semaphore_mem>>
        %dma_start3A_47 = arith.constant 0 : i32
        %dma_start3A_48 = arith.constant 0 : i32
        %dma_start3A_49 = tpu.memref_slice %arg10[%dma_start3A_47, %dma_start3A_48] : memref<10000x128xf32, #tpu.memory_space<vmem_shared>> -> memref<10000x128xf32, #tpu.memory_space<vmem_shared>>
        tpu.enqueue_indirect_dma source(%arg8 : memref<80x128xf32, #tpu.memory_space<vmem>>) target(%dma_start3A_49 : memref<10000x128xf32, #tpu.memory_space<vmem_shared>>) offsets(%arg7 : memref<80xi32, #tpu.memory_space<vmem>>) semaphore(%run_scoped3A : memref<!tpu.dma_semaphore, #tpu.memory_space<semaphore_mem>>) {add = true}
        %dma_wait3A_50 = arith.constant 0 : i32
        %dma_wait3A_51 = arith.constant 0 : i32
        %dma_wait3A_52 = tpu.memref_slice %arg10[%dma_wait3A_50, %dma_wait3A_51] : memref<10000x128xf32, #tpu.memory_space<vmem_shared>> -> memref<10000x128xf32, #tpu.memory_space<vmem_shared>>
        tpu.wait_indirect_dma semaphore(%run_scoped3A : memref<!tpu.dma_semaphore, #tpu.memory_space<semaphore_mem>>) src(%arg8 : memref<80x128xf32, #tpu.memory_space<vmem>>) dst(%dma_wait3A_52 : memref<10000x128xf32, #tpu.memory_space<vmem_shared>>)
        tpu.yield
      }) : () -> ()
    }
    %scan3A_28 = arith.constant 125 : i32
    %barrier3A_29 = arith.constant 0 : index
    tpu.barrier barrier_id(%barrier3A_29)
    %mul3A_30 = arith.constant 624 : i32
    %mul3A_31 = arith.muli %arg1, %mul3A_30 : i32
    %mul3A_32 = arith.constant 624 : i32
    %mul3A_33 = arith.muli %arg1, %mul3A_32 : i32
    "tpu.region"() ({
      %run_scoped3A = tpu.sem_alloc : memref<!tpu.dma_semaphore, #tpu.memory_space<semaphore_mem>>
      %dma_start3A = arith.constant 0 : i32
      %dma_start3A_39 = tpu.memref_slice %arg5[%arg0, %mul3A_33, %dma_start3A] : memref<2x10000x128xf32, #tpu.memory_space<hbm>> -> memref<1x624x128xf32, #tpu.memory_space<hbm>>
      %dma_start3A_40 = tpu.memref_squeeze %dma_start3A_39 : memref<1x624x128xf32, #tpu.memory_space<hbm>> -> memref<624x128xf32, #tpu.memory_space<hbm>>
      %dma_start3A_41 = arith.constant 0 : i32
      %dma_start3A_42 = tpu.memref_slice %arg10[%mul3A_31, %dma_start3A_41] : memref<10000x128xf32, #tpu.memory_space<vmem_shared>> -> memref<624x128xf32, #tpu.memory_space<vmem_shared>>
      tpu.enqueue_dma source(%dma_start3A_42 : memref<624x128xf32, #tpu.memory_space<vmem_shared>>) target(%dma_start3A_40 : memref<624x128xf32, #tpu.memory_space<hbm>>) target_semaphore(%run_scoped3A : memref<!tpu.dma_semaphore, #tpu.memory_space<semaphore_mem>>)
      %dma_wait3A = arith.constant 0 : i32
      %dma_wait3A_43 = tpu.memref_slice %arg5[%arg0, %mul3A_33, %dma_wait3A] : memref<2x10000x128xf32, #tpu.memory_space<hbm>> -> memref<1x624x128xf32, #tpu.memory_space<hbm>>
      %dma_wait3A_44 = tpu.memref_squeeze %dma_wait3A_43 : memref<1x624x128xf32, #tpu.memory_space<hbm>> -> memref<624x128xf32, #tpu.memory_space<hbm>>
      %dma_wait3A_45 = arith.constant 0 : i32
      %dma_wait3A_46 = tpu.memref_slice %arg10[%mul3A_31, %dma_wait3A_45] : memref<10000x128xf32, #tpu.memory_space<vmem_shared>> -> memref<624x128xf32, #tpu.memory_space<vmem_shared>>
      tpu.wait_dma2 semaphore(%run_scoped3A : memref<!tpu.dma_semaphore, #tpu.memory_space<semaphore_mem>>) src(%dma_wait3A_46 : memref<624x128xf32, #tpu.memory_space<vmem_shared>>) dst(%dma_wait3A_44 : memref<624x128xf32, #tpu.memory_space<hbm>>)
      tpu.yield
    }) : () -> ()
    %eq3A_34 = arith.constant 15 : i32
    %eq3A_35 = arith.cmpi eq, %arg1, %eq3A_34 : i32
    %convert_element_type3A_36 = arith.extui %eq3A_35 : i1 to i32
    %cond3A_37 = arith.constant 0 : i32
    %cond3A_38 = arith.cmpi ne, %convert_element_type3A_36, %cond3A_37 : i32
    scf.if %cond3A_38 {
      "tpu.region"() ({
        %run_scoped3A = tpu.sem_alloc : memref<!tpu.dma_semaphore, #tpu.memory_space<semaphore_mem>>
        %dma_start3A = arith.constant 9984 : i32
        %dma_start3A_39 = arith.constant 0 : i32
        %dma_start3A_40 = tpu.memref_slice %arg5[%arg0, %dma_start3A, %dma_start3A_39] : memref<2x10000x128xf32, #tpu.memory_space<hbm>> -> memref<1x16x128xf32, #tpu.memory_space<hbm>>
        %dma_start3A_41 = tpu.memref_squeeze %dma_start3A_40 : memref<1x16x128xf32, #tpu.memory_space<hbm>> -> memref<16x128xf32, #tpu.memory_space<hbm>>
        %dma_start3A_42 = arith.constant 9984 : i32
        %dma_start3A_43 = arith.constant 0 : i32
        %dma_start3A_44 = tpu.memref_slice %arg10[%dma_start3A_42, %dma_start3A_43] : memref<10000x128xf32, #tpu.memory_space<vmem_shared>> -> memref<16x128xf32, #tpu.memory_space<vmem_shared>>
        tpu.enqueue_dma source(%dma_start3A_44 : memref<16x128xf32, #tpu.memory_space<vmem_shared>>) target(%dma_start3A_41 : memref<16x128xf32, #tpu.memory_space<hbm>>) target_semaphore(%run_scoped3A : memref<!tpu.dma_semaphore, #tpu.memory_space<semaphore_mem>>)
        %dma_wait3A = arith.constant 9984 : i32
        %dma_wait3A_45 = arith.constant 0 : i32
        %dma_wait3A_46 = tpu.memref_slice %arg5[%arg0, %dma_wait3A, %dma_wait3A_45] : memref<2x10000x128xf32, #tpu.memory_space<hbm>> -> memref<1x16x128xf32, #tpu.memory_space<hbm>>
        %dma_wait3A_47 = tpu.memref_squeeze %dma_wait3A_46 : memref<1x16x128xf32, #tpu.memory_space<hbm>> -> memref<16x128xf32, #tpu.memory_space<hbm>>
        %dma_wait3A_48 = arith.constant 9984 : i32
        %dma_wait3A_49 = arith.constant 0 : i32
        %dma_wait3A_50 = tpu.memref_slice %arg10[%dma_wait3A_48, %dma_wait3A_49] : memref<10000x128xf32, #tpu.memory_space<vmem_shared>> -> memref<16x128xf32, #tpu.memory_space<vmem_shared>>
        tpu.wait_dma2 semaphore(%run_scoped3A : memref<!tpu.dma_semaphore, #tpu.memory_space<semaphore_mem>>) src(%dma_wait3A_50 : memref<16x128xf32, #tpu.memory_space<vmem_shared>>) dst(%dma_wait3A_47 : memref<16x128xf32, #tpu.memory_space<hbm>>)
        tpu.yield
      }) : () -> ()
    } else {
    }
    return
  }
}

module attributes {stable_mosaic.version = 14 : i64} {
  func.func @_encoder_body(%arg0: memref<10000x128xf32, #tpu.memory_space<vmem>>, %arg1: memref<128x128xf32, #tpu.memory_space<vmem>>, %arg2: memref<1x128xf32, #tpu.memory_space<vmem>>, %arg3: memref<10000x128xf32, #tpu.memory_space<vmem>>) attributes {dimension_semantics = [], scalar_prefetch = 0 : i64, scratch_operands = 0 : i64, tpu.core_type = #tpu.core_type<tc>} {
    %get3A = arith.constant 0 : index
    %get3A_0 = arith.constant 0 : index
    %get3A_1 = vector.load %arg0[%get3A, %get3A_0] : memref<10000x128xf32, #tpu.memory_space<vmem>>, vector<10000x128xf32>
    %get3A_2 = arith.constant 0 : index
    %get3A_3 = arith.constant 0 : index
    %get3A_4 = vector.load %arg1[%get3A_2, %get3A_3] : memref<128x128xf32, #tpu.memory_space<vmem>>, vector<128x128xf32>
    %dot_general3A = arith.constant dense<0.000000e+00> : vector<10000x128xf32>
    %dot_general3A_5 = tpu.matmul %get3A_1, %get3A_4, %dot_general3A {dimension_numbers = #tpu.dot_dimension_numbers<[1], [0], [0], [1], [0, 0, 1, 1], [], []>, transpose_lhs_hint = false} : vector<10000x128xf32>, vector<128x128xf32>, vector<10000x128xf32> -> vector<10000x128xf32>
    %get3A_6 = arith.constant 0 : index
    %get3A_7 = arith.constant 0 : index
    %get3A_8 = vector.load %arg2[%get3A_6, %get3A_7] : memref<1x128xf32, #tpu.memory_space<vmem>>, vector<1x128xf32>
    %add3A = vector.broadcast %get3A_8 : vector<1x128xf32> to vector<10000x128xf32>
    %add3A_9 = arith.addf %dot_general3A_5, %add3A : vector<10000x128xf32>
    %swap3A = arith.constant 0 : index
    %swap3A_10 = arith.constant 0 : index
    %swap3A_11 = vector.load %arg3[%swap3A, %swap3A_10] : memref<10000x128xf32, #tpu.memory_space<vmem>>, vector<10000x128xf32>
    tpu.vector_store %arg3[%swap3A, %swap3A_10], %add3A_9 {strides = array<i32>} : memref<10000x128xf32, #tpu.memory_space<vmem>>, vector<10000x128xf32>,
    return
  }
}

module attributes {stable_mosaic.version = 14 : i64} {
  func.func @_dense_bn_body(%arg0: memref<10000x128xf32, #tpu.memory_space<vmem>>, %arg1: memref<10000x128xf32, #tpu.memory_space<vmem>>, %arg2: memref<10000x128xf32, #tpu.memory_space<vmem>>, %arg3: memref<128x128xf32, #tpu.memory_space<vmem>>, %arg4: memref<1x128xf32, #tpu.memory_space<vmem>>, %arg5: memref<128x128xf32, #tpu.memory_space<vmem>>, %arg6: memref<1x128xf32, #tpu.memory_space<vmem>>, %arg7: memref<1x128xf32, #tpu.memory_space<vmem>>, %arg8: memref<1x128xf32, #tpu.memory_space<vmem>>, %arg9: memref<10000x128xf32, #tpu.memory_space<vmem>>) attributes {dimension_semantics = [], scalar_prefetch = 0 : i64, scratch_operands = 0 : i64, tpu.core_type = #tpu.core_type<tc>} {
    %get3A = arith.constant 0 : index
    %get3A_0 = arith.constant 0 : index
    %get3A_1 = vector.load %arg0[%get3A, %get3A_0] : memref<10000x128xf32, #tpu.memory_space<vmem>>, vector<10000x128xf32>
    %get3A_2 = arith.constant 0 : index
    %get3A_3 = arith.constant 0 : index
    %get3A_4 = vector.load %arg1[%get3A_2, %get3A_3] : memref<10000x128xf32, #tpu.memory_space<vmem>>, vector<10000x128xf32>
    %add3A = arith.addf %get3A_1, %get3A_4 : vector<10000x128xf32>
    %get3A_5 = arith.constant 0 : index
    %get3A_6 = arith.constant 0 : index
    %get3A_7 = vector.load %arg2[%get3A_5, %get3A_6] : memref<10000x128xf32, #tpu.memory_space<vmem>>, vector<10000x128xf32>
    %add3A_8 = arith.addf %add3A, %get3A_7 : vector<10000x128xf32>
    %get3A_9 = arith.constant 0 : index
    %get3A_10 = arith.constant 0 : index
    %get3A_11 = vector.load %arg3[%get3A_9, %get3A_10] : memref<128x128xf32, #tpu.memory_space<vmem>>, vector<128x128xf32>
    %dot_general3A = arith.constant dense<0.000000e+00> : vector<10000x128xf32>
    %dot_general3A_12 = tpu.matmul %add3A_8, %get3A_11, %dot_general3A {dimension_numbers = #tpu.dot_dimension_numbers<[1], [0], [0], [1], [0, 0, 1, 1], [], []>, transpose_lhs_hint = false} : vector<10000x128xf32>, vector<128x128xf32>, vector<10000x128xf32> -> vector<10000x128xf32>
    %get3A_13 = arith.constant 0 : index
    %get3A_14 = arith.constant 0 : index
    %get3A_15 = vector.load %arg4[%get3A_13, %get3A_14] : memref<1x128xf32, #tpu.memory_space<vmem>>, vector<1x128xf32>
    %add3A_16 = vector.broadcast %get3A_15 : vector<1x128xf32> to vector<10000x128xf32>
    %add3A_17 = arith.addf %dot_general3A_12, %add3A_16 : vector<10000x128xf32>
    %max3A = arith.constant 0.000000e+00 : f32
    %max3A_18 = vector.broadcast %max3A : f32 to vector<10000x128xf32>
    %max3A_19 = arith.maximumf %add3A_17, %max3A_18 : vector<10000x128xf32>
    %get3A_20 = arith.constant 0 : index
    %get3A_21 = arith.constant 0 : index
    %get3A_22 = vector.load %arg5[%get3A_20, %get3A_21] : memref<128x128xf32, #tpu.memory_space<vmem>>, vector<128x128xf32>
    %dot_general3A_23 = arith.constant dense<0.000000e+00> : vector<10000x128xf32>
    %dot_general3A_24 = tpu.matmul %max3A_19, %get3A_22, %dot_general3A_23 {dimension_numbers = #tpu.dot_dimension_numbers<[1], [0], [0], [1], [0, 0, 1, 1], [], []>, transpose_lhs_hint = false} : vector<10000x128xf32>, vector<128x128xf32>, vector<10000x128xf32> -> vector<10000x128xf32>
    %get3A_25 = arith.constant 0 : index
    %get3A_26 = arith.constant 0 : index
    %get3A_27 = vector.load %arg6[%get3A_25, %get3A_26] : memref<1x128xf32, #tpu.memory_space<vmem>>, vector<1x128xf32>
    %add3A_28 = vector.broadcast %get3A_27 : vector<1x128xf32> to vector<10000x128xf32>
    %add3A_29 = arith.addf %dot_general3A_24, %add3A_28 : vector<10000x128xf32>
    %max3A_30 = arith.constant 0.000000e+00 : f32
    %max3A_31 = vector.broadcast %max3A_30 : f32 to vector<10000x128xf32>
    %max3A_32 = arith.maximumf %add3A_29, %max3A_31 : vector<10000x128xf32>
    %reduce_sum3A = arith.constant dense<0.000000e+00> : vector<128xf32>
    %reduce_sum3A_33 = vector.multi_reduction <add>, %max3A_32, %reduce_sum3A [0] : vector<10000x128xf32> to vector<128xf32>
    %broadcast_in_dim3A = vector.shape_cast %reduce_sum3A_33 : vector<128xf32> to vector<1x128xf32>
    %div3A = arith.constant 1.000000e+04 : f32
    %div3A_34 = vector.broadcast %div3A : f32 to vector<1x128xf32>
    %div3A_35 = arith.divf %broadcast_in_dim3A, %div3A_34 : vector<1x128xf32>
    %sub3A = vector.broadcast %div3A_35 : vector<1x128xf32> to vector<10000x128xf32>
    %sub3A_36 = arith.subf %max3A_32, %sub3A : vector<10000x128xf32>
    %mul3A = arith.mulf %sub3A_36, %sub3A_36 : vector<10000x128xf32>
    %reduce_sum3A_37 = arith.constant dense<0.000000e+00> : vector<128xf32>
    %reduce_sum3A_38 = vector.multi_reduction <add>, %mul3A, %reduce_sum3A_37 [0] : vector<10000x128xf32> to vector<128xf32>
    %broadcast_in_dim3A_39 = vector.shape_cast %reduce_sum3A_38 : vector<128xf32> to vector<1x128xf32>
    %div3A_40 = arith.constant 1.000000e+04 : f32
    %div3A_41 = vector.broadcast %div3A_40 : f32 to vector<1x128xf32>
    %div3A_42 = arith.divf %broadcast_in_dim3A_39, %div3A_41 : vector<1x128xf32>
    %add3A_43 = arith.constant 9.99999974E-6 : f32
    %add3A_44 = vector.broadcast %add3A_43 : f32 to vector<1x128xf32>
    %add3A_45 = arith.addf %div3A_42, %add3A_44 : vector<1x128xf32>
    %sqrt3A = math.sqrt %add3A_45 : vector<1x128xf32>
    %div3A_46 = vector.broadcast %sqrt3A : vector<1x128xf32> to vector<10000x128xf32>
    %div3A_47 = arith.divf %sub3A_36, %div3A_46 : vector<10000x128xf32>
    %get3A_48 = arith.constant 0 : index
    %get3A_49 = arith.constant 0 : index
    %get3A_50 = vector.load %arg7[%get3A_48, %get3A_49] : memref<1x128xf32, #tpu.memory_space<vmem>>, vector<1x128xf32>
    %mul3A_51 = vector.broadcast %get3A_50 : vector<1x128xf32> to vector<10000x128xf32>
    %mul3A_52 = arith.mulf %div3A_47, %mul3A_51 : vector<10000x128xf32>
    %get3A_53 = arith.constant 0 : index
    %get3A_54 = arith.constant 0 : index
    %get3A_55 = vector.load %arg8[%get3A_53, %get3A_54] : memref<1x128xf32, #tpu.memory_space<vmem>>, vector<1x128xf32>
    %add3A_56 = vector.broadcast %get3A_55 : vector<1x128xf32> to vector<10000x128xf32>
    %add3A_57 = arith.addf %mul3A_52, %add3A_56 : vector<10000x128xf32>
    %swap3A = arith.constant 0 : index
    %swap3A_58 = arith.constant 0 : index
    %swap3A_59 = vector.load %arg9[%swap3A, %swap3A_58] : memref<10000x128xf32, #tpu.memory_space<vmem>>, vector<10000x128xf32>
    tpu.vector_store %arg9[%swap3A, %swap3A_58], %add3A_57 {strides = array<i32>} : memref<10000x128xf32, #tpu.memory_space<vmem>>, vector<10000x128xf32>,
    return
  }
}

module attributes {stable_mosaic.version = 14 : i64} {
  func.func @_pool_fc_body(%arg0: memref<10000x128xf32, #tpu.memory_space<vmem>>, %arg1: memref<1x10000xi32, #tpu.memory_space<vmem>>, %arg2: memref<128x128xf32, #tpu.memory_space<vmem>>, %arg3: memref<1x128xf32, #tpu.memory_space<vmem>>, %arg4: memref<128x128xf32, #tpu.memory_space<vmem>>, %arg5: memref<1x128xf32, #tpu.memory_space<vmem>>, %arg6: memref<64x128xf32, #tpu.memory_space<vmem>>) attributes {dimension_semantics = [], scalar_prefetch = 0 : i64, scratch_operands = 0 : i64, tpu.core_type = #tpu.core_type<tc>} {
    %iota3A = tpu.iota {dimensions = array<i32: 0>} : vector<64x10000xi32>
    %get3A = arith.constant 0 : index
    %get3A_0 = arith.constant 0 : index
    %get3A_1 = vector.load %arg1[%get3A, %get3A_0] : memref<1x10000xi32, #tpu.memory_space<vmem>>, vector<1x10000xi32>
    %eq3A = vector.broadcast %get3A_1 : vector<1x10000xi32> to vector<64x10000xi32>
    %eq3A_2 = arith.cmpi eq, %eq3A, %iota3A : vector<64x10000xi32>
    %convert_element_type3A = arith.extui %eq3A_2 : vector<64x10000xi1> to vector<64x10000xi32>
    %convert_element_type3A_3 = arith.sitofp %convert_element_type3A : vector<64x10000xi32> to vector<64x10000xf32>
    %get3A_4 = arith.constant 0 : index
    %get3A_5 = arith.constant 0 : index
    %get3A_6 = vector.load %arg0[%get3A_4, %get3A_5] : memref<10000x128xf32, #tpu.memory_space<vmem>>, vector<10000x128xf32>
    %dot_general3A = arith.constant dense<0.000000e+00> : vector<64x128xf32>
    %dot_general3A_7 = tpu.matmul %convert_element_type3A_3, %get3A_6, %dot_general3A {dimension_numbers = #tpu.dot_dimension_numbers<[1], [0], [0], [1], [0, 0, 1, 1], [], []>, transpose_lhs_hint = false} : vector<64x10000xf32>, vector<10000x128xf32>, vector<64x128xf32> -> vector<64x128xf32>
    %get3A_8 = arith.constant 0 : index
    %get3A_9 = arith.constant 0 : index
    %get3A_10 = vector.load %arg2[%get3A_8, %get3A_9] : memref<128x128xf32, #tpu.memory_space<vmem>>, vector<128x128xf32>
    %dot_general3A_11 = arith.constant dense<0.000000e+00> : vector<64x128xf32>
    %dot_general3A_12 = tpu.matmul %dot_general3A_7, %get3A_10, %dot_general3A_11 {dimension_numbers = #tpu.dot_dimension_numbers<[1], [0], [0], [1], [0, 0, 1, 1], [], []>, transpose_lhs_hint = false} : vector<64x128xf32>, vector<128x128xf32>, vector<64x128xf32> -> vector<64x128xf32>
    %get3A_13 = arith.constant 0 : index
    %get3A_14 = arith.constant 0 : index
    %get3A_15 = vector.load %arg3[%get3A_13, %get3A_14] : memref<1x128xf32, #tpu.memory_space<vmem>>, vector<1x128xf32>
    %add3A = vector.broadcast %get3A_15 : vector<1x128xf32> to vector<64x128xf32>
    %add3A_16 = arith.addf %dot_general3A_12, %add3A : vector<64x128xf32>
    %max3A = arith.constant 0.000000e+00 : f32
    %max3A_17 = vector.broadcast %max3A : f32 to vector<64x128xf32>
    %max3A_18 = arith.maximumf %add3A_16, %max3A_17 : vector<64x128xf32>
    %get3A_19 = arith.constant 0 : index
    %get3A_20 = arith.constant 0 : index
    %get3A_21 = vector.load %arg4[%get3A_19, %get3A_20] : memref<128x128xf32, #tpu.memory_space<vmem>>, vector<128x128xf32>
    %dot_general3A_22 = arith.constant dense<0.000000e+00> : vector<64x128xf32>
    %dot_general3A_23 = tpu.matmul %max3A_18, %get3A_21, %dot_general3A_22 {dimension_numbers = #tpu.dot_dimension_numbers<[1], [0], [0], [1], [0, 0, 1, 1], [], []>, transpose_lhs_hint = false} : vector<64x128xf32>, vector<128x128xf32>, vector<64x128xf32> -> vector<64x128xf32>
    %get3A_24 = arith.constant 0 : index
    %get3A_25 = arith.constant 0 : index
    %get3A_26 = vector.load %arg5[%get3A_24, %get3A_25] : memref<1x128xf32, #tpu.memory_space<vmem>>, vector<1x128xf32>
    %add3A_27 = vector.broadcast %get3A_26 : vector<1x128xf32> to vector<64x128xf32>
    %add3A_28 = arith.addf %dot_general3A_23, %add3A_27 : vector<64x128xf32>
    %swap3A = arith.constant 0 : index
    %swap3A_29 = arith.constant 0 : index
    %swap3A_30 = vector.load %arg6[%swap3A, %swap3A_29] : memref<64x128xf32, #tpu.memory_space<vmem>>, vector<64x128xf32>
    tpu.vector_store %arg6[%swap3A, %swap3A_29], %add3A_28 {strides = array<i32>} : memref<64x128xf32, #tpu.memory_space<vmem>>, vector<64x128xf32>,
    return
  }
}

</mosaic_0001>

<sc_bundles>
// kernel: gather_offload_async_start.1
scs
__scs_entry_jumppad:
0x0: {  	(pc) =	sbr.rel $0x88, $3  }
0x1: {  	(tag) =	ssettag $0x0;
	lr =	simm.s32 $0x1  }
0x2: {  	[smem:$0x3F7A] =	sst lr;
	_ =	strace $0xD0000000  }
0x3: {  	_ = 	snop  }
0x4: {  	_ = 	snop  }
0x5: {  	_ = 	snop  }
0x6: {  	_ = 	snop  }
0x7: {  	_ = 	snop  }
__scs_overlays_trampoline_lowered:
0x8: {  	[smem:$0x3F89] =	sst s0  }
0x9: {  	[smem:$0x3F8A] =	sst s1  }
0xa: {  	[smem:$0x3F8B] =	sst s2  }
0xb: {  	[smem:$0x3F8C] =	sst s3  }
0xc: {  	[smem:$0x3F8D] =	sst s4  }
0xd: {  	[smem:$0x3F8E] =	sst s5  }
0xe: {  	[smem:$0x3F8F] =	sst s6  }
0xf: {  	[smem:$0x3F90] =	sst s7  }
0x10: {  	[smem:$0x3F91] =	sst s8  }
0x11: {  	[smem:$0x3F92] =	sst s9;
	s0 =	simm.s32 @!p0 $0x0  }
0x12: {  	s1 =	sld [smem:$0x3F78];
	s0 =	simm.s32 @p0 $0x1  }
0x13: {  	[smem:$0x3F93] =	sst s0;
	s0 =	simm.s32 @!p1 $0x0  }
0x14: {  	s2 =	sld [smem:$0x3F77];
	s0 =	simm.s32 @p1 $0x1  }
0x15: {  	[smem:$0x3F94] =	sst s0;
	s0 =	simm.s32 @!p2 $0x0  }
0x16: {  	s3 =	sld [smem:$0x3FDB];
	s0 =	simm.s32 @p2 $0x1  }
0x17: {  	s4 =	simm.s32 $0x1BF5;
	[smem:$0x3F96] =	sst s0  }
0x18: {  	s0 =	sld [smem:$0x3F79];
	_ =	swait.ge [sflag:s4], $0x0  }
0x19: {  	s7 =	sld [smem:$0x3F7A]  }
0x1a: {  	s8 =	sadd.s32 $0xFFFFE003, lr  }
0x1b: {  	s9 =	sadd.s32 $0xFFFFFEF7, lr;
	s5 =	simm.s32 $0xFFFFFFFF;
	p2 =	slt.u32 s8, $0xFFFFF086  }
0x1c: {  	p1 =	slt.u32 s9, $0xF7A;
	s5 =	simm.s32 @!p2 $0x0  }
0x1d: {  	s5 =	simm.s32 @p1 $0x1;
	p0 =	seq.s32 s7, s2  }
0x1e: {  	s7 =	smul.u32 @!p0 $0xF7A, s2;
	p2 =	seq.s32 @!p0 s5, $0x0  }
0x1f: {  	s9 =	smul.u32 $0xF7A, s1;
	s8 =	simm.s32 @!p0 $0x1BF5;
	p2 =	por !p2, p0  }
0x20: {  	[sflag:s8] =	ssyncset.s32 @!p0 $0xFFFFF086;
	s6 =	sadd.s32 @!p0 s3, s7;
	s7 =	simm.s32 @!p0 $0x108  }
0x21: {  	s3 =	sadd.s32 s3, s9;
	s6 =	sadd.s32 @!p0 $0x88, s6;
	s7 =	simm.s32 @p2 $0x1082  }
0x22: {  	[simem:s7], [sflag:s8] =	dma.local @!p0 [hbm:s6], $0xF7A  }
0x23: {  	s9 =	sor.u32 $0xD0000000, s2;
	s6 =	simm.s32 $0x108;
	_ =	swait.ge @!p0 [sflag:s8], $0x0  }
0x24: {  	s3 =	sadd.s32 $0x88, s3;
	s6 =	simm.s32 @!p1 $0x1082;
	[sflag:s4] =	ssyncset.s32 $0xFFFFF086  }
0x25: {  	[simem:s6], [sflag:s4] =	dma.local [hbm:s3], $0xF7A  }
0x26: {  	[smem:$0x3F7A] =	sst s1;
	(tag) =	ssettag s2;
	_ =	strace s9  }
0x27: {  	s1 =	sld [smem:$0x3F8A]  }
0x28: {  	s2 =	sld [smem:$0x3F8B]  }
0x29: {  	s4 =	sld [smem:$0x3F8D]  }
0x2a: {  	p0 =	seq.s32 s5, $0x0;
	s5 =	sld [smem:$0x3F8E]  }
0x2b: {  	s6 =	sld [smem:$0x3F8F]  }
0x2c: {  	s7 =	sld [smem:$0x3F90]  }
0x2d: {  	s3 =	simm.s32 $0x108;
	s8 =	sld [smem:$0x3F91]  }
0x2e: {  	s3 =	simm.s32 @!p0 $0x1082;
	s9 =	sld [smem:$0x3F92]  }
0x2f: {  	lr =	sadd.s32 s0, s3;
	s0 =	sld [smem:$0x3F89]  }
0x30: {  	s3 =	sld [smem:$0x3F8C]  }
0x31: {  	[smem:$0x3F95] =	sst s10  }
0x32: {  	s10 =	sld [smem:$0x3F93];
	_ =	sdelay $0x3  }
0x33: {  	p0 =	seq.s32 s10, $0x1;
	s10 =	sld [smem:$0x3F95];
	_ =	sdelay $0x3  }
0x34: {  	[smem:$0x3F95] =	sst s10  }
0x35: {  	s10 =	sld [smem:$0x3F94];
	_ =	sdelay $0x3  }
0x36: {  	p1 =	seq.s32 s10, $0x1;
	s10 =	sld [smem:$0x3F95];
	_ =	sdelay $0x3  }
0x37: {  	[smem:$0x3F95] =	sst s10  }
0x38: {  	s10 =	sld [smem:$0x3F96]  }
0x39: {  	_ = 	snop;
	(pc) =	sbr.ind lr, $3  }
0x3a: {  	_ = 	snop  }
0x3b: {  	_ = 	snop  }
0x3c: {  	p2 =	seq.s32 s10, $0x1;
	s10 =	sld [smem:$0x3F95]  }
0x3d: {  	_ =	shalt  }
0x3e: {  	_ =	shalt  }
0x3f: {  	_ =	shalt  }
0x40: {  	_ =	shalt  }
0x41: {  	_ =	shalt  }
0x42: {  	_ =	shalt  }
0x43: {  	_ =	shalt  }
0x44: {  	_ =	shalt  }
0x45: {  	_ =	shalt  }
0x46: {  	_ =	shalt  }
0x47: {  	_ =	shalt  }
0x48: {  	_ =	shalt  }
0x49: {  	_ =	shalt  }
0x4a: {  	_ =	shalt  }
0x4b: {  	_ =	shalt  }
0x4c: {  	_ =	shalt  }
0x4d: {  	_ =	shalt  }
0x4e: {  	_ =	shalt  }
0x4f: {  	_ =	shalt  }
0x50: {  	_ =	shalt  }
0x51: {  	_ =	shalt  }
0x52: {  	_ =	shalt  }
0x53: {  	_ =	shalt  }
0x54: {  	_ =	shalt  }
0x55: {  	_ =	shalt  }
0x56: {  	_ =	shalt  }
0x57: {  	_ =	shalt  }
0x58: {  	_ =	shalt  }
0x59: {  	_ =	shalt  }
0x5a: {  	_ =	shalt  }
0x5b: {  	_ =	shalt  }
0x5c: {  	_ =	shalt  }
0x5d: {  	_ =	shalt  }
0x5e: {  	_ =	shalt  }
0x5f: {  	_ =	shalt  }
0x60: {  	_ =	shalt  }
0x61: {  	_ =	shalt  }
0x62: {  	_ =	shalt  }
0x63: {  	_ =	shalt  }
0x64: {  	_ =	shalt  }
0x65: {  	_ =	shalt  }
0x66: {  	_ =	shalt  }
0x67: {  	_ =	shalt  }
0x68: {  	_ =	shalt  }
0x69: {  	_ =	shalt  }
0x6a: {  	_ =	shalt  }
0x6b: {  	_ =	shalt  }
0x6c: {  	_ =	shalt  }
0x6d: {  	_ =	shalt  }
0x6e: {  	_ =	shalt  }
0x6f: {  	_ =	shalt  }
0x70: {  	_ =	shalt  }
0x71: {  	_ =	shalt  }
0x72: {  	_ =	shalt  }
0x73: {  	_ =	shalt  }
0x74: {  	_ =	shalt  }
0x75: {  	_ =	shalt  }
0x76: {  	_ =	shalt  }
0x77: {  	_ =	shalt  }
0x78: {  	_ =	shalt  }
0x79: {  	_ =	shalt  }
0x7a: {  	_ =	shalt  }
0x7b: {  	_ =	shalt  }
0x7c: {  	_ =	shalt  }
0x7d: {  	_ =	shalt  }
0x7e: {  	_ =	shalt  }
0x7f: {  	_ =	shalt  }
0x80: {  	_ =	shalt  }
0x81: {  	_ =	shalt  }
0x82: {  	_ =	shalt  }
0x83: {  	_ =	shalt  }
0x84: {  	_ =	shalt  }
0x85: {  	_ =	shalt  }
0x86: {  	_ =	shalt  }
0x87: {  	_ =	shalt  }
.Lfunc_end0:
.L_simem_size_0:
called_computation.1_lowered:
.L_overlay_start_0:
0x88: {  	s2 =	sld [smem:$0x3FD9]  }
0x89: {  	s3 =	sld [smem:$0x3FFE];
	_ =	sdelay $0x1  }
0x8a: {  	s1 =	srdreg.scid  }
0x8b: {  	s0 =	sand.u32 $0x1, s1  }
0x8c: {  	s16 =	sshll.u32 s0, $0xA;
	s2 =	sadd.s32 s3, s2  }
0x8d: {  	s2 =	sadd.s32 s2, s16  }
0x8e: {  	[smem:$0x3FA1] =	sst s2  }
0x8f: {  	_ = 	snop  }
0x90: {  	(tm) =	ssettm $0x1  }
0x91: {  	s17 =	sld [smem:$0x3FFB];
	_ =	sdelay $0x3  }
0x92: {  	_ =	strace s17  }
0x93: {  	s2 =	sld [smem:$0x3FFC];
	_ =	sdelay $0x3  }
0x94: {  	_ =	strace s2  }
0x95: {  	s2 =	sld [smem:$0x3FFD];
	_ =	sdelay $0x3  }
0x96: {  	_ =	strace s2  }
0x97: {  	_ =	strace $0x8FFFFFFF  }
0x98: {  	s18 =	sld [smem:$0x3FDB];
	_ =	sdelay $0x1  }
0x99: {  	s19 =	simm.s32 $_scs_section_size  }
0x9a: {  	s4 =	simm.s32 $_size__tile_overlayer_lowered;
	s5 =	simm.s32 $_tile_overlayer_lowered  }
0x9b: {  	s22 =	simm.s32 $0x1BFF;
	s21 =	sshll.u32 s5, $0x1;
	s2 =	sadd.s32 s19, s18  }
0x9c: {  	s6 =	simm.s32 $0x0;
	s20 =	sshll.u32 s4, $0x1;
	s4 =	sadd.s32 s21, s2  }
0x9d: {  	[timem:s6], [sflag:s22] =	dma.local [hbm:s4], s20  }
0x9e: {  	_ =	swait.ge [sflag:s22], s20  }
0x9f: {  	s3 =	ssub.s32 $0x0, s20;
	[sflag:s22] =	ssyncset.done $0x0  }
0xa0: {  	[sflag:s22] =	ssyncadd.s32 s3;
	_ =	sdelay $0x1  }
0xa1: {  	s23 =	simm.s32 $0x1B8B  }
0xa2: {  	_ =	swait.ge [sflag:s23], $0x1  }
0xa3: {  	[sflag:s23] =	ssyncset.done $0x0  }
0xa4: {  	s25 =	simm.s32 $0x1B8E;
	s24 =	sld [smem:$0x3FFE];
	[sflag:s23] =	ssyncadd.s32 $0xFFFFFFFF  }
0xa5: {  	s26 =	simm.s32 $execute0_lowered;
	[smem:$0x3FD2] =	sst s25  }
0xa6: {  	s4 =	sshll.u32 s26, $0x1;
	_ =	strace $0x80000046;
	[dreg:$0x1] =	wrdreg $0xFFFFFFFF  }
0xa7: {  	s28 =	simm.s32 $_size_execute0_lowered;
	s2 =	sadd.s32 s2, s4;
	[dreg:$0x0] =	wrdreg $0x0  }
0xa8: {  	s4 =	sshll.u32 s28, $0x1;
	[dreg:$0x2] =	wrdreg s2  }
0xa9: {  	[dreg:$0x3] =	wrdreg s4  }
0xaa: {  	[dreg:$0x4] =	wrdreg $0xC0  }
0xab: {  	_ =	task [dreg:s6], $0x5FFFF  }
0xac: {  	[dreg:$0x1] =	wrdreg $0xFFFFFFFF  }
0xad: {  	[dreg:$0x0] =	wrdreg $0x60  }
0xae: {  	[dreg:$0x2] =	wrdreg s24  }
0xaf: {  	[dreg:$0x3] =	wrdreg $0xA  }
0xb0: {  	_ =	task.clear_ibuf [dreg:s6], $0x4FFFF;
	_ =	strace $0x90000046  }
0xb1: {  	s29 =	simm.s32 $0xA;
	_ =	strace $0x80000048  }
0xb2: {  	_ =	swait.ge [sflag:s29], $0x1  }
0xb3: {  	[sflag:s29] =	ssyncadd.s32 $0xFFFFFFFF  }
0xb4: {  	_ =	strace $0x90000048  }
0xb5: {  	_ =	sfence  }
0xb6: {  	s30 =	sld [smem:$0x0];
	_ =	sdelay $0x2  }
0xb7: {  	s31 =	sshll.u32 s1, $0xD;
	s1 =	sshrl.u32 s1, $0x2  }
0xb8: {  	s3 =	sand.u32 $0x4000, s31;
	s1 =	sadd.s32 s1, s30  }
0xb9: {  	s0 =	sor.u32 s3, s0;
	s1 =	sshll.u32 s1, $0x11  }
0xba: {  	s0 =	sor.u32 s1, s0  }
0xbb: {  	s0 =	sadd.s32 $0x8F2B, s0  }
0xbc: {  	[sflag:s0] =	ssyncadd.remote.s32 $0x1  }
0xbd: {  	_ =	sfence.sel $0xFFFF  }
0xbe: {  	[dreg:$0x0] =	wrdreg $0xFFFFFFFF;
	(pc) =	sbr.abs _section_cstart, $3  }
0xbf: {  	[dreg:$0x1] =	wrdreg $0xFFFFFFFF  }
0xc0: {  	_ =	task.clear_ibuf [dreg:s6], $0x2FFFF;
	_ =	strace $0x9FFFFFFF  }
0xc1: {  	(tm) =	ssettm $0x7FFFFFFF  }
tec
execute0_lowered:
.L_overlay_start_1:
0x0: {  	(tag) =	ssettag $0x1  }
0x1: {  	s8 =	rddreg [dreg:$0x0]  }
0x2: {  	s0 =	rddreg [dreg:$0x1];
	_ =	strace $0x80000047;
	s1 =	stileid.u32  }
0x3: {  	s3 =	srdreg.scid;
	s4 =	simm.s32 $0x1;
	s7 =	simm.s32 $0x1  }
0x4: {  	s9 =	simm.s32 $0x1;
	s10 =	simm.s32 $0x3;
	s13 =	simm.s32 $0x0  }
0x5: {  	s12 =	simm.s32 $0x0;
	s5 =	sand.u32 $0x1, s3;
	s6 =	sshll.u32 s1, $0x1  }
0x6: {  	s2 =	sadd.s32 $0x13200, s8;
	s3 =	sadd.s32 $0x1D000, s8;
	s5 =	sor.u32 s6, s5  }
.Ltmp0:
0x7: {  	[sflag:s4] =	ssyncpa.u1 $0x0;
	p0 =	slt.u32 s5, $0x9;
	(pc) =	sbr.rel .LBB2_1-.Ltmp0, $4  }
0x8: {  	s6 =	simm.s32 $0x2;
	s7 =	simm.s32 @!p0 $0x0;
	p0 =	sne.s32 s5, $0x8  }
0x9: {  	[sflag:s6] =	ssyncpa.u1 $0x0;
	s5 =	smul.u32 $0x1F40, s5;
	s9 =	simm.s32 @!p0 $0x0  }
0xa: {  	s8 =	sadd.s32 $0x4E000, s8;
	[sflag:s10] =	ssyncpa.u1 $0x0;
	s7 =	sadd.s32 s9, s7  }
0xb: {  	vm0 =	vmmov $0xffff;
	s10 =	simm.s32 $0x0;
	s11 =	smov.u32 s5;
	s9 =	sadd.s32 $0x1, s7  }
.LBB2_4:
0xc: {  	v2 =	vnsel vm1, $0x0, v2  }
0xd: {  	vm1 =	vgt.s32 v0, $0x0;
	v2 =	vmin.u32 v2, $0x4E1FF  }
0xe: {  	v0 =	vnsel vm1, $0x0, v0  }
0xf: {  	v0 =	vmin.u32 v0, $0x4E1FF  }
0x10: {  	[tilespmem:s18], [sflag:$0x1] =	stream.indirect_vreg.gather [hbm4b:s2+s10], $0x1, v1, vm0, $0x4038;
	[tilespmem:$0x7D00] =	vst v63  }
0x11: {  	(ifvalue) =	ssetifvalue $0x7FFFFFFF  }
0x12: {  	[tilespmem:s15], [sflag:$0x1] =	stream.indirect_vreg.gather [hbm4b:s2+s10], $0x1, v2, vm0, $0x4038;
	[tilespmem:$0x7D00] =	vst v63  }
0x13: {  	s29 =	sadd.s32 $0x10, s15;
	(ifvalue) =	ssetifvalue $0x7FFFFFFF  }
0x14: {  	[tilespmem:s29], [sflag:$0x1] =	stream.indirect_vreg.gather [hbm4b:s2+s10], $0x1, v0, vm0, $0x4038;
	[tilespmem:$0x7D00] =	vst v63  }
0x15: {  	_ =	swait.ge [sflag:s4], $0x1F40  }
0x16: {  	s30 =	sshrl.u32 s13, $0x3;
	[sflag:s4] =	ssyncset.done $0x0  }
0x17: {  	s31 =	sand.u32 $0x7, s13;
	s15 =	sadd.s32 s8, s30;
	[sflag:s4] =	ssyncadd.s32 $0xFFFFE0C0  }
0x18: {  	[hbm4b:s15+s31] =	stream.linear.scatter [tilespmem:s14], [sflag:$0x3], $0x1F40, $0x38;
	[tilespmem:$0x7D00] =	vst v63  }
.LBB2_5:
0x19: {  	s15 =	sadd.s32 $0x3E800, s11  }
0x1a: {  	p1 =	sgt.s32 s15, $0x4E1FF  }
0x1b: {  	s15 =	smov.u32 @p1 s5;
	p1 =	sne.s32 s12, s9  }
.Ltmp1:
0x1c: {  	p0 =	slt.u32 s12, $0x2;
	(pc) =	sbr.rel @!p1 .LBB2_6-.Ltmp1, $4  }
0x1d: {  	s14 =	simm.s32 @!p0 $0x3  }
0x1e: {  	_ =	swait.ge @!p0 [sflag:s14], $0x1F40  }
0x1f: {  	s16 =	sadd.s32 $0x1, s12;
	s13 =	smov.u32 s11;
	[sflag:s14] =	ssyncset.done @!p0 $0x0  }
0x20: {  	s12 =	smov.u32 s16;
	s11 =	smov.u32 s15;
	[sflag:s14] =	ssyncadd.s32 @!p0 $0xFFFFE0C0  }
.LBB2_1:
0x21: {  	p0 =	sge.u32 s12, s7  }
0x22: {  	s14 =	sxor.u32 @!p0 $0x1, s12  }
0x23: {  	s14 =	smul.u32 @!p0 $0x7D00, s14  }
0x24: {  	s31 =	sadd.s32 $0xFFFFFFFF, s12;
	s15 =	sshrl.u32 @!p0 s11, $0x3  }
0x25: {  	s16 =	sand.u32 @!p0 $0x7, s11;
	s15 =	sadd.s32 @!p0 s3, s15;
	s14 =	sshra.s32 @!p0 s14, $0x2  }
0x26: {  	[tilespmem:s14], [sflag:$0x2] =	stream.linear.gather @!p0 [hbm4b:s15+s16], $0x1F40, $0x38;
	[tilespmem:$0x7D00] =	vst v63  }
0x27: {  	p0 =	sge.u32 s31, s7  }
.Ltmp2:
0x28: {  	_ = 	snop;
	(pc) =	sbr.rel @p0 .LBB2_5-.Ltmp2, $1  }
0x29: {  	_ =	sdelay $0x3  }
0x2a: {  	s14 =	sand.u32 $0x1, s12  }
0x2b: {  	_ =	swait.ge [sflag:s6], $0x1F40;
	p0 =	seq.s32 s14, $0x1;
	s14 =	simm.s32 $0x1F40  }
0x2c: {  	[sflag:s6] =	ssyncset.done $0x0;
	s14 =	simm.s32 @!p0 $0x0  }
0x2d: {  	[sflag:s6] =	ssyncadd.s32 $0xFFFFE0C0;
	(ifvalue) =	ssetifvalue $0x7FFFFFFF;
	v0 =	vld.msk [tilespmem:s14+$0x0 ss:$0x1], $0xffff;
	_ =	sdelay $0x4  }
0x2e: {  	s15 =	sadd.s32 $0x10, s14;
	vm1 =	vgt.s32 v0, $0x0  }
0x2f: {  	v2 =	vld.msk [tilespmem:s15+$0x0 ss:$0x1], $0xffff;
	v1 =	vnsel vm1, $0x0, v0  }
0x30: {  	v1 =	vmin.u32 v1, $0x4E1FF;
	_ =	sdelay $0x2  }
0x31: {  	s17 =	simm.s32 $0x20;
	s14 =	sadd.s32 $0x3E80, s14;
	s16 =	sadd.s32 $0x10, s15  }
0x32: {  	s15 =	sadd.s32 $0x10, s14;
	s18 =	smov.u32 s14;
	v0 =	vld.msk [tilespmem:s16+$0x0 ss:$0x1], $0xffff;
	vm1 =	vgt.s32 v2, $0x0;
	(ifvalue) =	ssetifvalue $0x7FFFFFFF  }
.LBB2_3:
0x33: {  	[tilespmem:s18], [sflag:$0x1] =	stream.indirect_vreg.gather [hbm4b:s2+s10], $0x1, v1, vm0, $0x4038;
	[tilespmem:$0x7D00] =	vst v63  }
0x34: {  	s17 =	sadd.s32 $0x10, s17  }
0x35: {  	v2 =	vnsel vm1, $0x0, v2;
	p0 =	slt.u32 s17, $0x1F30  }
.Ltmp3:
0x36: {  	s18 =	smov.u32 s15;
	v1 =	vmin.u32 v2, $0x4E1FF;
	(pc) =	sbr.rel @p0 .LBB2_3-.Ltmp3, $3  }
0x37: {  	_ =	sdelay $0x1  }
0x38: {  	s16 =	sadd.s32 $0x10, s16  }
0x39: {  	vm1 =	vgt.s32 v0, $0x0;
	s15 =	sadd.s32 $0x10, s15;
	v2 =	vmov v0;
	(ifvalue) =	ssetifvalue $0x7FFFFFFF;
	v0 =	vld.msk [tilespmem:s16+$0x0 ss:$0x1], $0xffff  }
.Ltmp4:
0x3a: {  	_ = 	snop;
	(pc) =	sbr.rel .LBB2_4-.Ltmp4, $1  }
0x3b: {  	_ =	sdelay $0x3  }
.LBB2_6:
0x3c: {  	_ =	sfence.sel $0x180000  }
0x3d: {  	s2 =	simm.s32 $0x2;
	[bflag:$0x0] =	sbarrier.arrive $0xFFFF  }
0x3e: {  	s30 =	simm.s32 $0x3;
	[sflag:s2] =	ssyncpa.u1 $0x1  }
0x3f: {  	s31 =	simm.s32 $0x1;
	[sflag:s30] =	ssyncpa.u1 $0x1  }
0x40: {  	[sflag:s31] =	ssyncpa.u1 $0x1  }
0x41: {  	p0 =	sne.s32 s1, $0x0;
	_ =	strace $0x90000047  }
0x42: {  	s0 =	sadd.s32 @!p0 $0x100000, s0;
	[bflag:$0x2] =	sbarrier.arrive $0xFFFF  }
0x43: {  	[sflag:s0] =	ssyncadd.tile.s32 @!p0 $0x1;
	_ =	shalt  }
.Lfunc_end2:
_tile_overlayer_lowered:
.L_overlay_start_2:
0x44: {  	(tag) =	ssettag $0x2  }
0x45: {  	s0 =	rddreg [dreg:$0x0];
	s2 =	stileid.u32  }
0x46: {  	s1 =	rddreg [dreg:$0x1];
	p0 =	sne.s32 s2, $0x0  }
0x47: {  	s3 =	rddreg [dreg:$0x2];
	[bflag:$0x3] =	sbarrier.arrive $0xFFFF;
	s2 =	simm.s32 @!p0 $0x1C01  }
0x48: {  	[timem:s3], [sflag:s2] =	dma.local @!p0 [hbm:s0], s1  }
0x49: {  	s0 =	simm.s32 @!p0 $0x1  }
0x4a: {  	_ =	swait.ge @!p0 [sflag:s0], s1  }
0x4b: {  	s1 =	ssub.s32 @!p0 $0x0, s1;
	[sflag:s0] =	ssyncset.done @!p0 $0x0  }
0x4c: {  	[sflag:s0] =	ssyncadd.s32 @!p0 s1  }
0x4d: {  	[bflag:$0x3] =	sbarrier.arrive $0xFFFF  }
0x4e: {  	_ =	shalt  }

// kernel: gather_offload_async_start
scs
__scs_entry_jumppad:
0x0: {  	(pc) =	sbr.rel $0x88, $3  }
0x1: {  	(tag) =	ssettag $0x0;
	lr =	simm.s32 $0x1  }
0x2: {  	[smem:$0x3F7A] =	sst lr;
	_ =	strace $0xD0000000  }
0x3: {  	_ = 	snop  }
0x4: {  	_ = 	snop  }
0x5: {  	_ = 	snop  }
0x6: {  	_ = 	snop  }
0x7: {  	_ = 	snop  }
__scs_overlays_trampoline_lowered:
0x8: {  	[smem:$0x3F89] =	sst s0  }
0x9: {  	[smem:$0x3F8A] =	sst s1  }
0xa: {  	[smem:$0x3F8B] =	sst s2  }
0xb: {  	[smem:$0x3F8C] =	sst s3  }
0xc: {  	[smem:$0x3F8D] =	sst s4  }
0xd: {  	[smem:$0x3F8E] =	sst s5  }
0xe: {  	[smem:$0x3F8F] =	sst s6  }
0xf: {  	[smem:$0x3F90] =	sst s7  }
0x10: {  	[smem:$0x3F91] =	sst s8  }
0x11: {  	[smem:$0x3F92] =	sst s9;
	s0 =	simm.s32 @!p0 $0x0  }
0x12: {  	s1 =	sld [smem:$0x3F78];
	s0 =	simm.s32 @p0 $0x1  }
0x13: {  	[smem:$0x3F93] =	sst s0;
	s0 =	simm.s32 @!p1 $0x0  }
0x14: {  	s2 =	sld [smem:$0x3F77];
	s0 =	simm.s32 @p1 $0x1  }
0x15: {  	[smem:$0x3F94] =	sst s0;
	s0 =	simm.s32 @!p2 $0x0  }
0x16: {  	s3 =	sld [smem:$0x3FDB];
	s0 =	simm.s32 @p2 $0x1  }
0x17: {  	s4 =	simm.s32 $0x1BF5;
	[smem:$0x3F96] =	sst s0  }
0x18: {  	s0 =	sld [smem:$0x3F79];
	_ =	swait.ge [sflag:s4], $0x0  }
0x19: {  	s7 =	sld [smem:$0x3F7A]  }
0x1a: {  	s8 =	sadd.s32 $0xFFFFE003, lr  }
0x1b: {  	s9 =	sadd.s32 $0xFFFFFEF7, lr;
	s5 =	simm.s32 $0xFFFFFFFF;
	p2 =	slt.u32 s8, $0xFFFFF086  }
0x1c: {  	p1 =	slt.u32 s9, $0xF7A;
	s5 =	simm.s32 @!p2 $0x0  }
0x1d: {  	s5 =	simm.s32 @p1 $0x1;
	p0 =	seq.s32 s7, s2  }
0x1e: {  	s7 =	smul.u32 @!p0 $0xF7A, s2;
	p2 =	seq.s32 @!p0 s5, $0x0  }
0x1f: {  	s9 =	smul.u32 $0xF7A, s1;
	s8 =	simm.s32 @!p0 $0x1BF5;
	p2 =	por !p2, p0  }
0x20: {  	[sflag:s8] =	ssyncset.s32 @!p0 $0xFFFFF086;
	s6 =	sadd.s32 @!p0 s3, s7;
	s7 =	simm.s32 @!p0 $0x108  }
0x21: {  	s3 =	sadd.s32 s3, s9;
	s6 =	sadd.s32 @!p0 $0x88, s6;
	s7 =	simm.s32 @p2 $0x1082  }
0x22: {  	[simem:s7], [sflag:s8] =	dma.local @!p0 [hbm:s6], $0xF7A  }
0x23: {  	s9 =	sor.u32 $0xD0000000, s2;
	s6 =	simm.s32 $0x108;
	_ =	swait.ge @!p0 [sflag:s8], $0x0  }
0x24: {  	s3 =	sadd.s32 $0x88, s3;
	s6 =	simm.s32 @!p1 $0x1082;
	[sflag:s4] =	ssyncset.s32 $0xFFFFF086  }
0x25: {  	[simem:s6], [sflag:s4] =	dma.local [hbm:s3], $0xF7A  }
0x26: {  	[smem:$0x3F7A] =	sst s1;
	(tag) =	ssettag s2;
	_ =	strace s9  }
0x27: {  	s1 =	sld [smem:$0x3F8A]  }
0x28: {  	s2 =	sld [smem:$0x3F8B]  }
0x29: {  	s4 =	sld [smem:$0x3F8D]  }
0x2a: {  	p0 =	seq.s32 s5, $0x0;
	s5 =	sld [smem:$0x3F8E]  }
0x2b: {  	s6 =	sld [smem:$0x3F8F]  }
0x2c: {  	s7 =	sld [smem:$0x3F90]  }
0x2d: {  	s3 =	simm.s32 $0x108;
	s8 =	sld [smem:$0x3F91]  }
0x2e: {  	s3 =	simm.s32 @!p0 $0x1082;
	s9 =	sld [smem:$0x3F92]  }
0x2f: {  	lr =	sadd.s32 s0, s3;
	s0 =	sld [smem:$0x3F89]  }
0x30: {  	s3 =	sld [smem:$0x3F8C]  }
0x31: {  	[smem:$0x3F95] =	sst s10  }
0x32: {  	s10 =	sld [smem:$0x3F93];
	_ =	sdelay $0x3  }
0x33: {  	p0 =	seq.s32 s10, $0x1;
	s10 =	sld [smem:$0x3F95];
	_ =	sdelay $0x3  }
0x34: {  	[smem:$0x3F95] =	sst s10  }
0x35: {  	s10 =	sld [smem:$0x3F94];
	_ =	sdelay $0x3  }
0x36: {  	p1 =	seq.s32 s10, $0x1;
	s10 =	sld [smem:$0x3F95];
	_ =	sdelay $0x3  }
0x37: {  	[smem:$0x3F95] =	sst s10  }
0x38: {  	s10 =	sld [smem:$0x3F96]  }
0x39: {  	_ = 	snop;
	(pc) =	sbr.ind lr, $3  }
0x3a: {  	_ = 	snop  }
0x3b: {  	_ = 	snop  }
0x3c: {  	p2 =	seq.s32 s10, $0x1;
	s10 =	sld [smem:$0x3F95]  }
0x3d: {  	_ =	shalt  }
0x3e: {  	_ =	shalt  }
0x3f: {  	_ =	shalt  }
0x40: {  	_ =	shalt  }
0x41: {  	_ =	shalt  }
0x42: {  	_ =	shalt  }
0x43: {  	_ =	shalt  }
0x44: {  	_ =	shalt  }
0x45: {  	_ =	shalt  }
0x46: {  	_ =	shalt  }
0x47: {  	_ =	shalt  }
0x48: {  	_ =	shalt  }
0x49: {  	_ =	shalt  }
0x4a: {  	_ =	shalt  }
0x4b: {  	_ =	shalt  }
0x4c: {  	_ =	shalt  }
0x4d: {  	_ =	shalt  }
0x4e: {  	_ =	shalt  }
0x4f: {  	_ =	shalt  }
0x50: {  	_ =	shalt  }
0x51: {  	_ =	shalt  }
0x52: {  	_ =	shalt  }
0x53: {  	_ =	shalt  }
0x54: {  	_ =	shalt  }
0x55: {  	_ =	shalt  }
0x56: {  	_ =	shalt  }
0x57: {  	_ =	shalt  }
0x58: {  	_ =	shalt  }
0x59: {  	_ =	shalt  }
0x5a: {  	_ =	shalt  }
0x5b: {  	_ =	shalt  }
0x5c: {  	_ =	shalt  }
0x5d: {  	_ =	shalt  }
0x5e: {  	_ =	shalt  }
0x5f: {  	_ =	shalt  }
0x60: {  	_ =	shalt  }
0x61: {  	_ =	shalt  }
0x62: {  	_ =	shalt  }
0x63: {  	_ =	shalt  }
0x64: {  	_ =	shalt  }
0x65: {  	_ =	shalt  }
0x66: {  	_ =	shalt  }
0x67: {  	_ =	shalt  }
0x68: {  	_ =	shalt  }
0x69: {  	_ =	shalt  }
0x6a: {  	_ =	shalt  }
0x6b: {  	_ =	shalt  }
0x6c: {  	_ =	shalt  }
0x6d: {  	_ =	shalt  }
0x6e: {  	_ =	shalt  }
0x6f: {  	_ =	shalt  }
0x70: {  	_ =	shalt  }
0x71: {  	_ =	shalt  }
0x72: {  	_ =	shalt  }
0x73: {  	_ =	shalt  }
0x74: {  	_ =	shalt  }
0x75: {  	_ =	shalt  }
0x76: {  	_ =	shalt  }
0x77: {  	_ =	shalt  }
0x78: {  	_ =	shalt  }
0x79: {  	_ =	shalt  }
0x7a: {  	_ =	shalt  }
0x7b: {  	_ =	shalt  }
0x7c: {  	_ =	shalt  }
0x7d: {  	_ =	shalt  }
0x7e: {  	_ =	shalt  }
0x7f: {  	_ =	shalt  }
0x80: {  	_ =	shalt  }
0x81: {  	_ =	shalt  }
0x82: {  	_ =	shalt  }
0x83: {  	_ =	shalt  }
0x84: {  	_ =	shalt  }
0x85: {  	_ =	shalt  }
0x86: {  	_ =	shalt  }
0x87: {  	_ =	shalt  }
.Lfunc_end0:
.L_simem_size_0:
called_computation_lowered:
.L_overlay_start_0:
0x88: {  	s2 =	sld [smem:$0x3FD9]  }
0x89: {  	s3 =	sld [smem:$0x3FFE];
	_ =	sdelay $0x1  }
0x8a: {  	s1 =	srdreg.scid  }
0x8b: {  	s0 =	sand.u32 $0x1, s1  }
0x8c: {  	s17 =	sshll.u32 s0, $0xA;
	s2 =	sadd.s32 s3, s2  }
0x8d: {  	s2 =	sadd.s32 s2, s17  }
0x8e: {  	[smem:$0x3FA1] =	sst s2  }
0x8f: {  	_ = 	snop  }
0x90: {  	(tm) =	ssettm $0x1  }
0x91: {  	s18 =	sld [smem:$0x3FFB];
	_ =	sdelay $0x3  }
0x92: {  	_ =	strace s18  }
0x93: {  	s2 =	sld [smem:$0x3FFC];
	_ =	sdelay $0x3  }
0x94: {  	_ =	strace s2  }
0x95: {  	s2 =	sld [smem:$0x3FFD];
	_ =	sdelay $0x3  }
0x96: {  	_ =	strace s2  }
0x97: {  	_ =	strace $0x8FFFFFFF  }
0x98: {  	s19 =	sld [smem:$0x3FDB];
	_ =	sdelay $0x1  }
0x99: {  	s20 =	simm.s32 $_scs_section_size  }
0x9a: {  	s4 =	simm.s32 $_size__tile_overlayer_lowered;
	s5 =	simm.s32 $_tile_overlayer_lowered  }
0x9b: {  	s6 =	simm.s32 $0x1BFF;
	s21 =	sshll.u32 s5, $0x1;
	s3 =	sadd.s32 s20, s19  }
0x9c: {  	s22 =	simm.s32 $0x0;
	s4 =	sshll.u32 s4, $0x1;
	s5 =	sadd.s32 s21, s3  }
0x9d: {  	[timem:s22], [sflag:s6] =	dma.local [hbm:s5], s4  }
0x9e: {  	_ =	swait.ge [sflag:s6], s4  }
0x9f: {  	s4 =	ssub.s32 $0x0, s4;
	[sflag:s6] =	ssyncset.done $0x0  }
0xa0: {  	[sflag:s6] =	ssyncadd.s32 s4;
	_ =	sdelay $0x1  }
0xa1: {  	s23 =	simm.s32 $0x1B8B  }
0xa2: {  	_ =	swait.ge [sflag:s23], $0x1  }
0xa3: {  	[sflag:s23] =	ssyncset.done $0x0  }
0xa4: {  	[sflag:s23] =	ssyncadd.s32 $0xFFFFFFFF  }
0xa5: {  	s4 =	sld [smem:$0x0]  }
0xa6: {  	s5 =	sand.u32 $0xFFFFFFFE, s1  }
0xa7: {  	p0 =	sne.s32 s1, s5  }
0xa8: {  	s5 =	sshll.u32 @p0 s5, $0xE  }
0xa9: {  	s5 =	sadd.s32 @p0 $0x11B8D, s5;
	s6 =	sshll.u32 @p0 s4, $0x11  }
0xaa: {  	s5 =	sor.u32 @p0 s6, s5  }
0xab: {  	[sflag:s5] =	ssyncadd.remote.s32 @p0 $0x1;
	_ =	sdelay $0x1  }
0xac: {  	s5 =	simm.s32 @p0 $0x1B8D  }
0xad: {  	_ =	swait.eq @p0 [sflag:s5], $0x1  }
0xae: {  	[sflag:s5] =	ssyncadd.s32 @p0 $0xFFFFFFFF  }
0xaf: {  	s6 =	sshll.u32 @!p0 s1, $0xE  }
0xb0: {  	s6 =	sor.u32 @!p0 $0x4000, s6;
	s5 =	simm.s32 @!p0 $0x1B8D  }
0xb1: {  	s4 =	sshll.u32 @!p0 s4, $0x11;
	s6 =	sadd.s32 @!p0 $0x11B8D, s6;
	_ =	swait.eq @!p0 [sflag:s5], $0x1  }
0xb2: {  	s4 =	sor.u32 @!p0 s4, s6;
	[sflag:s5] =	ssyncadd.s32 @!p0 $0xFFFFFFFF  }
0xb3: {  	s25 =	simm.s32 $0x1B8E;
	s24 =	sld [smem:$0x3FFE];
	[sflag:s4] =	ssyncadd.remote.s32 @!p0 $0x1  }
0xb4: {  	s26 =	simm.s32 $execute0_lowered;
	[smem:$0x3FD2] =	sst s25  }
0xb5: {  	s5 =	sshll.u32 s26, $0x1;
	_ =	strace $0x80000049;
	[dreg:$0x1] =	wrdreg $0xFFFFFFFF  }
0xb6: {  	s28 =	simm.s32 $_size_execute0_lowered;
	s3 =	sadd.s32 s3, s5;
	[dreg:$0x0] =	wrdreg $0x0  }
0xb7: {  	s5 =	sshll.u32 s28, $0x1;
	[dreg:$0x2] =	wrdreg s3  }
0xb8: {  	[dreg:$0x3] =	wrdreg s5  }
0xb9: {  	[dreg:$0x4] =	wrdreg $0xC0  }
0xba: {  	_ =	task [dreg:s22], $0x5FFFF  }
0xbb: {  	[dreg:$0x1] =	wrdreg $0xFFFFFFFF  }
0xbc: {  	[dreg:$0x0] =	wrdreg $0x60  }
0xbd: {  	[dreg:$0x2] =	wrdreg s24  }
0xbe: {  	[dreg:$0x3] =	wrdreg $0x9  }
0xbf: {  	_ =	task.clear_ibuf [dreg:s22], $0x4FFFF;
	_ =	strace $0x90000049  }
0xc0: {  	s29 =	simm.s32 $0x9;
	_ =	strace $0x8000004B  }
0xc1: {  	_ =	swait.ge [sflag:s29], $0x1  }
0xc2: {  	[sflag:s29] =	ssyncadd.s32 $0xFFFFFFFF  }
0xc3: {  	_ =	strace $0x9000004B  }
0xc4: {  	_ =	sfence  }
0xc5: {  	s30 =	sld [smem:$0x0];
	_ =	sdelay $0x2  }
0xc6: {  	s31 =	sshll.u32 s1, $0xD;
	s1 =	sshrl.u32 s1, $0x2  }
0xc7: {  	s4 =	sand.u32 $0x4000, s31;
	s1 =	sadd.s32 s1, s30  }
0xc8: {  	s0 =	sor.u32 s4, s0;
	s1 =	sshll.u32 s1, $0x11  }
0xc9: {  	s0 =	sor.u32 s1, s0  }
0xca: {  	s0 =	sadd.s32 $0x8F2B, s0  }
0xcb: {  	[sflag:s0] =	ssyncadd.remote.s32 $0x1  }
0xcc: {  	_ =	sfence.sel $0xFFFF  }
0xcd: {  	[dreg:$0x0] =	wrdreg $0xFFFFFFFF;
	(pc) =	sbr.abs _section_cstart, $3  }
0xce: {  	[dreg:$0x1] =	wrdreg $0xFFFFFFFF  }
0xcf: {  	_ =	task.clear_ibuf [dreg:s22], $0x2FFFF;
	_ =	strace $0x9FFFFFFF  }
0xd0: {  	(tm) =	ssettm $0x7FFFFFFF  }
0xd1: {  	_ =	shalt  }
tec
execute0_lowered:
.L_overlay_start_1:
0x0: {  	(tag) =	ssettag $0x1  }
0x1: {  	s8 =	rddreg [dreg:$0x0]  }
0x2: {  	s0 =	rddreg [dreg:$0x1];
	_ =	strace $0x8000004A;
	s1 =	stileid.u32  }
0x3: {  	s3 =	srdreg.scid;
	s4 =	simm.s32 $0x1;
	s7 =	simm.s32 $0x1  }
0x4: {  	s9 =	simm.s32 $0x1;
	s10 =	simm.s32 $0x3;
	s13 =	simm.s32 $0x0  }
0x5: {  	s12 =	simm.s32 $0x0;
	s5 =	sand.u32 $0x1, s3;
	s6 =	sshll.u32 s1, $0x1  }
0x6: {  	s2 =	sadd.s32 $0x9400, s8;
	s3 =	sadd.s32 $0x1D000, s8;
	s5 =	sor.u32 s6, s5  }
.Ltmp0:
0x7: {  	[sflag:s4] =	ssyncpa.u1 $0x0;
	p0 =	slt.u32 s5, $0x9;
	(pc) =	sbr.rel .LBB2_1-.Ltmp0, $4  }
0x8: {  	s6 =	simm.s32 $0x2;
	s7 =	simm.s32 @!p0 $0x0;
	p0 =	sne.s32 s5, $0x8  }
0x9: {  	[sflag:s6] =	ssyncpa.u1 $0x0;
	s5 =	smul.u32 $0x1F40, s5;
	s9 =	simm.s32 @!p0 $0x0  }
0xa: {  	s8 =	sadd.s32 $0x57E00, s8;
	[sflag:s10] =	ssyncpa.u1 $0x0;
	s7 =	sadd.s32 s9, s7  }
0xb: {  	vm0 =	vmmov $0xffff;
	s10 =	simm.s32 $0x0;
	s11 =	smov.u32 s5;
	s9 =	sadd.s32 $0x1, s7  }
.LBB2_4:
0xc: {  	v2 =	vnsel vm1, $0x0, v2  }
0xd: {  	vm1 =	vgt.s32 v0, $0x0;
	v2 =	vmin.u32 v2, $0x4E1FF  }
0xe: {  	v0 =	vnsel vm1, $0x0, v0  }
0xf: {  	v0 =	vmin.u32 v0, $0x4E1FF  }
0x10: {  	[tilespmem:s18], [sflag:$0x1] =	stream.indirect_vreg.gather [hbm4b:s2+s10], $0x1, v1, vm0, $0x4038;
	[tilespmem:$0x7D00] =	vst v63  }
0x11: {  	(ifvalue) =	ssetifvalue $0x7FFFFFFF  }
0x12: {  	[tilespmem:s15], [sflag:$0x1] =	stream.indirect_vreg.gather [hbm4b:s2+s10], $0x1, v2, vm0, $0x4038;
	[tilespmem:$0x7D00] =	vst v63  }
0x13: {  	s29 =	sadd.s32 $0x10, s15;
	(ifvalue) =	ssetifvalue $0x7FFFFFFF  }
0x14: {  	[tilespmem:s29], [sflag:$0x1] =	stream.indirect_vreg.gather [hbm4b:s2+s10], $0x1, v0, vm0, $0x4038;
	[tilespmem:$0x7D00] =	vst v63  }
0x15: {  	_ =	swait.ge [sflag:s4], $0x1F40  }
0x16: {  	s30 =	sshrl.u32 s13, $0x3;
	[sflag:s4] =	ssyncset.done $0x0  }
0x17: {  	s31 =	sand.u32 $0x7, s13;
	s15 =	sadd.s32 s8, s30;
	[sflag:s4] =	ssyncadd.s32 $0xFFFFE0C0  }
0x18: {  	[hbm4b:s15+s31] =	stream.linear.scatter [tilespmem:s14], [sflag:$0x3], $0x1F40, $0x38;
	[tilespmem:$0x7D00] =	vst v63  }
.LBB2_5:
0x19: {  	s15 =	sadd.s32 $0x3E800, s11  }
0x1a: {  	p1 =	sgt.s32 s15, $0x4E1FF  }
0x1b: {  	s15 =	smov.u32 @p1 s5;
	p1 =	sne.s32 s12, s9  }
.Ltmp1:
0x1c: {  	p0 =	slt.u32 s12, $0x2;
	(pc) =	sbr.rel @!p1 .LBB2_6-.Ltmp1, $4  }
0x1d: {  	s14 =	simm.s32 @!p0 $0x3  }
0x1e: {  	_ =	swait.ge @!p0 [sflag:s14], $0x1F40  }
0x1f: {  	s16 =	sadd.s32 $0x1, s12;
	s13 =	smov.u32 s11;
	[sflag:s14] =	ssyncset.done @!p0 $0x0  }
0x20: {  	s12 =	smov.u32 s16;
	s11 =	smov.u32 s15;
	[sflag:s14] =	ssyncadd.s32 @!p0 $0xFFFFE0C0  }
.LBB2_1:
0x21: {  	p0 =	sge.u32 s12, s7  }
0x22: {  	s14 =	sxor.u32 @!p0 $0x1, s12  }
0x23: {  	s14 =	smul.u32 @!p0 $0x7D00, s14  }
0x24: {  	s31 =	sadd.s32 $0xFFFFFFFF, s12;
	s15 =	sshrl.u32 @!p0 s11, $0x3  }
0x25: {  	s16 =	sand.u32 @!p0 $0x7, s11;
	s15 =	sadd.s32 @!p0 s3, s15;
	s14 =	sshra.s32 @!p0 s14, $0x2  }
0x26: {  	[tilespmem:s14], [sflag:$0x2] =	stream.linear.gather @!p0 [hbm4b:s15+s16], $0x1F40, $0x38;
	[tilespmem:$0x7D00] =	vst v63  }
0x27: {  	p0 =	sge.u32 s31, s7  }
.Ltmp2:
0x28: {  	_ = 	snop;
	(pc) =	sbr.rel @p0 .LBB2_5-.Ltmp2, $1  }
0x29: {  	_ =	sdelay $0x3  }
0x2a: {  	s14 =	sand.u32 $0x1, s12  }
0x2b: {  	_ =	swait.ge [sflag:s6], $0x1F40;
	p0 =	seq.s32 s14, $0x1;
	s14 =	simm.s32 $0x1F40  }
0x2c: {  	[sflag:s6] =	ssyncset.done $0x0;
	s14 =	simm.s32 @!p0 $0x0  }
0x2d: {  	[sflag:s6] =	ssyncadd.s32 $0xFFFFE0C0;
	(ifvalue) =	ssetifvalue $0x7FFFFFFF;
	v0 =	vld.msk [tilespmem:s14+$0x0 ss:$0x1], $0xffff;
	_ =	sdelay $0x4  }
0x2e: {  	s15 =	sadd.s32 $0x10, s14;
	vm1 =	vgt.s32 v0, $0x0  }
0x2f: {  	v2 =	vld.msk [tilespmem:s15+$0x0 ss:$0x1], $0xffff;
	v1 =	vnsel vm1, $0x0, v0  }
0x30: {  	v1 =	vmin.u32 v1, $0x4E1FF;
	_ =	sdelay $0x2  }
0x31: {  	s17 =	simm.s32 $0x20;
	s14 =	sadd.s32 $0x3E80, s14;
	s16 =	sadd.s32 $0x10, s15  }
0x32: {  	s15 =	sadd.s32 $0x10, s14;
	s18 =	smov.u32 s14;
	v0 =	vld.msk [tilespmem:s16+$0x0 ss:$0x1], $0xffff;
	vm1 =	vgt.s32 v2, $0x0;
	(ifvalue) =	ssetifvalue $0x7FFFFFFF  }
.LBB2_3:
0x33: {  	[tilespmem:s18], [sflag:$0x1] =	stream.indirect_vreg.gather [hbm4b:s2+s10], $0x1, v1, vm0, $0x4038;
	[tilespmem:$0x7D00] =	vst v63  }
0x34: {  	s17 =	sadd.s32 $0x10, s17  }
0x35: {  	v2 =	vnsel vm1, $0x0, v2;
	p0 =	slt.u32 s17, $0x1F30  }
.Ltmp3:
0x36: {  	s18 =	smov.u32 s15;
	v1 =	vmin.u32 v2, $0x4E1FF;
	(pc) =	sbr.rel @p0 .LBB2_3-.Ltmp3, $3  }
0x37: {  	_ =	sdelay $0x1  }
0x38: {  	s16 =	sadd.s32 $0x10, s16  }
0x39: {  	vm1 =	vgt.s32 v0, $0x0;
	s15 =	sadd.s32 $0x10, s15;
	v2 =	vmov v0;
	(ifvalue) =	ssetifvalue $0x7FFFFFFF;
	v0 =	vld.msk [tilespmem:s16+$0x0 ss:$0x1], $0xffff  }
.Ltmp4:
0x3a: {  	_ = 	snop;
	(pc) =	sbr.rel .LBB2_4-.Ltmp4, $1  }
0x3b: {  	_ =	sdelay $0x3  }
.LBB2_6:
0x3c: {  	_ =	sfence.sel $0x180000  }
0x3d: {  	s2 =	simm.s32 $0x2;
	[bflag:$0x0] =	sbarrier.arrive $0xFFFF  }
0x3e: {  	s30 =	simm.s32 $0x3;
	[sflag:s2] =	ssyncpa.u1 $0x1  }
0x3f: {  	s31 =	simm.s32 $0x1;
	[sflag:s30] =	ssyncpa.u1 $0x1  }
0x40: {  	[sflag:s31] =	ssyncpa.u1 $0x1  }
0x41: {  	p0 =	sne.s32 s1, $0x0;
	_ =	strace $0x9000004A  }
0x42: {  	s0 =	sadd.s32 @!p0 $0x100000, s0;
	[bflag:$0x2] =	sbarrier.arrive $0xFFFF  }
0x43: {  	[sflag:s0] =	ssyncadd.tile.s32 @!p0 $0x1;
	_ =	shalt  }
.Lfunc_end2:
_tile_overlayer_lowered:
.L_overlay_start_2:
0x44: {  	(tag) =	ssettag $0x2  }
0x45: {  	s0 =	rddreg [dreg:$0x0];
	s2 =	stileid.u32  }
0x46: {  	s1 =	rddreg [dreg:$0x1];
	p0 =	sne.s32 s2, $0x0  }
0x47: {  	s3 =	rddreg [dreg:$0x2];
	[bflag:$0x3] =	sbarrier.arrive $0xFFFF;
	s2 =	simm.s32 @!p0 $0x1C01  }
0x48: {  	[timem:s3], [sflag:s2] =	dma.local @!p0 [hbm:s0], s1  }
0x49: {  	s0 =	simm.s32 @!p0 $0x1  }
0x4a: {  	_ =	swait.ge @!p0 [sflag:s0], s1  }
0x4b: {  	s1 =	ssub.s32 @!p0 $0x0, s1;
	[sflag:s0] =	ssyncset.done @!p0 $0x0  }
0x4c: {  	[sflag:s0] =	ssyncadd.s32 @!p0 s1  }
0x4d: {  	[bflag:$0x3] =	sbarrier.arrive $0xFFFF  }
0x4e: {  	_ =	shalt  }

// kernel: kernel.14.cloned.1.call-start
scs
__scs_entry_jumppad:
0x0: {  	(pc) =	sbr.rel $0x88, $3  }
0x1: {  	(tag) =	ssettag $0x0;
	lr =	simm.s32 $0x1  }
0x2: {  	[smem:$0x3F7A] =	sst lr;
	_ =	strace $0xD0000000  }
0x3: {  	_ = 	snop  }
0x4: {  	_ = 	snop  }
0x5: {  	_ = 	snop  }
0x6: {  	_ = 	snop  }
0x7: {  	_ = 	snop  }
__scs_overlays_trampoline_lowered:
0x8: {  	[smem:$0x3F89] =	sst s0  }
0x9: {  	[smem:$0x3F8A] =	sst s1  }
0xa: {  	[smem:$0x3F8B] =	sst s2  }
0xb: {  	[smem:$0x3F8C] =	sst s3  }
0xc: {  	[smem:$0x3F8D] =	sst s4  }
0xd: {  	[smem:$0x3F8E] =	sst s5  }
0xe: {  	[smem:$0x3F8F] =	sst s6  }
0xf: {  	[smem:$0x3F90] =	sst s7  }
0x10: {  	[smem:$0x3F91] =	sst s8  }
0x11: {  	[smem:$0x3F92] =	sst s9;
	s0 =	simm.s32 @!p0 $0x0  }
0x12: {  	s1 =	sld [smem:$0x3F78];
	s0 =	simm.s32 @p0 $0x1  }
0x13: {  	[smem:$0x3F93] =	sst s0;
	s0 =	simm.s32 @!p1 $0x0  }
0x14: {  	s2 =	sld [smem:$0x3F77];
	s0 =	simm.s32 @p1 $0x1  }
0x15: {  	[smem:$0x3F94] =	sst s0;
	s0 =	simm.s32 @!p2 $0x0  }
0x16: {  	s3 =	sld [smem:$0x3FDB];
	s0 =	simm.s32 @p2 $0x1  }
0x17: {  	s4 =	simm.s32 $0x1BF5;
	[smem:$0x3F96] =	sst s0  }
0x18: {  	s0 =	sld [smem:$0x3F79];
	_ =	swait.ge [sflag:s4], $0x0  }
0x19: {  	s7 =	sld [smem:$0x3F7A]  }
0x1a: {  	s8 =	sadd.s32 $0xFFFFE003, lr  }
0x1b: {  	s9 =	sadd.s32 $0xFFFFFEF7, lr;
	s5 =	simm.s32 $0xFFFFFFFF;
	p2 =	slt.u32 s8, $0xFFFFF086  }
0x1c: {  	p1 =	slt.u32 s9, $0xF7A;
	s5 =	simm.s32 @!p2 $0x0  }
0x1d: {  	s5 =	simm.s32 @p1 $0x1;
	p0 =	seq.s32 s7, s2  }
0x1e: {  	s7 =	smul.u32 @!p0 $0xF7A, s2;
	p2 =	seq.s32 @!p0 s5, $0x0  }
0x1f: {  	s9 =	smul.u32 $0xF7A, s1;
	s8 =	simm.s32 @!p0 $0x1BF5;
	p2 =	por !p2, p0  }
0x20: {  	[sflag:s8] =	ssyncset.s32 @!p0 $0xFFFFF086;
	s6 =	sadd.s32 @!p0 s3, s7;
	s7 =	simm.s32 @!p0 $0x108  }
0x21: {  	s3 =	sadd.s32 s3, s9;
	s6 =	sadd.s32 @!p0 $0x88, s6;
	s7 =	simm.s32 @p2 $0x1082  }
0x22: {  	[simem:s7], [sflag:s8] =	dma.local @!p0 [hbm:s6], $0xF7A  }
0x23: {  	s9 =	sor.u32 $0xD0000000, s2;
	s6 =	simm.s32 $0x108;
	_ =	swait.ge @!p0 [sflag:s8], $0x0  }
0x24: {  	s3 =	sadd.s32 $0x88, s3;
	s6 =	simm.s32 @!p1 $0x1082;
	[sflag:s4] =	ssyncset.s32 $0xFFFFF086  }
0x25: {  	[simem:s6], [sflag:s4] =	dma.local [hbm:s3], $0xF7A  }
0x26: {  	[smem:$0x3F7A] =	sst s1;
	(tag) =	ssettag s2;
	_ =	strace s9  }
0x27: {  	s1 =	sld [smem:$0x3F8A]  }
0x28: {  	s2 =	sld [smem:$0x3F8B]  }
0x29: {  	s4 =	sld [smem:$0x3F8D]  }
0x2a: {  	p0 =	seq.s32 s5, $0x0;
	s5 =	sld [smem:$0x3F8E]  }
0x2b: {  	s6 =	sld [smem:$0x3F8F]  }
0x2c: {  	s7 =	sld [smem:$0x3F90]  }
0x2d: {  	s3 =	simm.s32 $0x108;
	s8 =	sld [smem:$0x3F91]  }
0x2e: {  	s3 =	simm.s32 @!p0 $0x1082;
	s9 =	sld [smem:$0x3F92]  }
0x2f: {  	lr =	sadd.s32 s0, s3;
	s0 =	sld [smem:$0x3F89]  }
0x30: {  	s3 =	sld [smem:$0x3F8C]  }
0x31: {  	[smem:$0x3F95] =	sst s10  }
0x32: {  	s10 =	sld [smem:$0x3F93];
	_ =	sdelay $0x3  }
0x33: {  	p0 =	seq.s32 s10, $0x1;
	s10 =	sld [smem:$0x3F95];
	_ =	sdelay $0x3  }
0x34: {  	[smem:$0x3F95] =	sst s10  }
0x35: {  	s10 =	sld [smem:$0x3F94];
	_ =	sdelay $0x3  }
0x36: {  	p1 =	seq.s32 s10, $0x1;
	s10 =	sld [smem:$0x3F95];
	_ =	sdelay $0x3  }
0x37: {  	[smem:$0x3F95] =	sst s10  }
0x38: {  	s10 =	sld [smem:$0x3F96]  }
0x39: {  	_ = 	snop;
	(pc) =	sbr.ind lr, $3  }
0x3a: {  	_ = 	snop  }
0x3b: {  	_ = 	snop  }
0x3c: {  	p2 =	seq.s32 s10, $0x1;
	s10 =	sld [smem:$0x3F95]  }
0x3d: {  	_ =	shalt  }
0x3e: {  	_ =	shalt  }
0x3f: {  	_ =	shalt  }
0x40: {  	_ =	shalt  }
0x41: {  	_ =	shalt  }
0x42: {  	_ =	shalt  }
0x43: {  	_ =	shalt  }
0x44: {  	_ =	shalt  }
0x45: {  	_ =	shalt  }
0x46: {  	_ =	shalt  }
0x47: {  	_ =	shalt  }
0x48: {  	_ =	shalt  }
0x49: {  	_ =	shalt  }
0x4a: {  	_ =	shalt  }
0x4b: {  	_ =	shalt  }
0x4c: {  	_ =	shalt  }
0x4d: {  	_ =	shalt  }
0x4e: {  	_ =	shalt  }
0x4f: {  	_ =	shalt  }
0x50: {  	_ =	shalt  }
0x51: {  	_ =	shalt  }
0x52: {  	_ =	shalt  }
0x53: {  	_ =	shalt  }
0x54: {  	_ =	shalt  }
0x55: {  	_ =	shalt  }
0x56: {  	_ =	shalt  }
0x57: {  	_ =	shalt  }
0x58: {  	_ =	shalt  }
0x59: {  	_ =	shalt  }
0x5a: {  	_ =	shalt  }
0x5b: {  	_ =	shalt  }
0x5c: {  	_ =	shalt  }
0x5d: {  	_ =	shalt  }
0x5e: {  	_ =	shalt  }
0x5f: {  	_ =	shalt  }
0x60: {  	_ =	shalt  }
0x61: {  	_ =	shalt  }
0x62: {  	_ =	shalt  }
0x63: {  	_ =	shalt  }
0x64: {  	_ =	shalt  }
0x65: {  	_ =	shalt  }
0x66: {  	_ =	shalt  }
0x67: {  	_ =	shalt  }
0x68: {  	_ =	shalt  }
0x69: {  	_ =	shalt  }
0x6a: {  	_ =	shalt  }
0x6b: {  	_ =	shalt  }
0x6c: {  	_ =	shalt  }
0x6d: {  	_ =	shalt  }
0x6e: {  	_ =	shalt  }
0x6f: {  	_ =	shalt  }
0x70: {  	_ =	shalt  }
0x71: {  	_ =	shalt  }
0x72: {  	_ =	shalt  }
0x73: {  	_ =	shalt  }
0x74: {  	_ =	shalt  }
0x75: {  	_ =	shalt  }
0x76: {  	_ =	shalt  }
0x77: {  	_ =	shalt  }
0x78: {  	_ =	shalt  }
0x79: {  	_ =	shalt  }
0x7a: {  	_ =	shalt  }
0x7b: {  	_ =	shalt  }
0x7c: {  	_ =	shalt  }
0x7d: {  	_ =	shalt  }
0x7e: {  	_ =	shalt  }
0x7f: {  	_ =	shalt  }
0x80: {  	_ =	shalt  }
0x81: {  	_ =	shalt  }
0x82: {  	_ =	shalt  }
0x83: {  	_ =	shalt  }
0x84: {  	_ =	shalt  }
0x85: {  	_ =	shalt  }
0x86: {  	_ =	shalt  }
0x87: {  	_ =	shalt  }
.Lfunc_end0:
.L_simem_size_0:
called_computation.2_lowered:
.L_overlay_start_0:
0x88: {  	s2 =	sld [smem:$0x3FD9]  }
0x89: {  	s3 =	sld [smem:$0x3FFE];
	_ =	sdelay $0x1  }
0x8a: {  	s1 =	srdreg.scid  }
0x8b: {  	s0 =	sand.u32 $0x1, s1  }
0x8c: {  	s16 =	sshll.u32 s0, $0xA;
	s2 =	sadd.s32 s3, s2  }
0x8d: {  	s2 =	sadd.s32 s2, s16  }
0x8e: {  	[smem:$0x3FA1] =	sst s2  }
0x8f: {  	_ = 	snop  }
0x90: {  	(tm) =	ssettm $0x1  }
0x91: {  	s17 =	sld [smem:$0x3FFB];
	_ =	sdelay $0x3  }
0x92: {  	_ =	strace s17  }
0x93: {  	s2 =	sld [smem:$0x3FFC];
	_ =	sdelay $0x3  }
0x94: {  	_ =	strace s2  }
0x95: {  	s2 =	sld [smem:$0x3FFD];
	_ =	sdelay $0x3  }
0x96: {  	_ =	strace s2  }
0x97: {  	_ =	strace $0x8FFFFFFF  }
0x98: {  	s18 =	sld [smem:$0x3FDB];
	_ =	sdelay $0x1  }
0x99: {  	s19 =	simm.s32 $_scs_section_size  }
0x9a: {  	s4 =	simm.s32 $_size__tile_overlayer_lowered;
	s5 =	simm.s32 $_tile_overlayer_lowered  }
0x9b: {  	s22 =	simm.s32 $0x1BFF;
	s21 =	sshll.u32 s5, $0x1;
	s2 =	sadd.s32 s19, s18  }
0x9c: {  	s6 =	simm.s32 $0x0;
	s20 =	sshll.u32 s4, $0x1;
	s4 =	sadd.s32 s21, s2  }
0x9d: {  	[timem:s6], [sflag:s22] =	dma.local [hbm:s4], s20  }
0x9e: {  	_ =	swait.ge [sflag:s22], s20  }
0x9f: {  	s3 =	ssub.s32 $0x0, s20;
	[sflag:s22] =	ssyncset.done $0x0  }
0xa0: {  	[sflag:s22] =	ssyncadd.s32 s3;
	_ =	sdelay $0x1  }
0xa1: {  	s23 =	simm.s32 $0x1B8B  }
0xa2: {  	_ =	swait.ge [sflag:s23], $0x1  }
0xa3: {  	[sflag:s23] =	ssyncset.done $0x0  }
0xa4: {  	s25 =	simm.s32 $0x1B8E;
	s24 =	sld [smem:$0x3FFE];
	[sflag:s23] =	ssyncadd.s32 $0xFFFFFFFF  }
0xa5: {  	s26 =	simm.s32 $execute0_lowered;
	[smem:$0x3FD2] =	sst s25  }
0xa6: {  	s4 =	sshll.u32 s26, $0x1;
	_ =	strace $0x8000004C;
	[dreg:$0x1] =	wrdreg $0xFFFFFFFF  }
0xa7: {  	s28 =	simm.s32 $_size_execute0_lowered;
	s2 =	sadd.s32 s2, s4;
	[dreg:$0x0] =	wrdreg $0x0  }
0xa8: {  	s4 =	sshll.u32 s28, $0x1;
	[dreg:$0x2] =	wrdreg s2  }
0xa9: {  	[dreg:$0x3] =	wrdreg s4  }
0xaa: {  	[dreg:$0x4] =	wrdreg $0xC0  }
0xab: {  	_ =	task [dreg:s6], $0x5FFFF  }
0xac: {  	[dreg:$0x1] =	wrdreg $0xFFFFFFFF  }
0xad: {  	[dreg:$0x0] =	wrdreg $0x60  }
0xae: {  	[dreg:$0x2] =	wrdreg s24  }
0xaf: {  	[dreg:$0x3] =	wrdreg $0x91000  }
0xb0: {  	[dreg:$0x4] =	wrdreg $0x9  }
0xb1: {  	_ =	task.clear_ibuf [dreg:s6], $0x5FFFF;
	_ =	strace $0x9000004C  }
0xb2: {  	s29 =	simm.s32 $0x9;
	_ =	strace $0x8000004E  }
0xb3: {  	_ =	swait.ge [sflag:s29], $0x1  }
0xb4: {  	[sflag:s29] =	ssyncadd.s32 $0xFFFFFFFF  }
0xb5: {  	_ =	strace $0x9000004E  }
0xb6: {  	_ =	sfence  }
0xb7: {  	s30 =	sld [smem:$0x0];
	_ =	sdelay $0x2  }
0xb8: {  	s31 =	sshll.u32 s1, $0xD;
	s1 =	sshrl.u32 s1, $0x2  }
0xb9: {  	s3 =	sand.u32 $0x4000, s31;
	s1 =	sadd.s32 s1, s30  }
0xba: {  	s0 =	sor.u32 s3, s0;
	s1 =	sshll.u32 s1, $0x11  }
0xbb: {  	s0 =	sor.u32 s1, s0  }
0xbc: {  	s0 =	sadd.s32 $0x8F2B, s0  }
0xbd: {  	[sflag:s0] =	ssyncadd.remote.s32 $0x1  }
0xbe: {  	_ =	sfence.sel $0xFFFF  }
0xbf: {  	[dreg:$0x0] =	wrdreg $0xFFFFFFFF;
	(pc) =	sbr.abs _section_cstart, $3  }
0xc0: {  	[dreg:$0x1] =	wrdreg $0xFFFFFFFF  }
0xc1: {  	_ =	task.clear_ibuf [dreg:s6], $0x2FFFF;
	_ =	strace $0x9FFFFFFF  }
0xc2: {  	(tm) =	ssettm $0x7FFFFFFF  }
0xc3: {  	_ =	shalt  }
tec
execute0_lowered:
.L_overlay_start_1:
0x0: {  	(tag) =	ssettag $0x1  }
0x1: {  	s1 =	srdreg.scid;
	s5 =	rddreg [dreg:$0x0]  }
0x2: {  	s0 =	stileid.u32;
	s2 =	rddreg [dreg:$0x1];
	s3 =	simm.s32 $0x0  }
0x3: {  	s15 =	simm.s32 $0x2;
	s16 =	simm.s32 $0x80;
	s17 =	simm.s32 $0x50  }
0x4: {  	s18 =	simm.s32 $0x100;
	s19 =	simm.s32 $0x1;
	s4 =	smul.u32 $0x4E20, s0  }
0x5: {  	s6 =	sand.u32 $0x1, s1;
	s1 =	rddreg [dreg:$0x2];
	s8 =	smul.u32 $0x4E000, s0  }
0x6: {  	s20 =	simm.s32 $0x0;
	[smem:$0x7FF] =	sst s3;
	s31 =	smul.u32 $0x13800, s0  }
0x7: {  	s10 =	sadd.s32 $0x61C00, s5;
	p0 =	sne.s32 s0, $0xF;
	s7 =	smul.u32 $0x2710, s6  }
0x8: {  	_ =	strace $0x8000004D;
	s9 =	smul.u32 $0x138800, s6;
	s6 =	ssub.s32 $0x2, s6  }
0x9: {  	s30 =	sshrl.u32 s8, $0x2;
	s11 =	sshrl.u32 s6, $0x1;
	s4 =	sadd.s32 s7, s4  }
0xa: {  	s11 =	ssub.s32 s6, s11;
	s8 =	sadd.s32 s31, s9;
	s14 =	sshrl.u32 s9, $0x3  }
0xb: {  	s7 =	sshrl.u32 s4, $0x3;
	s4 =	sadd.s32 $0x26E00, s5;
	s12 =	sshrl.u32 s8, $0x3  }
0xc: {  	s8 =	sadd.s32 $0x138000, s2;
	s11 =	smax.u32 s11, $0x1;
	s13 =	sadd.s32 s7, s5  }
0xd: {  	s5 =	sadd.s32 s30, s2;
	s9 =	sadd.s32 s10, s12;
	s10 =	sadd.s32 s10, s14  }
0xe: {  	s14 =	simm.s32 $0x2900;
	s6 =	sadd.s32 $0x6800, s5;
	s7 =	sadd.s32 $0xD000, s5  }
0xf: {  	v0 =	vimm.f32 $0.0e+00;
	s10 =	sadd.s32 $0x27000, s10;
	s12 =	sadd.s32 $0x4E000, s13;
	s13 =	sadd.s32 $0x57E00, s13  }
.LBB2_1:
0x10: {  	s21 =	sand.u32 $0x1FE00, s3  }
0x11: {  	s22 =	sand.u32 $0x70, s3;
	s23 =	sshrl.u32 s21, $0x2  }
0x12: {  	s21 =	simm.s32 $0x40;
	s23 =	sor.u32 s22, s23;
	s22 =	simm.s32 $0x0  }
.LBB2_2:
0x13: {  	p1 =	sne.s32 s21, $0x19FC0  }
0x14: {  	[tilespmem:s23+$0x2900] =	vst v0;
	s22 =	sadd.s32 $0x10, s22;
	s23 =	smov.u32 s21;
	s21 =	sadd.s32 $0x40, s21  }
.Ltmp0:
0x15: {  	(pc) =	sbr.rel @p1 .LBB2_2-.Ltmp0, $4  }
0x16: {  	_ = 	snop  }
0x17: {  	s23 =	sand.u32 $0x1FE00, s23  }
0x18: {  	s24 =	sand.u32 $0x70, s22;
	s23 =	sshrl.u32 s23, $0x2  }
0x19: {  	s23 =	sor.u32 s24, s23  }
0x1a: {  	[tilespmem:s23+$0x2900] =	vst v0  }
0x1b: {  	[spmem:s5] =	stream.linear.scatter [tilespmem:s14], [sflag:$0x2], $0x6800, $0x38;
	[tilespmem:$0x1C980] =	vst v63  }
0x1c: {  	_ =	swait.ge [sflag:s15], $0x6800  }
0x1d: {  	[sflag:s15] =	ssyncset.done $0x0  }
0x1e: {  	[sflag:s15] =	ssyncadd.s32 $0xFFFF9800  }
0x1f: {  	[spmem:s6] =	stream.linear.scatter [tilespmem:s14], [sflag:$0x2], $0x6800, $0x38;
	[tilespmem:$0x1C980] =	vst v63  }
0x20: {  	_ =	swait.ge [sflag:s15], $0x6800  }
0x21: {  	[sflag:s15] =	ssyncset.done $0x0  }
0x22: {  	[sflag:s15] =	ssyncadd.s32 $0xFFFF9800  }
0x23: {  	[spmem:s7] =	stream.linear.scatter [tilespmem:s14], [sflag:$0x2], $0x6800, $0x38;
	[tilespmem:$0x1C980] =	vst v63  }
0x24: {  	_ =	swait.ge [sflag:s15], $0x6800  }
0x25: {  	[sflag:s15] =	ssyncset.done $0x0  }
0x26: {  	s21 =	simm.s32 @!p0 $0x2900;
	[sflag:s15] =	ssyncadd.s32 $0xFFFF9800  }
0x27: {  	[spmem:s8] =	stream.linear.scatter @!p0 [tilespmem:s21], [sflag:$0x2], $0x800, $0x38;
	[tilespmem:$0x1C980] =	vst v63  }
0x28: {  	s21 =	simm.s32 @!p0 $0x2  }
0x29: {  	_ =	swait.ge @!p0 [sflag:s21], $0x800  }
0x2a: {  	[sflag:s21] =	ssyncset.done @!p0 $0x0  }
0x2b: {  	[sflag:s21] =	ssyncadd.s32 @!p0 $0xFFFFF800  }
0x2c: {  	s30 =	sadd.s32 $0x0, s13;
	[bflag:$0x0] =	sbarrier.arrive $0xFFFF  }
0x2d: {  	[tilespmem:s3], [sflag:$0x2] =	stream.linear.gather [hbm4b:s30+s3], $0x50, $0x38;
	[tilespmem:$0x1C980] =	vst v63  }
0x2e: {  	_ =	swait.ge [sflag:s15], $0x50  }
0x2f: {  	[sflag:s15] =	ssyncset.done $0x0  }
0x30: {  	s31 =	sadd.s32 $0x0, s12;
	[sflag:s15] =	ssyncadd.s32 $0xFFFFFFB0  }
0x31: {  	[tilespmem:s16], [sflag:$0x2] =	stream.linear.gather [hbm4b:s31+s3], $0x50, $0x38;
	[tilespmem:$0x1C980] =	vst v63  }
0x32: {  	_ =	swait.ge [sflag:s15], $0x50  }
0x33: {  	[sflag:s15] =	ssyncset.done $0x0  }
0x34: {  	[sflag:s15] =	ssyncadd.s32 $0xFFFFFFB0  }
0x35: {  	[tilespmem:s18], [sflag:$0x1] =	stream.indirect.gather [hbm4b:s4+s17], $0x80, s3, s17, $0xb8;
	[tilespmem:$0x1C980] =	vst v63  }
0x36: {  	_ =	swait.ge [sflag:s19], $0x2800  }
0x37: {  	[sflag:s19] =	ssyncset.done $0x0  }
0x38: {  	[sflag:s19] =	ssyncadd.s32 $0xFFFFD800  }
0x39: {  	[spmem:s2] =	stream.indirect.scatter.add.f32 [tilespmem:s18], [sflag:$0x2], $0x80, s16, s17, $0xb8;
	[tilespmem:$0x1C980] =	vst v63  }
0x3a: {  	_ =	swait.ge [sflag:s15], $0x2800  }
0x3b: {  	s22 =	simm.s32 $0x14;
	s21 =	simm.s32 $0xA;
	[sflag:s15] =	ssyncset.done $0x0  }
.LBB2_4:
0x3c: {  	s23 =	sadd.s32 s21, s13  }
0x3d: {  	[sflag:s15] =	ssyncadd.s32 $0xFFFFD800;
	s24 =	smov.u32 s22;
	s25 =	sadd.s32 $0xA, s22  }
0x3e: {  	[tilespmem:s3], [sflag:$0x2] =	stream.linear.gather [hbm4b:s23+s3], $0x50, $0x38;
	[tilespmem:$0x1C980] =	vst v63  }
0x3f: {  	p1 =	sne.s32 s22, $0x4D8;
	_ =	swait.ge [sflag:s15], $0x50  }
0x40: {  	[sflag:s15] =	ssyncset.done $0x0  }
0x41: {  	s22 =	sadd.s32 s21, s12;
	s21 =	smov.u32 s24;
	[sflag:s15] =	ssyncadd.s32 $0xFFFFFFB0  }
0x42: {  	[tilespmem:s16], [sflag:$0x2] =	stream.linear.gather [hbm4b:s22+s3], $0x50, $0x38;
	[tilespmem:$0x1C980] =	vst v63  }
0x43: {  	_ =	swait.ge [sflag:s15], $0x50  }
0x44: {  	[sflag:s15] =	ssyncset.done $0x0  }
0x45: {  	[sflag:s15] =	ssyncadd.s32 $0xFFFFFFB0  }
0x46: {  	[tilespmem:s18], [sflag:$0x1] =	stream.indirect.gather [hbm4b:s4+s17], $0x80, s3, s17, $0xb8;
	[tilespmem:$0x1C980] =	vst v63  }
0x47: {  	_ =	swait.ge [sflag:s19], $0x2800  }
.Ltmp1:
0x48: {  	[sflag:s19] =	ssyncset.done $0x0;
	(pc) =	sbr.rel @p1 .LBB2_4-.Ltmp1, $4  }
0x49: {  	[sflag:s19] =	ssyncadd.s32 $0xFFFFD800  }
0x4a: {  	[spmem:s2] =	stream.indirect.scatter.add.f32 [tilespmem:s18], [sflag:$0x2], $0x80, s16, s17, $0xb8;
	[tilespmem:$0x1C980] =	vst v63  }
0x4b: {  	_ =	swait.ge [sflag:s15], $0x2800  }
0x4c: {  	s22 =	smov.u32 s25;
	[sflag:s15] =	ssyncset.done $0x0  }
0x4d: {  	s22 =	sadd.s32 s21, s13;
	[sflag:s15] =	ssyncadd.s32 $0xFFFFD800  }
0x4e: {  	[tilespmem:s3], [sflag:$0x2] =	stream.linear.gather [hbm4b:s22+s3], $0x50, $0x38;
	[tilespmem:$0x1C980] =	vst v63  }
0x4f: {  	_ =	swait.ge [sflag:s15], $0x50  }
0x50: {  	[sflag:s15] =	ssyncset.done $0x0  }
0x51: {  	s29 =	sadd.s32 s21, s12;
	[sflag:s15] =	ssyncadd.s32 $0xFFFFFFB0  }
0x52: {  	[tilespmem:s16], [sflag:$0x2] =	stream.linear.gather [hbm4b:s29+s3], $0x50, $0x38;
	[tilespmem:$0x1C980] =	vst v63  }
0x53: {  	_ =	swait.ge [sflag:s15], $0x50  }
0x54: {  	[sflag:s15] =	ssyncset.done $0x0  }
0x55: {  	[sflag:s15] =	ssyncadd.s32 $0xFFFFFFB0  }
0x56: {  	[tilespmem:s18], [sflag:$0x1] =	stream.indirect.gather [hbm4b:s4+s17], $0x80, s3, s17, $0xb8;
	[tilespmem:$0x1C980] =	vst v63  }
0x57: {  	_ =	swait.ge [sflag:s19], $0x2800  }
0x58: {  	[sflag:s19] =	ssyncset.done $0x0  }
0x59: {  	[sflag:s19] =	ssyncadd.s32 $0xFFFFD800  }
0x5a: {  	[spmem:s2] =	stream.indirect.scatter.add.f32 [tilespmem:s18], [sflag:$0x2], $0x80, s16, s17, $0xb8;
	[tilespmem:$0x1C980] =	vst v63  }
0x5b: {  	_ =	swait.ge [sflag:s15], $0x2800  }
0x5c: {  	[sflag:s15] =	ssyncset.done $0x0  }
0x5d: {  	s30 =	sshll.u32 s0, $0x6;
	[sflag:s15] =	ssyncadd.s32 $0xFFFFD800  }
0x5e: {  	s31 =	sshrl.u32 s5, $0x3;
	s21 =	sor.u32 $0x1C02, s30;
	[bflag:$0x0] =	sbarrier.arrive $0xFFFF  }
0x5f: {  	[hbm:s9], [sflag:s21] =	dma.local [spmem:s31], $0x2700  }
0x60: {  	_ =	swait.ge [sflag:s15], $0x2700  }
0x61: {  	s20 =	sadd.s32 $0x1, s20;
	[sflag:s15] =	ssyncset.done $0x0  }
0x62: {  	s22 =	sshrl.u32 @!p0 s8, $0x3;
	p1 =	sne.s32 s20, s11;
	[sflag:s15] =	ssyncadd.s32 $0xFFFFD900  }
0x63: {  	[hbm:s10], [sflag:s21] =	dma.local @!p0 [spmem:s22], $0x100  }
.Ltmp2:
0x64: {  	_ = 	snop;
	(pc) =	sbr.rel @p1 .LBB2_1-.Ltmp2, $4  }
0x65: {  	s21 =	simm.s32 @!p0 $0x2  }
0x66: {  	_ =	swait.ge @!p0 [sflag:s21], $0x100  }
0x67: {  	[sflag:s21] =	ssyncset.done @!p0 $0x0  }
0x68: {  	[sflag:s21] =	ssyncadd.s32 @!p0 $0xFFFFFF00  }
0x69: {  	_ =	sfence.sel $0x180000  }
0x6a: {  	[bflag:$0x0] =	sbarrier.arrive $0xFFFF  }
0x6b: {  	p0 =	sne.s32 s0, $0x0;
	_ =	strace $0x9000004D  }
0x6c: {  	s0 =	sadd.s32 @!p0 $0x100000, s1;
	[bflag:$0x2] =	sbarrier.arrive $0xFFFF  }
0x6d: {  	[sflag:s0] =	ssyncadd.tile.s32 @!p0 $0x1;
	_ =	shalt  }
.Lfunc_end2:
_tile_overlayer_lowered:
.L_overlay_start_2:
0x6e: {  	(tag) =	ssettag $0x2  }
0x6f: {  	s0 =	rddreg [dreg:$0x0];
	s2 =	stileid.u32  }
0x70: {  	s1 =	rddreg [dreg:$0x1];
	p0 =	sne.s32 s2, $0x0  }
0x71: {  	s3 =	rddreg [dreg:$0x2];
	[bflag:$0x3] =	sbarrier.arrive $0xFFFF;
	s2 =	simm.s32 @!p0 $0x1C02  }
0x72: {  	[timem:s3], [sflag:s2] =	dma.local @!p0 [hbm:s0], s1  }
0x73: {  	s0 =	simm.s32 @!p0 $0x2  }
0x74: {  	_ =	swait.ge @!p0 [sflag:s0], s1  }
0x75: {  	s1 =	ssub.s32 @!p0 $0x0, s1;
	[sflag:s0] =	ssyncset.done @!p0 $0x0  }
0x76: {  	[sflag:s0] =	ssyncadd.s32 @!p0 s1  }
0x77: {  	[bflag:$0x3] =	sbarrier.arrive $0xFFFF  }
0x78: {  	_ =	shalt  }

// kernel: kernel.17.cloned.1.call-start
scs
__scs_entry_jumppad:
0x0: {  	(pc) =	sbr.rel $0x88, $3  }
0x1: {  	(tag) =	ssettag $0x0;
	lr =	simm.s32 $0x1  }
0x2: {  	[smem:$0x3F7A] =	sst lr;
	_ =	strace $0xD0000000  }
0x3: {  	_ = 	snop  }
0x4: {  	_ = 	snop  }
0x5: {  	_ = 	snop  }
0x6: {  	_ = 	snop  }
0x7: {  	_ = 	snop  }
__scs_overlays_trampoline_lowered:
0x8: {  	[smem:$0x3F89] =	sst s0  }
0x9: {  	[smem:$0x3F8A] =	sst s1  }
0xa: {  	[smem:$0x3F8B] =	sst s2  }
0xb: {  	[smem:$0x3F8C] =	sst s3  }
0xc: {  	[smem:$0x3F8D] =	sst s4  }
0xd: {  	[smem:$0x3F8E] =	sst s5  }
0xe: {  	[smem:$0x3F8F] =	sst s6  }
0xf: {  	[smem:$0x3F90] =	sst s7  }
0x10: {  	[smem:$0x3F91] =	sst s8  }
0x11: {  	[smem:$0x3F92] =	sst s9;
	s0 =	simm.s32 @!p0 $0x0  }
0x12: {  	s1 =	sld [smem:$0x3F78];
	s0 =	simm.s32 @p0 $0x1  }
0x13: {  	[smem:$0x3F93] =	sst s0;
	s0 =	simm.s32 @!p1 $0x0  }
0x14: {  	s2 =	sld [smem:$0x3F77];
	s0 =	simm.s32 @p1 $0x1  }
0x15: {  	[smem:$0x3F94] =	sst s0;
	s0 =	simm.s32 @!p2 $0x0  }
0x16: {  	s3 =	sld [smem:$0x3FDB];
	s0 =	simm.s32 @p2 $0x1  }
0x17: {  	s4 =	simm.s32 $0x1BF5;
	[smem:$0x3F96] =	sst s0  }
0x18: {  	s0 =	sld [smem:$0x3F79];
	_ =	swait.ge [sflag:s4], $0x0  }
0x19: {  	s7 =	sld [smem:$0x3F7A]  }
0x1a: {  	s8 =	sadd.s32 $0xFFFFE003, lr  }
0x1b: {  	s9 =	sadd.s32 $0xFFFFFEF7, lr;
	s5 =	simm.s32 $0xFFFFFFFF;
	p2 =	slt.u32 s8, $0xFFFFF086  }
0x1c: {  	p1 =	slt.u32 s9, $0xF7A;
	s5 =	simm.s32 @!p2 $0x0  }
0x1d: {  	s5 =	simm.s32 @p1 $0x1;
	p0 =	seq.s32 s7, s2  }
0x1e: {  	s7 =	smul.u32 @!p0 $0xF7A, s2;
	p2 =	seq.s32 @!p0 s5, $0x0  }
0x1f: {  	s9 =	smul.u32 $0xF7A, s1;
	s8 =	simm.s32 @!p0 $0x1BF5;
	p2 =	por !p2, p0  }
0x20: {  	[sflag:s8] =	ssyncset.s32 @!p0 $0xFFFFF086;
	s6 =	sadd.s32 @!p0 s3, s7;
	s7 =	simm.s32 @!p0 $0x108  }
0x21: {  	s3 =	sadd.s32 s3, s9;
	s6 =	sadd.s32 @!p0 $0x88, s6;
	s7 =	simm.s32 @p2 $0x1082  }
0x22: {  	[simem:s7], [sflag:s8] =	dma.local @!p0 [hbm:s6], $0xF7A  }
0x23: {  	s9 =	sor.u32 $0xD0000000, s2;
	s6 =	simm.s32 $0x108;
	_ =	swait.ge @!p0 [sflag:s8], $0x0  }
0x24: {  	s3 =	sadd.s32 $0x88, s3;
	s6 =	simm.s32 @!p1 $0x1082;
	[sflag:s4] =	ssyncset.s32 $0xFFFFF086  }
0x25: {  	[simem:s6], [sflag:s4] =	dma.local [hbm:s3], $0xF7A  }
0x26: {  	[smem:$0x3F7A] =	sst s1;
	(tag) =	ssettag s2;
	_ =	strace s9  }
0x27: {  	s1 =	sld [smem:$0x3F8A]  }
0x28: {  	s2 =	sld [smem:$0x3F8B]  }
0x29: {  	s4 =	sld [smem:$0x3F8D]  }
0x2a: {  	p0 =	seq.s32 s5, $0x0;
	s5 =	sld [smem:$0x3F8E]  }
0x2b: {  	s6 =	sld [smem:$0x3F8F]  }
0x2c: {  	s7 =	sld [smem:$0x3F90]  }
0x2d: {  	s3 =	simm.s32 $0x108;
	s8 =	sld [smem:$0x3F91]  }
0x2e: {  	s3 =	simm.s32 @!p0 $0x1082;
	s9 =	sld [smem:$0x3F92]  }
0x2f: {  	lr =	sadd.s32 s0, s3;
	s0 =	sld [smem:$0x3F89]  }
0x30: {  	s3 =	sld [smem:$0x3F8C]  }
0x31: {  	[smem:$0x3F95] =	sst s10  }
0x32: {  	s10 =	sld [smem:$0x3F93];
	_ =	sdelay $0x3  }
0x33: {  	p0 =	seq.s32 s10, $0x1;
	s10 =	sld [smem:$0x3F95];
	_ =	sdelay $0x3  }
0x34: {  	[smem:$0x3F95] =	sst s10  }
0x35: {  	s10 =	sld [smem:$0x3F94];
	_ =	sdelay $0x3  }
0x36: {  	p1 =	seq.s32 s10, $0x1;
	s10 =	sld [smem:$0x3F95];
	_ =	sdelay $0x3  }
0x37: {  	[smem:$0x3F95] =	sst s10  }
0x38: {  	s10 =	sld [smem:$0x3F96]  }
0x39: {  	_ = 	snop;
	(pc) =	sbr.ind lr, $3  }
0x3a: {  	_ = 	snop  }
0x3b: {  	_ = 	snop  }
0x3c: {  	p2 =	seq.s32 s10, $0x1;
	s10 =	sld [smem:$0x3F95]  }
0x3d: {  	_ =	shalt  }
0x3e: {  	_ =	shalt  }
0x3f: {  	_ =	shalt  }
0x40: {  	_ =	shalt  }
0x41: {  	_ =	shalt  }
0x42: {  	_ =	shalt  }
0x43: {  	_ =	shalt  }
0x44: {  	_ =	shalt  }
0x45: {  	_ =	shalt  }
0x46: {  	_ =	shalt  }
0x47: {  	_ =	shalt  }
0x48: {  	_ =	shalt  }
0x49: {  	_ =	shalt  }
0x4a: {  	_ =	shalt  }
0x4b: {  	_ =	shalt  }
0x4c: {  	_ =	shalt  }
0x4d: {  	_ =	shalt  }
0x4e: {  	_ =	shalt  }
0x4f: {  	_ =	shalt  }
0x50: {  	_ =	shalt  }
0x51: {  	_ =	shalt  }
0x52: {  	_ =	shalt  }
0x53: {  	_ =	shalt  }
0x54: {  	_ =	shalt  }
0x55: {  	_ =	shalt  }
0x56: {  	_ =	shalt  }
0x57: {  	_ =	shalt  }
0x58: {  	_ =	shalt  }
0x59: {  	_ =	shalt  }
0x5a: {  	_ =	shalt  }
0x5b: {  	_ =	shalt  }
0x5c: {  	_ =	shalt  }
0x5d: {  	_ =	shalt  }
0x5e: {  	_ =	shalt  }
0x5f: {  	_ =	shalt  }
0x60: {  	_ =	shalt  }
0x61: {  	_ =	shalt  }
0x62: {  	_ =	shalt  }
0x63: {  	_ =	shalt  }
0x64: {  	_ =	shalt  }
0x65: {  	_ =	shalt  }
0x66: {  	_ =	shalt  }
0x67: {  	_ =	shalt  }
0x68: {  	_ =	shalt  }
0x69: {  	_ =	shalt  }
0x6a: {  	_ =	shalt  }
0x6b: {  	_ =	shalt  }
0x6c: {  	_ =	shalt  }
0x6d: {  	_ =	shalt  }
0x6e: {  	_ =	shalt  }
0x6f: {  	_ =	shalt  }
0x70: {  	_ =	shalt  }
0x71: {  	_ =	shalt  }
0x72: {  	_ =	shalt  }
0x73: {  	_ =	shalt  }
0x74: {  	_ =	shalt  }
0x75: {  	_ =	shalt  }
0x76: {  	_ =	shalt  }
0x77: {  	_ =	shalt  }
0x78: {  	_ =	shalt  }
0x79: {  	_ =	shalt  }
0x7a: {  	_ =	shalt  }
0x7b: {  	_ =	shalt  }
0x7c: {  	_ =	shalt  }
0x7d: {  	_ =	shalt  }
0x7e: {  	_ =	shalt  }
0x7f: {  	_ =	shalt  }
0x80: {  	_ =	shalt  }
0x81: {  	_ =	shalt  }
0x82: {  	_ =	shalt  }
0x83: {  	_ =	shalt  }
0x84: {  	_ =	shalt  }
0x85: {  	_ =	shalt  }
0x86: {  	_ =	shalt  }
0x87: {  	_ =	shalt  }
.Lfunc_end0:
.L_simem_size_0:
called_computation.3_lowered:
.L_overlay_start_0:
0x88: {  	s2 =	sld [smem:$0x3FD9]  }
0x89: {  	s3 =	sld [smem:$0x3FFE];
	_ =	sdelay $0x1  }
0x8a: {  	s1 =	srdreg.scid  }
0x8b: {  	s0 =	sand.u32 $0x1, s1  }
0x8c: {  	s16 =	sshll.u32 s0, $0xA;
	s2 =	sadd.s32 s3, s2  }
0x8d: {  	s2 =	sadd.s32 s2, s16  }
0x8e: {  	[smem:$0x3FA1] =	sst s2  }
0x8f: {  	_ = 	snop  }
0x90: {  	(tm) =	ssettm $0x1  }
0x91: {  	s17 =	sld [smem:$0x3FFB];
	_ =	sdelay $0x3  }
0x92: {  	_ =	strace s17  }
0x93: {  	s2 =	sld [smem:$0x3FFC];
	_ =	sdelay $0x3  }
0x94: {  	_ =	strace s2  }
0x95: {  	s2 =	sld [smem:$0x3FFD];
	_ =	sdelay $0x3  }
0x96: {  	_ =	strace s2  }
0x97: {  	_ =	strace $0x8FFFFFFF  }
0x98: {  	s18 =	sld [smem:$0x3FDB];
	_ =	sdelay $0x1  }
0x99: {  	s19 =	simm.s32 $_scs_section_size  }
0x9a: {  	s4 =	simm.s32 $_size__tile_overlayer_lowered;
	s5 =	simm.s32 $_tile_overlayer_lowered  }
0x9b: {  	s22 =	simm.s32 $0x1BFF;
	s21 =	sshll.u32 s5, $0x1;
	s2 =	sadd.s32 s19, s18  }
0x9c: {  	s6 =	simm.s32 $0x0;
	s20 =	sshll.u32 s4, $0x1;
	s4 =	sadd.s32 s21, s2  }
0x9d: {  	[timem:s6], [sflag:s22] =	dma.local [hbm:s4], s20  }
0x9e: {  	_ =	swait.ge [sflag:s22], s20  }
0x9f: {  	s3 =	ssub.s32 $0x0, s20;
	[sflag:s22] =	ssyncset.done $0x0  }
0xa0: {  	[sflag:s22] =	ssyncadd.s32 s3;
	_ =	sdelay $0x1  }
0xa1: {  	s23 =	simm.s32 $0x1B8B  }
0xa2: {  	_ =	swait.ge [sflag:s23], $0x1  }
0xa3: {  	[sflag:s23] =	ssyncset.done $0x0  }
0xa4: {  	s25 =	simm.s32 $0x1B8E;
	s24 =	sld [smem:$0x3FFE];
	[sflag:s23] =	ssyncadd.s32 $0xFFFFFFFF  }
0xa5: {  	s26 =	simm.s32 $execute0_lowered;
	[smem:$0x3FD2] =	sst s25  }
0xa6: {  	s4 =	sshll.u32 s26, $0x1;
	_ =	strace $0x8000004F;
	[dreg:$0x1] =	wrdreg $0xFFFFFFFF  }
0xa7: {  	s28 =	simm.s32 $_size_execute0_lowered;
	s2 =	sadd.s32 s2, s4;
	[dreg:$0x0] =	wrdreg $0x0  }
0xa8: {  	s4 =	sshll.u32 s28, $0x1;
	[dreg:$0x2] =	wrdreg s2  }
0xa9: {  	[dreg:$0x3] =	wrdreg s4  }
0xaa: {  	[dreg:$0x4] =	wrdreg $0xC0  }
0xab: {  	_ =	task [dreg:s6], $0x5FFFF  }
0xac: {  	[dreg:$0x1] =	wrdreg $0xFFFFFFFF  }
0xad: {  	[dreg:$0x0] =	wrdreg $0x60  }
0xae: {  	[dreg:$0x2] =	wrdreg s24  }
0xaf: {  	[dreg:$0x3] =	wrdreg $0x91000  }
0xb0: {  	[dreg:$0x4] =	wrdreg $0x9  }
0xb1: {  	_ =	task.clear_ibuf [dreg:s6], $0x5FFFF;
	_ =	strace $0x9000004F  }
0xb2: {  	s29 =	simm.s32 $0x9;
	_ =	strace $0x80000051  }
0xb3: {  	_ =	swait.ge [sflag:s29], $0x1  }
0xb4: {  	[sflag:s29] =	ssyncadd.s32 $0xFFFFFFFF  }
0xb5: {  	_ =	strace $0x90000051  }
0xb6: {  	_ =	sfence  }
0xb7: {  	s30 =	sld [smem:$0x0];
	_ =	sdelay $0x2  }
0xb8: {  	s31 =	sshll.u32 s1, $0xD;
	s1 =	sshrl.u32 s1, $0x2  }
0xb9: {  	s3 =	sand.u32 $0x4000, s31;
	s1 =	sadd.s32 s1, s30  }
0xba: {  	s0 =	sor.u32 s3, s0;
	s1 =	sshll.u32 s1, $0x11  }
0xbb: {  	s0 =	sor.u32 s1, s0  }
0xbc: {  	s0 =	sadd.s32 $0x8F2B, s0  }
0xbd: {  	[sflag:s0] =	ssyncadd.remote.s32 $0x1  }
0xbe: {  	_ =	sfence.sel $0xFFFF  }
0xbf: {  	[dreg:$0x0] =	wrdreg $0xFFFFFFFF;
	(pc) =	sbr.abs _section_cstart, $3  }
0xc0: {  	[dreg:$0x1] =	wrdreg $0xFFFFFFFF  }
0xc1: {  	_ =	task.clear_ibuf [dreg:s6], $0x2FFFF;
	_ =	strace $0x9FFFFFFF  }
0xc2: {  	(tm) =	ssettm $0x7FFFFFFF  }
0xc3: {  	_ =	shalt  }
tec
execute0_lowered:
.L_overlay_start_1:
0x0: {  	(tag) =	ssettag $0x1  }
0x1: {  	s1 =	srdreg.scid;
	s5 =	rddreg [dreg:$0x0]  }
0x2: {  	s0 =	stileid.u32;
	s2 =	rddreg [dreg:$0x1];
	s3 =	simm.s32 $0x0  }
0x3: {  	s15 =	simm.s32 $0x2;
	s16 =	simm.s32 $0x80;
	s17 =	simm.s32 $0x50  }
0x4: {  	s18 =	simm.s32 $0x100;
	s19 =	simm.s32 $0x1;
	s4 =	smul.u32 $0x4E20, s0  }
0x5: {  	s6 =	sand.u32 $0x1, s1;
	s1 =	rddreg [dreg:$0x2];
	s8 =	smul.u32 $0x4E000, s0  }
0x6: {  	s20 =	simm.s32 $0x0;
	[smem:$0x7FF] =	sst s3;
	s31 =	smul.u32 $0x13800, s0  }
0x7: {  	s10 =	sadd.s32 $0x61C00, s5;
	p0 =	sne.s32 s0, $0xF;
	s7 =	smul.u32 $0x2710, s6  }
0x8: {  	_ =	strace $0x80000050;
	s9 =	smul.u32 $0x138800, s6;
	s6 =	ssub.s32 $0x2, s6  }
0x9: {  	s30 =	sshrl.u32 s8, $0x2;
	s11 =	sshrl.u32 s6, $0x1;
	s4 =	sadd.s32 s7, s4  }
0xa: {  	s11 =	ssub.s32 s6, s11;
	s8 =	sadd.s32 s31, s9;
	s14 =	sshrl.u32 s9, $0x3  }
0xb: {  	s7 =	sshrl.u32 s4, $0x3;
	s4 =	sadd.s32 $0x9400, s5;
	s12 =	sshrl.u32 s8, $0x3  }
0xc: {  	s8 =	sadd.s32 $0x138000, s2;
	s11 =	smax.u32 s11, $0x1;
	s13 =	sadd.s32 s7, s5  }
0xd: {  	s5 =	sadd.s32 s30, s2;
	s9 =	sadd.s32 s10, s12;
	s10 =	sadd.s32 s10, s14  }
0xe: {  	s14 =	simm.s32 $0x2900;
	s6 =	sadd.s32 $0x6800, s5;
	s7 =	sadd.s32 $0xD000, s5  }
0xf: {  	v0 =	vimm.f32 $0.0e+00;
	s10 =	sadd.s32 $0x27000, s10;
	s12 =	sadd.s32 $0x4E000, s13;
	s13 =	sadd.s32 $0x57E00, s13  }
.LBB2_1:
0x10: {  	s21 =	sand.u32 $0x1FE00, s3  }
0x11: {  	s22 =	sand.u32 $0x70, s3;
	s23 =	sshrl.u32 s21, $0x2  }
0x12: {  	s21 =	simm.s32 $0x40;
	s23 =	sor.u32 s22, s23;
	s22 =	simm.s32 $0x0  }
.LBB2_2:
0x13: {  	p1 =	sne.s32 s21, $0x19FC0  }
0x14: {  	[tilespmem:s23+$0x2900] =	vst v0;
	s22 =	sadd.s32 $0x10, s22;
	s23 =	smov.u32 s21;
	s21 =	sadd.s32 $0x40, s21  }
.Ltmp0:
0x15: {  	(pc) =	sbr.rel @p1 .LBB2_2-.Ltmp0, $4  }
0x16: {  	_ = 	snop  }
0x17: {  	s23 =	sand.u32 $0x1FE00, s23  }
0x18: {  	s24 =	sand.u32 $0x70, s22;
	s23 =	sshrl.u32 s23, $0x2  }
0x19: {  	s23 =	sor.u32 s24, s23  }
0x1a: {  	[tilespmem:s23+$0x2900] =	vst v0  }
0x1b: {  	[spmem:s5] =	stream.linear.scatter [tilespmem:s14], [sflag:$0x2], $0x6800, $0x38;
	[tilespmem:$0x1C980] =	vst v63  }
0x1c: {  	_ =	swait.ge [sflag:s15], $0x6800  }
0x1d: {  	[sflag:s15] =	ssyncset.done $0x0  }
0x1e: {  	[sflag:s15] =	ssyncadd.s32 $0xFFFF9800  }
0x1f: {  	[spmem:s6] =	stream.linear.scatter [tilespmem:s14], [sflag:$0x2], $0x6800, $0x38;
	[tilespmem:$0x1C980] =	vst v63  }
0x20: {  	_ =	swait.ge [sflag:s15], $0x6800  }
0x21: {  	[sflag:s15] =	ssyncset.done $0x0  }
0x22: {  	[sflag:s15] =	ssyncadd.s32 $0xFFFF9800  }
0x23: {  	[spmem:s7] =	stream.linear.scatter [tilespmem:s14], [sflag:$0x2], $0x6800, $0x38;
	[tilespmem:$0x1C980] =	vst v63  }
0x24: {  	_ =	swait.ge [sflag:s15], $0x6800  }
0x25: {  	[sflag:s15] =	ssyncset.done $0x0  }
0x26: {  	s21 =	simm.s32 @!p0 $0x2900;
	[sflag:s15] =	ssyncadd.s32 $0xFFFF9800  }
0x27: {  	[spmem:s8] =	stream.linear.scatter @!p0 [tilespmem:s21], [sflag:$0x2], $0x800, $0x38;
	[tilespmem:$0x1C980] =	vst v63  }
0x28: {  	s21 =	simm.s32 @!p0 $0x2  }
0x29: {  	_ =	swait.ge @!p0 [sflag:s21], $0x800  }
0x2a: {  	[sflag:s21] =	ssyncset.done @!p0 $0x0  }
0x2b: {  	[sflag:s21] =	ssyncadd.s32 @!p0 $0xFFFFF800  }
0x2c: {  	s30 =	sadd.s32 $0x0, s13;
	[bflag:$0x0] =	sbarrier.arrive $0xFFFF  }
0x2d: {  	[tilespmem:s3], [sflag:$0x2] =	stream.linear.gather [hbm4b:s30+s3], $0x50, $0x38;
	[tilespmem:$0x1C980] =	vst v63  }
0x2e: {  	_ =	swait.ge [sflag:s15], $0x50  }
0x2f: {  	[sflag:s15] =	ssyncset.done $0x0  }
0x30: {  	s31 =	sadd.s32 $0x0, s12;
	[sflag:s15] =	ssyncadd.s32 $0xFFFFFFB0  }
0x31: {  	[tilespmem:s16], [sflag:$0x2] =	stream.linear.gather [hbm4b:s31+s3], $0x50, $0x38;
	[tilespmem:$0x1C980] =	vst v63  }
0x32: {  	_ =	swait.ge [sflag:s15], $0x50  }
0x33: {  	[sflag:s15] =	ssyncset.done $0x0  }
0x34: {  	[sflag:s15] =	ssyncadd.s32 $0xFFFFFFB0  }
0x35: {  	[tilespmem:s18], [sflag:$0x1] =	stream.indirect.gather [hbm4b:s4+s17], $0x80, s3, s17, $0xb8;
	[tilespmem:$0x1C980] =	vst v63  }
0x36: {  	_ =	swait.ge [sflag:s19], $0x2800  }
0x37: {  	[sflag:s19] =	ssyncset.done $0x0  }
0x38: {  	[sflag:s19] =	ssyncadd.s32 $0xFFFFD800  }
0x39: {  	[spmem:s2] =	stream.indirect.scatter.add.f32 [tilespmem:s18], [sflag:$0x2], $0x80, s16, s17, $0xb8;
	[tilespmem:$0x1C980] =	vst v63  }
0x3a: {  	_ =	swait.ge [sflag:s15], $0x2800  }
0x3b: {  	s22 =	simm.s32 $0x14;
	s21 =	simm.s32 $0xA;
	[sflag:s15] =	ssyncset.done $0x0  }
.LBB2_4:
0x3c: {  	s23 =	sadd.s32 s21, s13  }
0x3d: {  	[sflag:s15] =	ssyncadd.s32 $0xFFFFD800;
	s24 =	smov.u32 s22;
	s25 =	sadd.s32 $0xA, s22  }
0x3e: {  	[tilespmem:s3], [sflag:$0x2] =	stream.linear.gather [hbm4b:s23+s3], $0x50, $0x38;
	[tilespmem:$0x1C980] =	vst v63  }
0x3f: {  	p1 =	sne.s32 s22, $0x4D8;
	_ =	swait.ge [sflag:s15], $0x50  }
0x40: {  	[sflag:s15] =	ssyncset.done $0x0  }
0x41: {  	s22 =	sadd.s32 s21, s12;
	s21 =	smov.u32 s24;
	[sflag:s15] =	ssyncadd.s32 $0xFFFFFFB0  }
0x42: {  	[tilespmem:s16], [sflag:$0x2] =	stream.linear.gather [hbm4b:s22+s3], $0x50, $0x38;
	[tilespmem:$0x1C980] =	vst v63  }
0x43: {  	_ =	swait.ge [sflag:s15], $0x50  }
0x44: {  	[sflag:s15] =	ssyncset.done $0x0  }
0x45: {  	[sflag:s15] =	ssyncadd.s32 $0xFFFFFFB0  }
0x46: {  	[tilespmem:s18], [sflag:$0x1] =	stream.indirect.gather [hbm4b:s4+s17], $0x80, s3, s17, $0xb8;
	[tilespmem:$0x1C980] =	vst v63  }
0x47: {  	_ =	swait.ge [sflag:s19], $0x2800  }
.Ltmp1:
0x48: {  	[sflag:s19] =	ssyncset.done $0x0;
	(pc) =	sbr.rel @p1 .LBB2_4-.Ltmp1, $4  }
0x49: {  	[sflag:s19] =	ssyncadd.s32 $0xFFFFD800  }
0x4a: {  	[spmem:s2] =	stream.indirect.scatter.add.f32 [tilespmem:s18], [sflag:$0x2], $0x80, s16, s17, $0xb8;
	[tilespmem:$0x1C980] =	vst v63  }
0x4b: {  	_ =	swait.ge [sflag:s15], $0x2800  }
0x4c: {  	s22 =	smov.u32 s25;
	[sflag:s15] =	ssyncset.done $0x0  }
0x4d: {  	s22 =	sadd.s32 s21, s13;
	[sflag:s15] =	ssyncadd.s32 $0xFFFFD800  }
0x4e: {  	[tilespmem:s3], [sflag:$0x2] =	stream.linear.gather [hbm4b:s22+s3], $0x50, $0x38;
	[tilespmem:$0x1C980] =	vst v63  }
0x4f: {  	_ =	swait.ge [sflag:s15], $0x50  }
0x50: {  	[sflag:s15] =	ssyncset.done $0x0  }
0x51: {  	s29 =	sadd.s32 s21, s12;
	[sflag:s15] =	ssyncadd.s32 $0xFFFFFFB0  }
0x52: {  	[tilespmem:s16], [sflag:$0x2] =	stream.linear.gather [hbm4b:s29+s3], $0x50, $0x38;
	[tilespmem:$0x1C980] =	vst v63  }
0x53: {  	_ =	swait.ge [sflag:s15], $0x50  }
0x54: {  	[sflag:s15] =	ssyncset.done $0x0  }
0x55: {  	[sflag:s15] =	ssyncadd.s32 $0xFFFFFFB0  }
0x56: {  	[tilespmem:s18], [sflag:$0x1] =	stream.indirect.gather [hbm4b:s4+s17], $0x80, s3, s17, $0xb8;
	[tilespmem:$0x1C980] =	vst v63  }
0x57: {  	_ =	swait.ge [sflag:s19], $0x2800  }
0x58: {  	[sflag:s19] =	ssyncset.done $0x0  }
0x59: {  	[sflag:s19] =	ssyncadd.s32 $0xFFFFD800  }
0x5a: {  	[spmem:s2] =	stream.indirect.scatter.add.f32 [tilespmem:s18], [sflag:$0x2], $0x80, s16, s17, $0xb8;
	[tilespmem:$0x1C980] =	vst v63  }
0x5b: {  	_ =	swait.ge [sflag:s15], $0x2800  }
0x5c: {  	[sflag:s15] =	ssyncset.done $0x0  }
0x5d: {  	s30 =	sshll.u32 s0, $0x6;
	[sflag:s15] =	ssyncadd.s32 $0xFFFFD800  }
0x5e: {  	s31 =	sshrl.u32 s5, $0x3;
	s21 =	sor.u32 $0x1C02, s30;
	[bflag:$0x0] =	sbarrier.arrive $0xFFFF  }
0x5f: {  	[hbm:s9], [sflag:s21] =	dma.local [spmem:s31], $0x2700  }
0x60: {  	_ =	swait.ge [sflag:s15], $0x2700  }
0x61: {  	s20 =	sadd.s32 $0x1, s20;
	[sflag:s15] =	ssyncset.done $0x0  }
0x62: {  	s22 =	sshrl.u32 @!p0 s8, $0x3;
	p1 =	sne.s32 s20, s11;
	[sflag:s15] =	ssyncadd.s32 $0xFFFFD900  }
0x63: {  	[hbm:s10], [sflag:s21] =	dma.local @!p0 [spmem:s22], $0x100  }
.Ltmp2:
0x64: {  	_ = 	snop;
	(pc) =	sbr.rel @p1 .LBB2_1-.Ltmp2, $4  }
0x65: {  	s21 =	simm.s32 @!p0 $0x2  }
0x66: {  	_ =	swait.ge @!p0 [sflag:s21], $0x100  }
0x67: {  	[sflag:s21] =	ssyncset.done @!p0 $0x0  }
0x68: {  	[sflag:s21] =	ssyncadd.s32 @!p0 $0xFFFFFF00  }
0x69: {  	_ =	sfence.sel $0x180000  }
0x6a: {  	[bflag:$0x0] =	sbarrier.arrive $0xFFFF  }
0x6b: {  	p0 =	sne.s32 s0, $0x0;
	_ =	strace $0x90000050  }
0x6c: {  	s0 =	sadd.s32 @!p0 $0x100000, s1;
	[bflag:$0x2] =	sbarrier.arrive $0xFFFF  }
0x6d: {  	[sflag:s0] =	ssyncadd.tile.s32 @!p0 $0x1;
	_ =	shalt  }
.Lfunc_end2:
_tile_overlayer_lowered:
.L_overlay_start_2:
0x6e: {  	(tag) =	ssettag $0x2  }
0x6f: {  	s0 =	rddreg [dreg:$0x0];
	s2 =	stileid.u32  }
0x70: {  	s1 =	rddreg [dreg:$0x1];
	p0 =	sne.s32 s2, $0x0  }
0x71: {  	s3 =	rddreg [dreg:$0x2];
	[bflag:$0x3] =	sbarrier.arrive $0xFFFF;
	s2 =	simm.s32 @!p0 $0x1C02  }
0x72: {  	[timem:s3], [sflag:s2] =	dma.local @!p0 [hbm:s0], s1  }
0x73: {  	s0 =	simm.s32 @!p0 $0x2  }
0x74: {  	_ =	swait.ge @!p0 [sflag:s0], s1  }
0x75: {  	s1 =	ssub.s32 @!p0 $0x0, s1;
	[sflag:s0] =	ssyncset.done @!p0 $0x0  }
0x76: {  	[sflag:s0] =	ssyncadd.s32 @!p0 s1  }
0x77: {  	[bflag:$0x3] =	sbarrier.arrive $0xFFFF  }
0x78: {  	_ =	shalt  }

// kernel: kernel.20.cloned.1.call-start
scs
__scs_entry_jumppad:
0x0: {  	(pc) =	sbr.rel $0x88, $3  }
0x1: {  	(tag) =	ssettag $0x0;
	lr =	simm.s32 $0x1  }
0x2: {  	[smem:$0x3F7A] =	sst lr;
	_ =	strace $0xD0000000  }
0x3: {  	_ = 	snop  }
0x4: {  	_ = 	snop  }
0x5: {  	_ = 	snop  }
0x6: {  	_ = 	snop  }
0x7: {  	_ = 	snop  }
__scs_overlays_trampoline_lowered:
0x8: {  	[smem:$0x3F89] =	sst s0  }
0x9: {  	[smem:$0x3F8A] =	sst s1  }
0xa: {  	[smem:$0x3F8B] =	sst s2  }
0xb: {  	[smem:$0x3F8C] =	sst s3  }
0xc: {  	[smem:$0x3F8D] =	sst s4  }
0xd: {  	[smem:$0x3F8E] =	sst s5  }
0xe: {  	[smem:$0x3F8F] =	sst s6  }
0xf: {  	[smem:$0x3F90] =	sst s7  }
0x10: {  	[smem:$0x3F91] =	sst s8  }
0x11: {  	[smem:$0x3F92] =	sst s9;
	s0 =	simm.s32 @!p0 $0x0  }
0x12: {  	s1 =	sld [smem:$0x3F78];
	s0 =	simm.s32 @p0 $0x1  }
0x13: {  	[smem:$0x3F93] =	sst s0;
	s0 =	simm.s32 @!p1 $0x0  }
0x14: {  	s2 =	sld [smem:$0x3F77];
	s0 =	simm.s32 @p1 $0x1  }
0x15: {  	[smem:$0x3F94] =	sst s0;
	s0 =	simm.s32 @!p2 $0x0  }
0x16: {  	s3 =	sld [smem:$0x3FDB];
	s0 =	simm.s32 @p2 $0x1  }
0x17: {  	s4 =	simm.s32 $0x1BF5;
	[smem:$0x3F96] =	sst s0  }
0x18: {  	s0 =	sld [smem:$0x3F79];
	_ =	swait.ge [sflag:s4], $0x0  }
0x19: {  	s7 =	sld [smem:$0x3F7A]  }
0x1a: {  	s8 =	sadd.s32 $0xFFFFE003, lr  }
0x1b: {  	s9 =	sadd.s32 $0xFFFFFEF7, lr;
	s5 =	simm.s32 $0xFFFFFFFF;
	p2 =	slt.u32 s8, $0xFFFFF086  }
0x1c: {  	p1 =	slt.u32 s9, $0xF7A;
	s5 =	simm.s32 @!p2 $0x0  }
0x1d: {  	s5 =	simm.s32 @p1 $0x1;
	p0 =	seq.s32 s7, s2  }
0x1e: {  	s7 =	smul.u32 @!p0 $0xF7A, s2;
	p2 =	seq.s32 @!p0 s5, $0x0  }
0x1f: {  	s9 =	smul.u32 $0xF7A, s1;
	s8 =	simm.s32 @!p0 $0x1BF5;
	p2 =	por !p2, p0  }
0x20: {  	[sflag:s8] =	ssyncset.s32 @!p0 $0xFFFFF086;
	s6 =	sadd.s32 @!p0 s3, s7;
	s7 =	simm.s32 @!p0 $0x108  }
0x21: {  	s3 =	sadd.s32 s3, s9;
	s6 =	sadd.s32 @!p0 $0x88, s6;
	s7 =	simm.s32 @p2 $0x1082  }
0x22: {  	[simem:s7], [sflag:s8] =	dma.local @!p0 [hbm:s6], $0xF7A  }
0x23: {  	s9 =	sor.u32 $0xD0000000, s2;
	s6 =	simm.s32 $0x108;
	_ =	swait.ge @!p0 [sflag:s8], $0x0  }
0x24: {  	s3 =	sadd.s32 $0x88, s3;
	s6 =	simm.s32 @!p1 $0x1082;
	[sflag:s4] =	ssyncset.s32 $0xFFFFF086  }
0x25: {  	[simem:s6], [sflag:s4] =	dma.local [hbm:s3], $0xF7A  }
0x26: {  	[smem:$0x3F7A] =	sst s1;
	(tag) =	ssettag s2;
	_ =	strace s9  }
0x27: {  	s1 =	sld [smem:$0x3F8A]  }
0x28: {  	s2 =	sld [smem:$0x3F8B]  }
0x29: {  	s4 =	sld [smem:$0x3F8D]  }
0x2a: {  	p0 =	seq.s32 s5, $0x0;
	s5 =	sld [smem:$0x3F8E]  }
0x2b: {  	s6 =	sld [smem:$0x3F8F]  }
0x2c: {  	s7 =	sld [smem:$0x3F90]  }
0x2d: {  	s3 =	simm.s32 $0x108;
	s8 =	sld [smem:$0x3F91]  }
0x2e: {  	s3 =	simm.s32 @!p0 $0x1082;
	s9 =	sld [smem:$0x3F92]  }
0x2f: {  	lr =	sadd.s32 s0, s3;
	s0 =	sld [smem:$0x3F89]  }
0x30: {  	s3 =	sld [smem:$0x3F8C]  }
0x31: {  	[smem:$0x3F95] =	sst s10  }
0x32: {  	s10 =	sld [smem:$0x3F93];
	_ =	sdelay $0x3  }
0x33: {  	p0 =	seq.s32 s10, $0x1;
	s10 =	sld [smem:$0x3F95];
	_ =	sdelay $0x3  }
0x34: {  	[smem:$0x3F95] =	sst s10  }
0x35: {  	s10 =	sld [smem:$0x3F94];
	_ =	sdelay $0x3  }
0x36: {  	p1 =	seq.s32 s10, $0x1;
	s10 =	sld [smem:$0x3F95];
	_ =	sdelay $0x3  }
0x37: {  	[smem:$0x3F95] =	sst s10  }
0x38: {  	s10 =	sld [smem:$0x3F96]  }
0x39: {  	_ = 	snop;
	(pc) =	sbr.ind lr, $3  }
0x3a: {  	_ = 	snop  }
0x3b: {  	_ = 	snop  }
0x3c: {  	p2 =	seq.s32 s10, $0x1;
	s10 =	sld [smem:$0x3F95]  }
0x3d: {  	_ =	shalt  }
0x3e: {  	_ =	shalt  }
0x3f: {  	_ =	shalt  }
0x40: {  	_ =	shalt  }
0x41: {  	_ =	shalt  }
0x42: {  	_ =	shalt  }
0x43: {  	_ =	shalt  }
0x44: {  	_ =	shalt  }
0x45: {  	_ =	shalt  }
0x46: {  	_ =	shalt  }
0x47: {  	_ =	shalt  }
0x48: {  	_ =	shalt  }
0x49: {  	_ =	shalt  }
0x4a: {  	_ =	shalt  }
0x4b: {  	_ =	shalt  }
0x4c: {  	_ =	shalt  }
0x4d: {  	_ =	shalt  }
0x4e: {  	_ =	shalt  }
0x4f: {  	_ =	shalt  }
0x50: {  	_ =	shalt  }
0x51: {  	_ =	shalt  }
0x52: {  	_ =	shalt  }
0x53: {  	_ =	shalt  }
0x54: {  	_ =	shalt  }
0x55: {  	_ =	shalt  }
0x56: {  	_ =	shalt  }
0x57: {  	_ =	shalt  }
0x58: {  	_ =	shalt  }
0x59: {  	_ =	shalt  }
0x5a: {  	_ =	shalt  }
0x5b: {  	_ =	shalt  }
0x5c: {  	_ =	shalt  }
0x5d: {  	_ =	shalt  }
0x5e: {  	_ =	shalt  }
0x5f: {  	_ =	shalt  }
0x60: {  	_ =	shalt  }
0x61: {  	_ =	shalt  }
0x62: {  	_ =	shalt  }
0x63: {  	_ =	shalt  }
0x64: {  	_ =	shalt  }
0x65: {  	_ =	shalt  }
0x66: {  	_ =	shalt  }
0x67: {  	_ =	shalt  }
0x68: {  	_ =	shalt  }
0x69: {  	_ =	shalt  }
0x6a: {  	_ =	shalt  }
0x6b: {  	_ =	shalt  }
0x6c: {  	_ =	shalt  }
0x6d: {  	_ =	shalt  }
0x6e: {  	_ =	shalt  }
0x6f: {  	_ =	shalt  }
0x70: {  	_ =	shalt  }
0x71: {  	_ =	shalt  }
0x72: {  	_ =	shalt  }
0x73: {  	_ =	shalt  }
0x74: {  	_ =	shalt  }
0x75: {  	_ =	shalt  }
0x76: {  	_ =	shalt  }
0x77: {  	_ =	shalt  }
0x78: {  	_ =	shalt  }
0x79: {  	_ =	shalt  }
0x7a: {  	_ =	shalt  }
0x7b: {  	_ =	shalt  }
0x7c: {  	_ =	shalt  }
0x7d: {  	_ =	shalt  }
0x7e: {  	_ =	shalt  }
0x7f: {  	_ =	shalt  }
0x80: {  	_ =	shalt  }
0x81: {  	_ =	shalt  }
0x82: {  	_ =	shalt  }
0x83: {  	_ =	shalt  }
0x84: {  	_ =	shalt  }
0x85: {  	_ =	shalt  }
0x86: {  	_ =	shalt  }
0x87: {  	_ =	shalt  }
.Lfunc_end0:
.L_simem_size_0:
called_computation.4_lowered:
.L_overlay_start_0:
0x88: {  	s2 =	sld [smem:$0x3FD9]  }
0x89: {  	s3 =	sld [smem:$0x3FFE];
	_ =	sdelay $0x1  }
0x8a: {  	s1 =	srdreg.scid  }
0x8b: {  	s0 =	sand.u32 $0x1, s1  }
0x8c: {  	s16 =	sshll.u32 s0, $0xA;
	s2 =	sadd.s32 s3, s2  }
0x8d: {  	s2 =	sadd.s32 s2, s16  }
0x8e: {  	[smem:$0x3FA1] =	sst s2  }
0x8f: {  	_ = 	snop  }
0x90: {  	(tm) =	ssettm $0x1  }
0x91: {  	s17 =	sld [smem:$0x3FFB];
	_ =	sdelay $0x3  }
0x92: {  	_ =	strace s17  }
0x93: {  	s2 =	sld [smem:$0x3FFC];
	_ =	sdelay $0x3  }
0x94: {  	_ =	strace s2  }
0x95: {  	s2 =	sld [smem:$0x3FFD];
	_ =	sdelay $0x3  }
0x96: {  	_ =	strace s2  }
0x97: {  	_ =	strace $0x8FFFFFFF  }
0x98: {  	s18 =	sld [smem:$0x3FDB];
	_ =	sdelay $0x1  }
0x99: {  	s19 =	simm.s32 $_scs_section_size  }
0x9a: {  	s4 =	simm.s32 $_size__tile_overlayer_lowered;
	s5 =	simm.s32 $_tile_overlayer_lowered  }
0x9b: {  	s22 =	simm.s32 $0x1BFF;
	s21 =	sshll.u32 s5, $0x1;
	s2 =	sadd.s32 s19, s18  }
0x9c: {  	s6 =	simm.s32 $0x0;
	s20 =	sshll.u32 s4, $0x1;
	s4 =	sadd.s32 s21, s2  }
0x9d: {  	[timem:s6], [sflag:s22] =	dma.local [hbm:s4], s20  }
0x9e: {  	_ =	swait.ge [sflag:s22], s20  }
0x9f: {  	s3 =	ssub.s32 $0x0, s20;
	[sflag:s22] =	ssyncset.done $0x0  }
0xa0: {  	[sflag:s22] =	ssyncadd.s32 s3;
	_ =	sdelay $0x1  }
0xa1: {  	s23 =	simm.s32 $0x1B8B  }
0xa2: {  	_ =	swait.ge [sflag:s23], $0x1  }
0xa3: {  	[sflag:s23] =	ssyncset.done $0x0  }
0xa4: {  	s25 =	simm.s32 $0x1B8E;
	s24 =	sld [smem:$0x3FFE];
	[sflag:s23] =	ssyncadd.s32 $0xFFFFFFFF  }
0xa5: {  	s26 =	simm.s32 $execute0_lowered;
	[smem:$0x3FD2] =	sst s25  }
0xa6: {  	s4 =	sshll.u32 s26, $0x1;
	_ =	strace $0x80000052;
	[dreg:$0x1] =	wrdreg $0xFFFFFFFF  }
0xa7: {  	s28 =	simm.s32 $_size_execute0_lowered;
	s2 =	sadd.s32 s2, s4;
	[dreg:$0x0] =	wrdreg $0x0  }
0xa8: {  	s4 =	sshll.u32 s28, $0x1;
	[dreg:$0x2] =	wrdreg s2  }
0xa9: {  	[dreg:$0x3] =	wrdreg s4  }
0xaa: {  	[dreg:$0x4] =	wrdreg $0xC0  }
0xab: {  	_ =	task [dreg:s6], $0x5FFFF  }
0xac: {  	[dreg:$0x1] =	wrdreg $0xFFFFFFFF  }
0xad: {  	[dreg:$0x0] =	wrdreg $0x60  }
0xae: {  	[dreg:$0x2] =	wrdreg s24  }
0xaf: {  	[dreg:$0x3] =	wrdreg $0x91000  }
0xb0: {  	[dreg:$0x4] =	wrdreg $0x9  }
0xb1: {  	_ =	task.clear_ibuf [dreg:s6], $0x5FFFF;
	_ =	strace $0x90000052  }
0xb2: {  	s29 =	simm.s32 $0x9;
	_ =	strace $0x80000054  }
0xb3: {  	_ =	swait.ge [sflag:s29], $0x1  }
0xb4: {  	[sflag:s29] =	ssyncadd.s32 $0xFFFFFFFF  }
0xb5: {  	_ =	strace $0x90000054  }
0xb6: {  	_ =	sfence  }
0xb7: {  	s30 =	sld [smem:$0x0];
	_ =	sdelay $0x2  }
0xb8: {  	s31 =	sshll.u32 s1, $0xD;
	s1 =	sshrl.u32 s1, $0x2  }
0xb9: {  	s3 =	sand.u32 $0x4000, s31;
	s1 =	sadd.s32 s1, s30  }
0xba: {  	s0 =	sor.u32 s3, s0;
	s1 =	sshll.u32 s1, $0x11  }
0xbb: {  	s0 =	sor.u32 s1, s0  }
0xbc: {  	s0 =	sadd.s32 $0x8F2B, s0  }
0xbd: {  	[sflag:s0] =	ssyncadd.remote.s32 $0x1  }
0xbe: {  	_ =	sfence.sel $0xFFFF  }
0xbf: {  	[dreg:$0x0] =	wrdreg $0xFFFFFFFF;
	(pc) =	sbr.abs _section_cstart, $3  }
0xc0: {  	[dreg:$0x1] =	wrdreg $0xFFFFFFFF  }
0xc1: {  	_ =	task.clear_ibuf [dreg:s6], $0x2FFFF;
	_ =	strace $0x9FFFFFFF  }
0xc2: {  	(tm) =	ssettm $0x7FFFFFFF  }
0xc3: {  	_ =	shalt  }
tec
execute0_lowered:
.L_overlay_start_1:
0x0: {  	(tag) =	ssettag $0x1  }
0x1: {  	s1 =	srdreg.scid;
	s5 =	rddreg [dreg:$0x0]  }
0x2: {  	s0 =	stileid.u32;
	s2 =	rddreg [dreg:$0x1];
	s3 =	simm.s32 $0x0  }
0x3: {  	s15 =	simm.s32 $0x2;
	s16 =	simm.s32 $0x80;
	s17 =	simm.s32 $0x50  }
0x4: {  	s18 =	simm.s32 $0x100;
	s19 =	simm.s32 $0x1;
	s4 =	smul.u32 $0x4E20, s0  }
0x5: {  	s6 =	sand.u32 $0x1, s1;
	s1 =	rddreg [dreg:$0x2];
	s8 =	smul.u32 $0x4E000, s0  }
0x6: {  	s20 =	simm.s32 $0x0;
	[smem:$0x7FF] =	sst s3;
	s31 =	smul.u32 $0x13800, s0  }
0x7: {  	s10 =	sadd.s32 $0x61C00, s5;
	p0 =	sne.s32 s0, $0xF;
	s7 =	smul.u32 $0x2710, s6  }
0x8: {  	_ =	strace $0x80000053;
	s9 =	smul.u32 $0x138800, s6;
	s6 =	ssub.s32 $0x2, s6  }
0x9: {  	s30 =	sshrl.u32 s8, $0x2;
	s11 =	sshrl.u32 s6, $0x1;
	s4 =	sadd.s32 s7, s4  }
0xa: {  	s11 =	ssub.s32 s6, s11;
	s8 =	sadd.s32 s31, s9;
	s14 =	sshrl.u32 s9, $0x3  }
0xb: {  	s7 =	sshrl.u32 s4, $0x3;
	s4 =	sadd.s32 $0x9400, s5;
	s12 =	sshrl.u32 s8, $0x3  }
0xc: {  	s8 =	sadd.s32 $0x138000, s2;
	s11 =	smax.u32 s11, $0x1;
	s13 =	sadd.s32 s7, s5  }
0xd: {  	s5 =	sadd.s32 s30, s2;
	s9 =	sadd.s32 s10, s12;
	s10 =	sadd.s32 s10, s14  }
0xe: {  	s14 =	simm.s32 $0x2900;
	s6 =	sadd.s32 $0x6800, s5;
	s7 =	sadd.s32 $0xD000, s5  }
0xf: {  	v0 =	vimm.f32 $0.0e+00;
	s10 =	sadd.s32 $0x27000, s10;
	s12 =	sadd.s32 $0x4E000, s13;
	s13 =	sadd.s32 $0x57E00, s13  }
.LBB2_1:
0x10: {  	s21 =	sand.u32 $0x1FE00, s3  }
0x11: {  	s22 =	sand.u32 $0x70, s3;
	s23 =	sshrl.u32 s21, $0x2  }
0x12: {  	s21 =	simm.s32 $0x40;
	s23 =	sor.u32 s22, s23;
	s22 =	simm.s32 $0x0  }
.LBB2_2:
0x13: {  	p1 =	sne.s32 s21, $0x19FC0  }
0x14: {  	[tilespmem:s23+$0x2900] =	vst v0;
	s22 =	sadd.s32 $0x10, s22;
	s23 =	smov.u32 s21;
	s21 =	sadd.s32 $0x40, s21  }
.Ltmp0:
0x15: {  	(pc) =	sbr.rel @p1 .LBB2_2-.Ltmp0, $4  }
0x16: {  	_ = 	snop  }
0x17: {  	s23 =	sand.u32 $0x1FE00, s23  }
0x18: {  	s24 =	sand.u32 $0x70, s22;
	s23 =	sshrl.u32 s23, $0x2  }
0x19: {  	s23 =	sor.u32 s24, s23  }
0x1a: {  	[tilespmem:s23+$0x2900] =	vst v0  }
0x1b: {  	[spmem:s5] =	stream.linear.scatter [tilespmem:s14], [sflag:$0x2], $0x6800, $0x38;
	[tilespmem:$0x1C980] =	vst v63  }
0x1c: {  	_ =	swait.ge [sflag:s15], $0x6800  }
0x1d: {  	[sflag:s15] =	ssyncset.done $0x0  }
0x1e: {  	[sflag:s15] =	ssyncadd.s32 $0xFFFF9800  }
0x1f: {  	[spmem:s6] =	stream.linear.scatter [tilespmem:s14], [sflag:$0x2], $0x6800, $0x38;
	[tilespmem:$0x1C980] =	vst v63  }
0x20: {  	_ =	swait.ge [sflag:s15], $0x6800  }
0x21: {  	[sflag:s15] =	ssyncset.done $0x0  }
0x22: {  	[sflag:s15] =	ssyncadd.s32 $0xFFFF9800  }
0x23: {  	[spmem:s7] =	stream.linear.scatter [tilespmem:s14], [sflag:$0x2], $0x6800, $0x38;
	[tilespmem:$0x1C980] =	vst v63  }
0x24: {  	_ =	swait.ge [sflag:s15], $0x6800  }
0x25: {  	[sflag:s15] =	ssyncset.done $0x0  }
0x26: {  	s21 =	simm.s32 @!p0 $0x2900;
	[sflag:s15] =	ssyncadd.s32 $0xFFFF9800  }
0x27: {  	[spmem:s8] =	stream.linear.scatter @!p0 [tilespmem:s21], [sflag:$0x2], $0x800, $0x38;
	[tilespmem:$0x1C980] =	vst v63  }
0x28: {  	s21 =	simm.s32 @!p0 $0x2  }
0x29: {  	_ =	swait.ge @!p0 [sflag:s21], $0x800  }
0x2a: {  	[sflag:s21] =	ssyncset.done @!p0 $0x0  }
0x2b: {  	[sflag:s21] =	ssyncadd.s32 @!p0 $0xFFFFF800  }
0x2c: {  	s30 =	sadd.s32 $0x0, s13;
	[bflag:$0x0] =	sbarrier.arrive $0xFFFF  }
0x2d: {  	[tilespmem:s3], [sflag:$0x2] =	stream.linear.gather [hbm4b:s30+s3], $0x50, $0x38;
	[tilespmem:$0x1C980] =	vst v63  }
0x2e: {  	_ =	swait.ge [sflag:s15], $0x50  }
0x2f: {  	[sflag:s15] =	ssyncset.done $0x0  }
0x30: {  	s31 =	sadd.s32 $0x0, s12;
	[sflag:s15] =	ssyncadd.s32 $0xFFFFFFB0  }
0x31: {  	[tilespmem:s16], [sflag:$0x2] =	stream.linear.gather [hbm4b:s31+s3], $0x50, $0x38;
	[tilespmem:$0x1C980] =	vst v63  }
0x32: {  	_ =	swait.ge [sflag:s15], $0x50  }
0x33: {  	[sflag:s15] =	ssyncset.done $0x0  }
0x34: {  	[sflag:s15] =	ssyncadd.s32 $0xFFFFFFB0  }
0x35: {  	[tilespmem:s18], [sflag:$0x1] =	stream.indirect.gather [hbm4b:s4+s17], $0x80, s3, s17, $0xb8;
	[tilespmem:$0x1C980] =	vst v63  }
0x36: {  	_ =	swait.ge [sflag:s19], $0x2800  }
0x37: {  	[sflag:s19] =	ssyncset.done $0x0  }
0x38: {  	[sflag:s19] =	ssyncadd.s32 $0xFFFFD800  }
0x39: {  	[spmem:s2] =	stream.indirect.scatter.add.f32 [tilespmem:s18], [sflag:$0x2], $0x80, s16, s17, $0xb8;
	[tilespmem:$0x1C980] =	vst v63  }
0x3a: {  	_ =	swait.ge [sflag:s15], $0x2800  }
0x3b: {  	s22 =	simm.s32 $0x14;
	s21 =	simm.s32 $0xA;
	[sflag:s15] =	ssyncset.done $0x0  }
.LBB2_4:
0x3c: {  	s23 =	sadd.s32 s21, s13  }
0x3d: {  	[sflag:s15] =	ssyncadd.s32 $0xFFFFD800;
	s24 =	smov.u32 s22;
	s25 =	sadd.s32 $0xA, s22  }
0x3e: {  	[tilespmem:s3], [sflag:$0x2] =	stream.linear.gather [hbm4b:s23+s3], $0x50, $0x38;
	[tilespmem:$0x1C980] =	vst v63  }
0x3f: {  	p1 =	sne.s32 s22, $0x4D8;
	_ =	swait.ge [sflag:s15], $0x50  }
0x40: {  	[sflag:s15] =	ssyncset.done $0x0  }
0x41: {  	s22 =	sadd.s32 s21, s12;
	s21 =	smov.u32 s24;
	[sflag:s15] =	ssyncadd.s32 $0xFFFFFFB0  }
0x42: {  	[tilespmem:s16], [sflag:$0x2] =	stream.linear.gather [hbm4b:s22+s3], $0x50, $0x38;
	[tilespmem:$0x1C980] =	vst v63  }
0x43: {  	_ =	swait.ge [sflag:s15], $0x50  }
0x44: {  	[sflag:s15] =	ssyncset.done $0x0  }
0x45: {  	[sflag:s15] =	ssyncadd.s32 $0xFFFFFFB0  }
0x46: {  	[tilespmem:s18], [sflag:$0x1] =	stream.indirect.gather [hbm4b:s4+s17], $0x80, s3, s17, $0xb8;
	[tilespmem:$0x1C980] =	vst v63  }
0x47: {  	_ =	swait.ge [sflag:s19], $0x2800  }
.Ltmp1:
0x48: {  	[sflag:s19] =	ssyncset.done $0x0;
	(pc) =	sbr.rel @p1 .LBB2_4-.Ltmp1, $4  }
0x49: {  	[sflag:s19] =	ssyncadd.s32 $0xFFFFD800  }
0x4a: {  	[spmem:s2] =	stream.indirect.scatter.add.f32 [tilespmem:s18], [sflag:$0x2], $0x80, s16, s17, $0xb8;
	[tilespmem:$0x1C980] =	vst v63  }
0x4b: {  	_ =	swait.ge [sflag:s15], $0x2800  }
0x4c: {  	s22 =	smov.u32 s25;
	[sflag:s15] =	ssyncset.done $0x0  }
0x4d: {  	s22 =	sadd.s32 s21, s13;
	[sflag:s15] =	ssyncadd.s32 $0xFFFFD800  }
0x4e: {  	[tilespmem:s3], [sflag:$0x2] =	stream.linear.gather [hbm4b:s22+s3], $0x50, $0x38;
	[tilespmem:$0x1C980] =	vst v63  }
0x4f: {  	_ =	swait.ge [sflag:s15], $0x50  }
0x50: {  	[sflag:s15] =	ssyncset.done $0x0  }
0x51: {  	s29 =	sadd.s32 s21, s12;
	[sflag:s15] =	ssyncadd.s32 $0xFFFFFFB0  }
0x52: {  	[tilespmem:s16], [sflag:$0x2] =	stream.linear.gather [hbm4b:s29+s3], $0x50, $0x38;
	[tilespmem:$0x1C980] =	vst v63  }
0x53: {  	_ =	swait.ge [sflag:s15], $0x50  }
0x54: {  	[sflag:s15] =	ssyncset.done $0x0  }
0x55: {  	[sflag:s15] =	ssyncadd.s32 $0xFFFFFFB0  }
0x56: {  	[tilespmem:s18], [sflag:$0x1] =	stream.indirect.gather [hbm4b:s4+s17], $0x80, s3, s17, $0xb8;
	[tilespmem:$0x1C980] =	vst v63  }
0x57: {  	_ =	swait.ge [sflag:s19], $0x2800  }
0x58: {  	[sflag:s19] =	ssyncset.done $0x0  }
0x59: {  	[sflag:s19] =	ssyncadd.s32 $0xFFFFD800  }
0x5a: {  	[spmem:s2] =	stream.indirect.scatter.add.f32 [tilespmem:s18], [sflag:$0x2], $0x80, s16, s17, $0xb8;
	[tilespmem:$0x1C980] =	vst v63  }
0x5b: {  	_ =	swait.ge [sflag:s15], $0x2800  }
0x5c: {  	[sflag:s15] =	ssyncset.done $0x0  }
0x5d: {  	s30 =	sshll.u32 s0, $0x6;
	[sflag:s15] =	ssyncadd.s32 $0xFFFFD800  }
0x5e: {  	s31 =	sshrl.u32 s5, $0x3;
	s21 =	sor.u32 $0x1C02, s30;
	[bflag:$0x0] =	sbarrier.arrive $0xFFFF  }
0x5f: {  	[hbm:s9], [sflag:s21] =	dma.local [spmem:s31], $0x2700  }
0x60: {  	_ =	swait.ge [sflag:s15], $0x2700  }
0x61: {  	s20 =	sadd.s32 $0x1, s20;
	[sflag:s15] =	ssyncset.done $0x0  }
0x62: {  	s22 =	sshrl.u32 @!p0 s8, $0x3;
	p1 =	sne.s32 s20, s11;
	[sflag:s15] =	ssyncadd.s32 $0xFFFFD900  }
0x63: {  	[hbm:s10], [sflag:s21] =	dma.local @!p0 [spmem:s22], $0x100  }
.Ltmp2:
0x64: {  	_ = 	snop;
	(pc) =	sbr.rel @p1 .LBB2_1-.Ltmp2, $4  }
0x65: {  	s21 =	simm.s32 @!p0 $0x2  }
0x66: {  	_ =	swait.ge @!p0 [sflag:s21], $0x100  }
0x67: {  	[sflag:s21] =	ssyncset.done @!p0 $0x0  }
0x68: {  	[sflag:s21] =	ssyncadd.s32 @!p0 $0xFFFFFF00  }
0x69: {  	_ =	sfence.sel $0x180000  }
0x6a: {  	[bflag:$0x0] =	sbarrier.arrive $0xFFFF  }
0x6b: {  	p0 =	sne.s32 s0, $0x0;
	_ =	strace $0x90000053  }
0x6c: {  	s0 =	sadd.s32 @!p0 $0x100000, s1;
	[bflag:$0x2] =	sbarrier.arrive $0xFFFF  }
0x6d: {  	[sflag:s0] =	ssyncadd.tile.s32 @!p0 $0x1;
	_ =	shalt  }
.Lfunc_end2:
_tile_overlayer_lowered:
.L_overlay_start_2:
0x6e: {  	(tag) =	ssettag $0x2  }
0x6f: {  	s0 =	rddreg [dreg:$0x0];
	s2 =	stileid.u32  }
0x70: {  	s1 =	rddreg [dreg:$0x1];
	p0 =	sne.s32 s2, $0x0  }
0x71: {  	s3 =	rddreg [dreg:$0x2];
	[bflag:$0x3] =	sbarrier.arrive $0xFFFF;
	s2 =	simm.s32 @!p0 $0x1C02  }
0x72: {  	[timem:s3], [sflag:s2] =	dma.local @!p0 [hbm:s0], s1  }
0x73: {  	s0 =	simm.s32 @!p0 $0x2  }
0x74: {  	_ =	swait.ge @!p0 [sflag:s0], s1  }
0x75: {  	s1 =	ssub.s32 @!p0 $0x0, s1;
	[sflag:s0] =	ssyncset.done @!p0 $0x0  }
0x76: {  	[sflag:s0] =	ssyncadd.s32 @!p0 s1  }
0x77: {  	[bflag:$0x3] =	sbarrier.arrive $0xFFFF  }
0x78: {  	_ =	shalt  }

// kernel: kernel.23.cloned.1.call-start
scs
__scs_entry_jumppad:
0x0: {  	(pc) =	sbr.rel $0x88, $3  }
0x1: {  	(tag) =	ssettag $0x0;
	lr =	simm.s32 $0x1  }
0x2: {  	[smem:$0x3F7A] =	sst lr;
	_ =	strace $0xD0000000  }
0x3: {  	_ = 	snop  }
0x4: {  	_ = 	snop  }
0x5: {  	_ = 	snop  }
0x6: {  	_ = 	snop  }
0x7: {  	_ = 	snop  }
__scs_overlays_trampoline_lowered:
0x8: {  	[smem:$0x3F89] =	sst s0  }
0x9: {  	[smem:$0x3F8A] =	sst s1  }
0xa: {  	[smem:$0x3F8B] =	sst s2  }
0xb: {  	[smem:$0x3F8C] =	sst s3  }
0xc: {  	[smem:$0x3F8D] =	sst s4  }
0xd: {  	[smem:$0x3F8E] =	sst s5  }
0xe: {  	[smem:$0x3F8F] =	sst s6  }
0xf: {  	[smem:$0x3F90] =	sst s7  }
0x10: {  	[smem:$0x3F91] =	sst s8  }
0x11: {  	[smem:$0x3F92] =	sst s9;
	s0 =	simm.s32 @!p0 $0x0  }
0x12: {  	s1 =	sld [smem:$0x3F78];
	s0 =	simm.s32 @p0 $0x1  }
0x13: {  	[smem:$0x3F93] =	sst s0;
	s0 =	simm.s32 @!p1 $0x0  }
0x14: {  	s2 =	sld [smem:$0x3F77];
	s0 =	simm.s32 @p1 $0x1  }
0x15: {  	[smem:$0x3F94] =	sst s0;
	s0 =	simm.s32 @!p2 $0x0  }
0x16: {  	s3 =	sld [smem:$0x3FDB];
	s0 =	simm.s32 @p2 $0x1  }
0x17: {  	s4 =	simm.s32 $0x1BF5;
	[smem:$0x3F96] =	sst s0  }
0x18: {  	s0 =	sld [smem:$0x3F79];
	_ =	swait.ge [sflag:s4], $0x0  }
0x19: {  	s7 =	sld [smem:$0x3F7A]  }
0x1a: {  	s8 =	sadd.s32 $0xFFFFE003, lr  }
0x1b: {  	s9 =	sadd.s32 $0xFFFFFEF7, lr;
	s5 =	simm.s32 $0xFFFFFFFF;
	p2 =	slt.u32 s8, $0xFFFFF086  }
0x1c: {  	p1 =	slt.u32 s9, $0xF7A;
	s5 =	simm.s32 @!p2 $0x0  }
0x1d: {  	s5 =	simm.s32 @p1 $0x1;
	p0 =	seq.s32 s7, s2  }
0x1e: {  	s7 =	smul.u32 @!p0 $0xF7A, s2;
	p2 =	seq.s32 @!p0 s5, $0x0  }
0x1f: {  	s9 =	smul.u32 $0xF7A, s1;
	s8 =	simm.s32 @!p0 $0x1BF5;
	p2 =	por !p2, p0  }
0x20: {  	[sflag:s8] =	ssyncset.s32 @!p0 $0xFFFFF086;
	s6 =	sadd.s32 @!p0 s3, s7;
	s7 =	simm.s32 @!p0 $0x108  }
0x21: {  	s3 =	sadd.s32 s3, s9;
	s6 =	sadd.s32 @!p0 $0x88, s6;
	s7 =	simm.s32 @p2 $0x1082  }
0x22: {  	[simem:s7], [sflag:s8] =	dma.local @!p0 [hbm:s6], $0xF7A  }
0x23: {  	s9 =	sor.u32 $0xD0000000, s2;
	s6 =	simm.s32 $0x108;
	_ =	swait.ge @!p0 [sflag:s8], $0x0  }
0x24: {  	s3 =	sadd.s32 $0x88, s3;
	s6 =	simm.s32 @!p1 $0x1082;
	[sflag:s4] =	ssyncset.s32 $0xFFFFF086  }
0x25: {  	[simem:s6], [sflag:s4] =	dma.local [hbm:s3], $0xF7A  }
0x26: {  	[smem:$0x3F7A] =	sst s1;
	(tag) =	ssettag s2;
	_ =	strace s9  }
0x27: {  	s1 =	sld [smem:$0x3F8A]  }
0x28: {  	s2 =	sld [smem:$0x3F8B]  }
0x29: {  	s4 =	sld [smem:$0x3F8D]  }
0x2a: {  	p0 =	seq.s32 s5, $0x0;
	s5 =	sld [smem:$0x3F8E]  }
0x2b: {  	s6 =	sld [smem:$0x3F8F]  }
0x2c: {  	s7 =	sld [smem:$0x3F90]  }
0x2d: {  	s3 =	simm.s32 $0x108;
	s8 =	sld [smem:$0x3F91]  }
0x2e: {  	s3 =	simm.s32 @!p0 $0x1082;
	s9 =	sld [smem:$0x3F92]  }
0x2f: {  	lr =	sadd.s32 s0, s3;
	s0 =	sld [smem:$0x3F89]  }
0x30: {  	s3 =	sld [smem:$0x3F8C]  }
0x31: {  	[smem:$0x3F95] =	sst s10  }
0x32: {  	s10 =	sld [smem:$0x3F93];
	_ =	sdelay $0x3  }
0x33: {  	p0 =	seq.s32 s10, $0x1;
	s10 =	sld [smem:$0x3F95];
	_ =	sdelay $0x3  }
0x34: {  	[smem:$0x3F95] =	sst s10  }
0x35: {  	s10 =	sld [smem:$0x3F94];
	_ =	sdelay $0x3  }
0x36: {  	p1 =	seq.s32 s10, $0x1;
	s10 =	sld [smem:$0x3F95];
	_ =	sdelay $0x3  }
0x37: {  	[smem:$0x3F95] =	sst s10  }
0x38: {  	s10 =	sld [smem:$0x3F96]  }
0x39: {  	_ = 	snop;
	(pc) =	sbr.ind lr, $3  }
0x3a: {  	_ = 	snop  }
0x3b: {  	_ = 	snop  }
0x3c: {  	p2 =	seq.s32 s10, $0x1;
	s10 =	sld [smem:$0x3F95]  }
0x3d: {  	_ =	shalt  }
0x3e: {  	_ =	shalt  }
0x3f: {  	_ =	shalt  }
0x40: {  	_ =	shalt  }
0x41: {  	_ =	shalt  }
0x42: {  	_ =	shalt  }
0x43: {  	_ =	shalt  }
0x44: {  	_ =	shalt  }
0x45: {  	_ =	shalt  }
0x46: {  	_ =	shalt  }
0x47: {  	_ =	shalt  }
0x48: {  	_ =	shalt  }
0x49: {  	_ =	shalt  }
0x4a: {  	_ =	shalt  }
0x4b: {  	_ =	shalt  }
0x4c: {  	_ =	shalt  }
0x4d: {  	_ =	shalt  }
0x4e: {  	_ =	shalt  }
0x4f: {  	_ =	shalt  }
0x50: {  	_ =	shalt  }
0x51: {  	_ =	shalt  }
0x52: {  	_ =	shalt  }
0x53: {  	_ =	shalt  }
0x54: {  	_ =	shalt  }
0x55: {  	_ =	shalt  }
0x56: {  	_ =	shalt  }
0x57: {  	_ =	shalt  }
0x58: {  	_ =	shalt  }
0x59: {  	_ =	shalt  }
0x5a: {  	_ =	shalt  }
0x5b: {  	_ =	shalt  }
0x5c: {  	_ =	shalt  }
0x5d: {  	_ =	shalt  }
0x5e: {  	_ =	shalt  }
0x5f: {  	_ =	shalt  }
0x60: {  	_ =	shalt  }
0x61: {  	_ =	shalt  }
0x62: {  	_ =	shalt  }
0x63: {  	_ =	shalt  }
0x64: {  	_ =	shalt  }
0x65: {  	_ =	shalt  }
0x66: {  	_ =	shalt  }
0x67: {  	_ =	shalt  }
0x68: {  	_ =	shalt  }
0x69: {  	_ =	shalt  }
0x6a: {  	_ =	shalt  }
0x6b: {  	_ =	shalt  }
0x6c: {  	_ =	shalt  }
0x6d: {  	_ =	shalt  }
0x6e: {  	_ =	shalt  }
0x6f: {  	_ =	shalt  }
0x70: {  	_ =	shalt  }
0x71: {  	_ =	shalt  }
0x72: {  	_ =	shalt  }
0x73: {  	_ =	shalt  }
0x74: {  	_ =	shalt  }
0x75: {  	_ =	shalt  }
0x76: {  	_ =	shalt  }
0x77: {  	_ =	shalt  }
0x78: {  	_ =	shalt  }
0x79: {  	_ =	shalt  }
0x7a: {  	_ =	shalt  }
0x7b: {  	_ =	shalt  }
0x7c: {  	_ =	shalt  }
0x7d: {  	_ =	shalt  }
0x7e: {  	_ =	shalt  }
0x7f: {  	_ =	shalt  }
0x80: {  	_ =	shalt  }
0x81: {  	_ =	shalt  }
0x82: {  	_ =	shalt  }
0x83: {  	_ =	shalt  }
0x84: {  	_ =	shalt  }
0x85: {  	_ =	shalt  }
0x86: {  	_ =	shalt  }
0x87: {  	_ =	shalt  }
.Lfunc_end0:
.L_simem_size_0:
called_computation.5_lowered:
.L_overlay_start_0:
0x88: {  	s2 =	sld [smem:$0x3FD9]  }
0x89: {  	s3 =	sld [smem:$0x3FFE];
	_ =	sdelay $0x1  }
0x8a: {  	s1 =	srdreg.scid  }
0x8b: {  	s0 =	sand.u32 $0x1, s1  }
0x8c: {  	s16 =	sshll.u32 s0, $0xA;
	s2 =	sadd.s32 s3, s2  }
0x8d: {  	s2 =	sadd.s32 s2, s16  }
0x8e: {  	[smem:$0x3FA1] =	sst s2  }
0x8f: {  	_ = 	snop  }
0x90: {  	(tm) =	ssettm $0x1  }
0x91: {  	s17 =	sld [smem:$0x3FFB];
	_ =	sdelay $0x3  }
0x92: {  	_ =	strace s17  }
0x93: {  	s2 =	sld [smem:$0x3FFC];
	_ =	sdelay $0x3  }
0x94: {  	_ =	strace s2  }
0x95: {  	s2 =	sld [smem:$0x3FFD];
	_ =	sdelay $0x3  }
0x96: {  	_ =	strace s2  }
0x97: {  	_ =	strace $0x8FFFFFFF  }
0x98: {  	s18 =	sld [smem:$0x3FDB];
	_ =	sdelay $0x1  }
0x99: {  	s19 =	simm.s32 $_scs_section_size  }
0x9a: {  	s4 =	simm.s32 $_size__tile_overlayer_lowered;
	s5 =	simm.s32 $_tile_overlayer_lowered  }
0x9b: {  	s22 =	simm.s32 $0x1BFF;
	s21 =	sshll.u32 s5, $0x1;
	s2 =	sadd.s32 s19, s18  }
0x9c: {  	s6 =	simm.s32 $0x0;
	s20 =	sshll.u32 s4, $0x1;
	s4 =	sadd.s32 s21, s2  }
0x9d: {  	[timem:s6], [sflag:s22] =	dma.local [hbm:s4], s20  }
0x9e: {  	_ =	swait.ge [sflag:s22], s20  }
0x9f: {  	s3 =	ssub.s32 $0x0, s20;
	[sflag:s22] =	ssyncset.done $0x0  }
0xa0: {  	[sflag:s22] =	ssyncadd.s32 s3;
	_ =	sdelay $0x1  }
0xa1: {  	s23 =	simm.s32 $0x1B8B  }
0xa2: {  	_ =	swait.ge [sflag:s23], $0x1  }
0xa3: {  	[sflag:s23] =	ssyncset.done $0x0  }
0xa4: {  	s25 =	simm.s32 $0x1B8E;
	s24 =	sld [smem:$0x3FFE];
	[sflag:s23] =	ssyncadd.s32 $0xFFFFFFFF  }
0xa5: {  	s26 =	simm.s32 $execute0_lowered;
	[smem:$0x3FD2] =	sst s25  }
0xa6: {  	s4 =	sshll.u32 s26, $0x1;
	_ =	strace $0x80000055;
	[dreg:$0x1] =	wrdreg $0xFFFFFFFF  }
0xa7: {  	s28 =	simm.s32 $_size_execute0_lowered;
	s2 =	sadd.s32 s2, s4;
	[dreg:$0x0] =	wrdreg $0x0  }
0xa8: {  	s4 =	sshll.u32 s28, $0x1;
	[dreg:$0x2] =	wrdreg s2  }
0xa9: {  	[dreg:$0x3] =	wrdreg s4  }
0xaa: {  	[dreg:$0x4] =	wrdreg $0xC0  }
0xab: {  	_ =	task [dreg:s6], $0x5FFFF  }
0xac: {  	[dreg:$0x1] =	wrdreg $0xFFFFFFFF  }
0xad: {  	[dreg:$0x0] =	wrdreg $0x60  }
0xae: {  	[dreg:$0x2] =	wrdreg s24  }
0xaf: {  	[dreg:$0x3] =	wrdreg $0x91000  }
0xb0: {  	[dreg:$0x4] =	wrdreg $0x9  }
0xb1: {  	_ =	task.clear_ibuf [dreg:s6], $0x5FFFF;
	_ =	strace $0x90000055  }
0xb2: {  	s29 =	simm.s32 $0x9;
	_ =	strace $0x80000057  }
0xb3: {  	_ =	swait.ge [sflag:s29], $0x1  }
0xb4: {  	[sflag:s29] =	ssyncadd.s32 $0xFFFFFFFF  }
0xb5: {  	_ =	strace $0x90000057  }
0xb6: {  	_ =	sfence  }
0xb7: {  	s30 =	sld [smem:$0x0];
	_ =	sdelay $0x2  }
0xb8: {  	s31 =	sshll.u32 s1, $0xD;
	s1 =	sshrl.u32 s1, $0x2  }
0xb9: {  	s3 =	sand.u32 $0x4000, s31;
	s1 =	sadd.s32 s1, s30  }
0xba: {  	s0 =	sor.u32 s3, s0;
	s1 =	sshll.u32 s1, $0x11  }
0xbb: {  	s0 =	sor.u32 s1, s0  }
0xbc: {  	s0 =	sadd.s32 $0x8F2B, s0  }
0xbd: {  	[sflag:s0] =	ssyncadd.remote.s32 $0x1  }
0xbe: {  	_ =	sfence.sel $0xFFFF  }
0xbf: {  	[dreg:$0x0] =	wrdreg $0xFFFFFFFF;
	(pc) =	sbr.abs _section_cstart, $3  }
0xc0: {  	[dreg:$0x1] =	wrdreg $0xFFFFFFFF  }
0xc1: {  	_ =	task.clear_ibuf [dreg:s6], $0x2FFFF;
	_ =	strace $0x9FFFFFFF  }
0xc2: {  	(tm) =	ssettm $0x7FFFFFFF  }
0xc3: {  	_ =	shalt  }
tec
execute0_lowered:
.L_overlay_start_1:
0x0: {  	(tag) =	ssettag $0x1  }
0x1: {  	s1 =	srdreg.scid;
	s5 =	rddreg [dreg:$0x0]  }
0x2: {  	s0 =	stileid.u32;
	s2 =	rddreg [dreg:$0x1];
	s3 =	simm.s32 $0x0  }
0x3: {  	s15 =	simm.s32 $0x2;
	s16 =	simm.s32 $0x80;
	s17 =	simm.s32 $0x50  }
0x4: {  	s18 =	simm.s32 $0x100;
	s19 =	simm.s32 $0x1;
	s4 =	smul.u32 $0x4E20, s0  }
0x5: {  	s6 =	sand.u32 $0x1, s1;
	s1 =	rddreg [dreg:$0x2];
	s8 =	smul.u32 $0x4E000, s0  }
0x6: {  	s20 =	simm.s32 $0x0;
	[smem:$0x7FF] =	sst s3;
	s31 =	smul.u32 $0x13800, s0  }
0x7: {  	s10 =	sadd.s32 $0x61C00, s5;
	p0 =	sne.s32 s0, $0xF;
	s7 =	smul.u32 $0x2710, s6  }
0x8: {  	_ =	strace $0x80000056;
	s9 =	smul.u32 $0x138800, s6;
	s6 =	ssub.s32 $0x2, s6  }
0x9: {  	s30 =	sshrl.u32 s8, $0x2;
	s11 =	sshrl.u32 s6, $0x1;
	s4 =	sadd.s32 s7, s4  }
0xa: {  	s11 =	ssub.s32 s6, s11;
	s8 =	sadd.s32 s31, s9;
	s14 =	sshrl.u32 s9, $0x3  }
0xb: {  	s7 =	sshrl.u32 s4, $0x3;
	s4 =	sadd.s32 $0x9400, s5;
	s12 =	sshrl.u32 s8, $0x3  }
0xc: {  	s8 =	sadd.s32 $0x138000, s2;
	s11 =	smax.u32 s11, $0x1;
	s13 =	sadd.s32 s7, s5  }
0xd: {  	s5 =	sadd.s32 s30, s2;
	s9 =	sadd.s32 s10, s12;
	s10 =	sadd.s32 s10, s14  }
0xe: {  	s14 =	simm.s32 $0x2900;
	s6 =	sadd.s32 $0x6800, s5;
	s7 =	sadd.s32 $0xD000, s5  }
0xf: {  	v0 =	vimm.f32 $0.0e+00;
	s10 =	sadd.s32 $0x27000, s10;
	s12 =	sadd.s32 $0x4E000, s13;
	s13 =	sadd.s32 $0x57E00, s13  }
.LBB2_1:
0x10: {  	s21 =	sand.u32 $0x1FE00, s3  }
0x11: {  	s22 =	sand.u32 $0x70, s3;
	s23 =	sshrl.u32 s21, $0x2  }
0x12: {  	s21 =	simm.s32 $0x40;
	s23 =	sor.u32 s22, s23;
	s22 =	simm.s32 $0x0  }
.LBB2_2:
0x13: {  	p1 =	sne.s32 s21, $0x19FC0  }
0x14: {  	[tilespmem:s23+$0x2900] =	vst v0;
	s22 =	sadd.s32 $0x10, s22;
	s23 =	smov.u32 s21;
	s21 =	sadd.s32 $0x40, s21  }
.Ltmp0:
0x15: {  	(pc) =	sbr.rel @p1 .LBB2_2-.Ltmp0, $4  }
0x16: {  	_ = 	snop  }
0x17: {  	s23 =	sand.u32 $0x1FE00, s23  }
0x18: {  	s24 =	sand.u32 $0x70, s22;
	s23 =	sshrl.u32 s23, $0x2  }
0x19: {  	s23 =	sor.u32 s24, s23  }
0x1a: {  	[tilespmem:s23+$0x2900] =	vst v0  }
0x1b: {  	[spmem:s5] =	stream.linear.scatter [tilespmem:s14], [sflag:$0x2], $0x6800, $0x38;
	[tilespmem:$0x1C980] =	vst v63  }
0x1c: {  	_ =	swait.ge [sflag:s15], $0x6800  }
0x1d: {  	[sflag:s15] =	ssyncset.done $0x0  }
0x1e: {  	[sflag:s15] =	ssyncadd.s32 $0xFFFF9800  }
0x1f: {  	[spmem:s6] =	stream.linear.scatter [tilespmem:s14], [sflag:$0x2], $0x6800, $0x38;
	[tilespmem:$0x1C980] =	vst v63  }
0x20: {  	_ =	swait.ge [sflag:s15], $0x6800  }
0x21: {  	[sflag:s15] =	ssyncset.done $0x0  }
0x22: {  	[sflag:s15] =	ssyncadd.s32 $0xFFFF9800  }
0x23: {  	[spmem:s7] =	stream.linear.scatter [tilespmem:s14], [sflag:$0x2], $0x6800, $0x38;
	[tilespmem:$0x1C980] =	vst v63  }
0x24: {  	_ =	swait.ge [sflag:s15], $0x6800  }
0x25: {  	[sflag:s15] =	ssyncset.done $0x0  }
0x26: {  	s21 =	simm.s32 @!p0 $0x2900;
	[sflag:s15] =	ssyncadd.s32 $0xFFFF9800  }
0x27: {  	[spmem:s8] =	stream.linear.scatter @!p0 [tilespmem:s21], [sflag:$0x2], $0x800, $0x38;
	[tilespmem:$0x1C980] =	vst v63  }
0x28: {  	s21 =	simm.s32 @!p0 $0x2  }
0x29: {  	_ =	swait.ge @!p0 [sflag:s21], $0x800  }
0x2a: {  	[sflag:s21] =	ssyncset.done @!p0 $0x0  }
0x2b: {  	[sflag:s21] =	ssyncadd.s32 @!p0 $0xFFFFF800  }
0x2c: {  	s30 =	sadd.s32 $0x0, s13;
	[bflag:$0x0] =	sbarrier.arrive $0xFFFF  }
0x2d: {  	[tilespmem:s3], [sflag:$0x2] =	stream.linear.gather [hbm4b:s30+s3], $0x50, $0x38;
	[tilespmem:$0x1C980] =	vst v63  }
0x2e: {  	_ =	swait.ge [sflag:s15], $0x50  }
0x2f: {  	[sflag:s15] =	ssyncset.done $0x0  }
0x30: {  	s31 =	sadd.s32 $0x0, s12;
	[sflag:s15] =	ssyncadd.s32 $0xFFFFFFB0  }
0x31: {  	[tilespmem:s16], [sflag:$0x2] =	stream.linear.gather [hbm4b:s31+s3], $0x50, $0x38;
	[tilespmem:$0x1C980] =	vst v63  }
0x32: {  	_ =	swait.ge [sflag:s15], $0x50  }
0x33: {  	[sflag:s15] =	ssyncset.done $0x0  }
0x34: {  	[sflag:s15] =	ssyncadd.s32 $0xFFFFFFB0  }
0x35: {  	[tilespmem:s18], [sflag:$0x1] =	stream.indirect.gather [hbm4b:s4+s17], $0x80, s3, s17, $0xb8;
	[tilespmem:$0x1C980] =	vst v63  }
0x36: {  	_ =	swait.ge [sflag:s19], $0x2800  }
0x37: {  	[sflag:s19] =	ssyncset.done $0x0  }
0x38: {  	[sflag:s19] =	ssyncadd.s32 $0xFFFFD800  }
0x39: {  	[spmem:s2] =	stream.indirect.scatter.add.f32 [tilespmem:s18], [sflag:$0x2], $0x80, s16, s17, $0xb8;
	[tilespmem:$0x1C980] =	vst v63  }
0x3a: {  	_ =	swait.ge [sflag:s15], $0x2800  }
0x3b: {  	s22 =	simm.s32 $0x14;
	s21 =	simm.s32 $0xA;
	[sflag:s15] =	ssyncset.done $0x0  }
.LBB2_4:
0x3c: {  	s23 =	sadd.s32 s21, s13  }
0x3d: {  	[sflag:s15] =	ssyncadd.s32 $0xFFFFD800;
	s24 =	smov.u32 s22;
	s25 =	sadd.s32 $0xA, s22  }
0x3e: {  	[tilespmem:s3], [sflag:$0x2] =	stream.linear.gather [hbm4b:s23+s3], $0x50, $0x38;
	[tilespmem:$0x1C980] =	vst v63  }
0x3f: {  	p1 =	sne.s32 s22, $0x4D8;
	_ =	swait.ge [sflag:s15], $0x50  }
0x40: {  	[sflag:s15] =	ssyncset.done $0x0  }
0x41: {  	s22 =	sadd.s32 s21, s12;
	s21 =	smov.u32 s24;
	[sflag:s15] =	ssyncadd.s32 $0xFFFFFFB0  }
0x42: {  	[tilespmem:s16], [sflag:$0x2] =	stream.linear.gather [hbm4b:s22+s3], $0x50, $0x38;
	[tilespmem:$0x1C980] =	vst v63  }
0x43: {  	_ =	swait.ge [sflag:s15], $0x50  }
0x44: {  	[sflag:s15] =	ssyncset.done $0x0  }
0x45: {  	[sflag:s15] =	ssyncadd.s32 $0xFFFFFFB0  }
0x46: {  	[tilespmem:s18], [sflag:$0x1] =	stream.indirect.gather [hbm4b:s4+s17], $0x80, s3, s17, $0xb8;
	[tilespmem:$0x1C980] =	vst v63  }
0x47: {  	_ =	swait.ge [sflag:s19], $0x2800  }
.Ltmp1:
0x48: {  	[sflag:s19] =	ssyncset.done $0x0;
	(pc) =	sbr.rel @p1 .LBB2_4-.Ltmp1, $4  }
0x49: {  	[sflag:s19] =	ssyncadd.s32 $0xFFFFD800  }
0x4a: {  	[spmem:s2] =	stream.indirect.scatter.add.f32 [tilespmem:s18], [sflag:$0x2], $0x80, s16, s17, $0xb8;
	[tilespmem:$0x1C980] =	vst v63  }
0x4b: {  	_ =	swait.ge [sflag:s15], $0x2800  }
0x4c: {  	s22 =	smov.u32 s25;
	[sflag:s15] =	ssyncset.done $0x0  }
0x4d: {  	s22 =	sadd.s32 s21, s13;
	[sflag:s15] =	ssyncadd.s32 $0xFFFFD800  }
0x4e: {  	[tilespmem:s3], [sflag:$0x2] =	stream.linear.gather [hbm4b:s22+s3], $0x50, $0x38;
	[tilespmem:$0x1C980] =	vst v63  }
0x4f: {  	_ =	swait.ge [sflag:s15], $0x50  }
0x50: {  	[sflag:s15] =	ssyncset.done $0x0  }
0x51: {  	s29 =	sadd.s32 s21, s12;
	[sflag:s15] =	ssyncadd.s32 $0xFFFFFFB0  }
0x52: {  	[tilespmem:s16], [sflag:$0x2] =	stream.linear.gather [hbm4b:s29+s3], $0x50, $0x38;
	[tilespmem:$0x1C980] =	vst v63  }
0x53: {  	_ =	swait.ge [sflag:s15], $0x50  }
0x54: {  	[sflag:s15] =	ssyncset.done $0x0  }
0x55: {  	[sflag:s15] =	ssyncadd.s32 $0xFFFFFFB0  }
0x56: {  	[tilespmem:s18], [sflag:$0x1] =	stream.indirect.gather [hbm4b:s4+s17], $0x80, s3, s17, $0xb8;
	[tilespmem:$0x1C980] =	vst v63  }
0x57: {  	_ =	swait.ge [sflag:s19], $0x2800  }
0x58: {  	[sflag:s19] =	ssyncset.done $0x0  }
0x59: {  	[sflag:s19] =	ssyncadd.s32 $0xFFFFD800  }
0x5a: {  	[spmem:s2] =	stream.indirect.scatter.add.f32 [tilespmem:s18], [sflag:$0x2], $0x80, s16, s17, $0xb8;
	[tilespmem:$0x1C980] =	vst v63  }
0x5b: {  	_ =	swait.ge [sflag:s15], $0x2800  }
0x5c: {  	[sflag:s15] =	ssyncset.done $0x0  }
0x5d: {  	s30 =	sshll.u32 s0, $0x6;
	[sflag:s15] =	ssyncadd.s32 $0xFFFFD800  }
0x5e: {  	s31 =	sshrl.u32 s5, $0x3;
	s21 =	sor.u32 $0x1C02, s30;
	[bflag:$0x0] =	sbarrier.arrive $0xFFFF  }
0x5f: {  	[hbm:s9], [sflag:s21] =	dma.local [spmem:s31], $0x2700  }
0x60: {  	_ =	swait.ge [sflag:s15], $0x2700  }
0x61: {  	s20 =	sadd.s32 $0x1, s20;
	[sflag:s15] =	ssyncset.done $0x0  }
0x62: {  	s22 =	sshrl.u32 @!p0 s8, $0x3;
	p1 =	sne.s32 s20, s11;
	[sflag:s15] =	ssyncadd.s32 $0xFFFFD900  }
0x63: {  	[hbm:s10], [sflag:s21] =	dma.local @!p0 [spmem:s22], $0x100  }
.Ltmp2:
0x64: {  	_ = 	snop;
	(pc) =	sbr.rel @p1 .LBB2_1-.Ltmp2, $4  }
0x65: {  	s21 =	simm.s32 @!p0 $0x2  }
0x66: {  	_ =	swait.ge @!p0 [sflag:s21], $0x100  }
0x67: {  	[sflag:s21] =	ssyncset.done @!p0 $0x0  }
0x68: {  	[sflag:s21] =	ssyncadd.s32 @!p0 $0xFFFFFF00  }
0x69: {  	_ =	sfence.sel $0x180000  }
0x6a: {  	[bflag:$0x0] =	sbarrier.arrive $0xFFFF  }
0x6b: {  	p0 =	sne.s32 s0, $0x0;
	_ =	strace $0x90000056  }
0x6c: {  	s0 =	sadd.s32 @!p0 $0x100000, s1;
	[bflag:$0x2] =	sbarrier.arrive $0xFFFF  }
0x6d: {  	[sflag:s0] =	ssyncadd.tile.s32 @!p0 $0x1;
	_ =	shalt  }
.Lfunc_end2:
_tile_overlayer_lowered:
.L_overlay_start_2:
0x6e: {  	(tag) =	ssettag $0x2  }
0x6f: {  	s0 =	rddreg [dreg:$0x0];
	s2 =	stileid.u32  }
0x70: {  	s1 =	rddreg [dreg:$0x1];
	p0 =	sne.s32 s2, $0x0  }
0x71: {  	s3 =	rddreg [dreg:$0x2];
	[bflag:$0x3] =	sbarrier.arrive $0xFFFF;
	s2 =	simm.s32 @!p0 $0x1C02  }
0x72: {  	[timem:s3], [sflag:s2] =	dma.local @!p0 [hbm:s0], s1  }
0x73: {  	s0 =	simm.s32 @!p0 $0x2  }
0x74: {  	_ =	swait.ge @!p0 [sflag:s0], s1  }
0x75: {  	s1 =	ssub.s32 @!p0 $0x0, s1;
	[sflag:s0] =	ssyncset.done @!p0 $0x0  }
0x76: {  	[sflag:s0] =	ssyncadd.s32 @!p0 s1  }
0x77: {  	[bflag:$0x3] =	sbarrier.arrive $0xFFFF  }
0x78: {  	_ =	shalt  }

// kernel: kernel.26.cloned.1.call-start
scs
__scs_entry_jumppad:
0x0: {  	(pc) =	sbr.rel $0x88, $3  }
0x1: {  	(tag) =	ssettag $0x0;
	lr =	simm.s32 $0x1  }
0x2: {  	[smem:$0x3F7A] =	sst lr;
	_ =	strace $0xD0000000  }
0x3: {  	_ = 	snop  }
0x4: {  	_ = 	snop  }
0x5: {  	_ = 	snop  }
0x6: {  	_ = 	snop  }
0x7: {  	_ = 	snop  }
__scs_overlays_trampoline_lowered:
0x8: {  	[smem:$0x3F89] =	sst s0  }
0x9: {  	[smem:$0x3F8A] =	sst s1  }
0xa: {  	[smem:$0x3F8B] =	sst s2  }
0xb: {  	[smem:$0x3F8C] =	sst s3  }
0xc: {  	[smem:$0x3F8D] =	sst s4  }
0xd: {  	[smem:$0x3F8E] =	sst s5  }
0xe: {  	[smem:$0x3F8F] =	sst s6  }
0xf: {  	[smem:$0x3F90] =	sst s7  }
0x10: {  	[smem:$0x3F91] =	sst s8  }
0x11: {  	[smem:$0x3F92] =	sst s9;
	s0 =	simm.s32 @!p0 $0x0  }
0x12: {  	s1 =	sld [smem:$0x3F78];
	s0 =	simm.s32 @p0 $0x1  }
0x13: {  	[smem:$0x3F93] =	sst s0;
	s0 =	simm.s32 @!p1 $0x0  }
0x14: {  	s2 =	sld [smem:$0x3F77];
	s0 =	simm.s32 @p1 $0x1  }
0x15: {  	[smem:$0x3F94] =	sst s0;
	s0 =	simm.s32 @!p2 $0x0  }
0x16: {  	s3 =	sld [smem:$0x3FDB];
	s0 =	simm.s32 @p2 $0x1  }
0x17: {  	s4 =	simm.s32 $0x1BF5;
	[smem:$0x3F96] =	sst s0  }
0x18: {  	s0 =	sld [smem:$0x3F79];
	_ =	swait.ge [sflag:s4], $0x0  }
0x19: {  	s7 =	sld [smem:$0x3F7A]  }
0x1a: {  	s8 =	sadd.s32 $0xFFFFE003, lr  }
0x1b: {  	s9 =	sadd.s32 $0xFFFFFEF7, lr;
	s5 =	simm.s32 $0xFFFFFFFF;
	p2 =	slt.u32 s8, $0xFFFFF086  }
0x1c: {  	p1 =	slt.u32 s9, $0xF7A;
	s5 =	simm.s32 @!p2 $0x0  }
0x1d: {  	s5 =	simm.s32 @p1 $0x1;
	p0 =	seq.s32 s7, s2  }
0x1e: {  	s7 =	smul.u32 @!p0 $0xF7A, s2;
	p2 =	seq.s32 @!p0 s5, $0x0  }
0x1f: {  	s9 =	smul.u32 $0xF7A, s1;
	s8 =	simm.s32 @!p0 $0x1BF5;
	p2 =	por !p2, p0  }
0x20: {  	[sflag:s8] =	ssyncset.s32 @!p0 $0xFFFFF086;
	s6 =	sadd.s32 @!p0 s3, s7;
	s7 =	simm.s32 @!p0 $0x108  }
0x21: {  	s3 =	sadd.s32 s3, s9;
	s6 =	sadd.s32 @!p0 $0x88, s6;
	s7 =	simm.s32 @p2 $0x1082  }
0x22: {  	[simem:s7], [sflag:s8] =	dma.local @!p0 [hbm:s6], $0xF7A  }
0x23: {  	s9 =	sor.u32 $0xD0000000, s2;
	s6 =	simm.s32 $0x108;
	_ =	swait.ge @!p0 [sflag:s8], $0x0  }
0x24: {  	s3 =	sadd.s32 $0x88, s3;
	s6 =	simm.s32 @!p1 $0x1082;
	[sflag:s4] =	ssyncset.s32 $0xFFFFF086  }
0x25: {  	[simem:s6], [sflag:s4] =	dma.local [hbm:s3], $0xF7A  }
0x26: {  	[smem:$0x3F7A] =	sst s1;
	(tag) =	ssettag s2;
	_ =	strace s9  }
0x27: {  	s1 =	sld [smem:$0x3F8A]  }
0x28: {  	s2 =	sld [smem:$0x3F8B]  }
0x29: {  	s4 =	sld [smem:$0x3F8D]  }
0x2a: {  	p0 =	seq.s32 s5, $0x0;
	s5 =	sld [smem:$0x3F8E]  }
0x2b: {  	s6 =	sld [smem:$0x3F8F]  }
0x2c: {  	s7 =	sld [smem:$0x3F90]  }
0x2d: {  	s3 =	simm.s32 $0x108;
	s8 =	sld [smem:$0x3F91]  }
0x2e: {  	s3 =	simm.s32 @!p0 $0x1082;
	s9 =	sld [smem:$0x3F92]  }
0x2f: {  	lr =	sadd.s32 s0, s3;
	s0 =	sld [smem:$0x3F89]  }
0x30: {  	s3 =	sld [smem:$0x3F8C]  }
0x31: {  	[smem:$0x3F95] =	sst s10  }
0x32: {  	s10 =	sld [smem:$0x3F93];
	_ =	sdelay $0x3  }
0x33: {  	p0 =	seq.s32 s10, $0x1;
	s10 =	sld [smem:$0x3F95];
	_ =	sdelay $0x3  }
0x34: {  	[smem:$0x3F95] =	sst s10  }
0x35: {  	s10 =	sld [smem:$0x3F94];
	_ =	sdelay $0x3  }
0x36: {  	p1 =	seq.s32 s10, $0x1;
	s10 =	sld [smem:$0x3F95];
	_ =	sdelay $0x3  }
0x37: {  	[smem:$0x3F95] =	sst s10  }
0x38: {  	s10 =	sld [smem:$0x3F96]  }
0x39: {  	_ = 	snop;
	(pc) =	sbr.ind lr, $3  }
0x3a: {  	_ = 	snop  }
0x3b: {  	_ = 	snop  }
0x3c: {  	p2 =	seq.s32 s10, $0x1;
	s10 =	sld [smem:$0x3F95]  }
0x3d: {  	_ =	shalt  }
0x3e: {  	_ =	shalt  }
0x3f: {  	_ =	shalt  }
0x40: {  	_ =	shalt  }
0x41: {  	_ =	shalt  }
0x42: {  	_ =	shalt  }
0x43: {  	_ =	shalt  }
0x44: {  	_ =	shalt  }
0x45: {  	_ =	shalt  }
0x46: {  	_ =	shalt  }
0x47: {  	_ =	shalt  }
0x48: {  	_ =	shalt  }
0x49: {  	_ =	shalt  }
0x4a: {  	_ =	shalt  }
0x4b: {  	_ =	shalt  }
0x4c: {  	_ =	shalt  }
0x4d: {  	_ =	shalt  }
0x4e: {  	_ =	shalt  }
0x4f: {  	_ =	shalt  }
0x50: {  	_ =	shalt  }
0x51: {  	_ =	shalt  }
0x52: {  	_ =	shalt  }
0x53: {  	_ =	shalt  }
0x54: {  	_ =	shalt  }
0x55: {  	_ =	shalt  }
0x56: {  	_ =	shalt  }
0x57: {  	_ =	shalt  }
0x58: {  	_ =	shalt  }
0x59: {  	_ =	shalt  }
0x5a: {  	_ =	shalt  }
0x5b: {  	_ =	shalt  }
0x5c: {  	_ =	shalt  }
0x5d: {  	_ =	shalt  }
0x5e: {  	_ =	shalt  }
0x5f: {  	_ =	shalt  }
0x60: {  	_ =	shalt  }
0x61: {  	_ =	shalt  }
0x62: {  	_ =	shalt  }
0x63: {  	_ =	shalt  }
0x64: {  	_ =	shalt  }
0x65: {  	_ =	shalt  }
0x66: {  	_ =	shalt  }
0x67: {  	_ =	shalt  }
0x68: {  	_ =	shalt  }
0x69: {  	_ =	shalt  }
0x6a: {  	_ =	shalt  }
0x6b: {  	_ =	shalt  }
0x6c: {  	_ =	shalt  }
0x6d: {  	_ =	shalt  }
0x6e: {  	_ =	shalt  }
0x6f: {  	_ =	shalt  }
0x70: {  	_ =	shalt  }
0x71: {  	_ =	shalt  }
0x72: {  	_ =	shalt  }
0x73: {  	_ =	shalt  }
0x74: {  	_ =	shalt  }
0x75: {  	_ =	shalt  }
0x76: {  	_ =	shalt  }
0x77: {  	_ =	shalt  }
0x78: {  	_ =	shalt  }
0x79: {  	_ =	shalt  }
0x7a: {  	_ =	shalt  }
0x7b: {  	_ =	shalt  }
0x7c: {  	_ =	shalt  }
0x7d: {  	_ =	shalt  }
0x7e: {  	_ =	shalt  }
0x7f: {  	_ =	shalt  }
0x80: {  	_ =	shalt  }
0x81: {  	_ =	shalt  }
0x82: {  	_ =	shalt  }
0x83: {  	_ =	shalt  }
0x84: {  	_ =	shalt  }
0x85: {  	_ =	shalt  }
0x86: {  	_ =	shalt  }
0x87: {  	_ =	shalt  }
.Lfunc_end0:
.L_simem_size_0:
called_computation.6_lowered:
.L_overlay_start_0:
0x88: {  	s2 =	sld [smem:$0x3FD9]  }
0x89: {  	s3 =	sld [smem:$0x3FFE];
	_ =	sdelay $0x1  }
0x8a: {  	s1 =	srdreg.scid  }
0x8b: {  	s0 =	sand.u32 $0x1, s1  }
0x8c: {  	s16 =	sshll.u32 s0, $0xA;
	s2 =	sadd.s32 s3, s2  }
0x8d: {  	s2 =	sadd.s32 s2, s16  }
0x8e: {  	[smem:$0x3FA1] =	sst s2  }
0x8f: {  	_ = 	snop  }
0x90: {  	(tm) =	ssettm $0x1  }
0x91: {  	s17 =	sld [smem:$0x3FFB];
	_ =	sdelay $0x3  }
0x92: {  	_ =	strace s17  }
0x93: {  	s2 =	sld [smem:$0x3FFC];
	_ =	sdelay $0x3  }
0x94: {  	_ =	strace s2  }
0x95: {  	s2 =	sld [smem:$0x3FFD];
	_ =	sdelay $0x3  }
0x96: {  	_ =	strace s2  }
0x97: {  	_ =	strace $0x8FFFFFFF  }
0x98: {  	s18 =	sld [smem:$0x3FDB];
	_ =	sdelay $0x1  }
0x99: {  	s19 =	simm.s32 $_scs_section_size  }
0x9a: {  	s4 =	simm.s32 $_size__tile_overlayer_lowered;
	s5 =	simm.s32 $_tile_overlayer_lowered  }
0x9b: {  	s22 =	simm.s32 $0x1BFF;
	s21 =	sshll.u32 s5, $0x1;
	s2 =	sadd.s32 s19, s18  }
0x9c: {  	s6 =	simm.s32 $0x0;
	s20 =	sshll.u32 s4, $0x1;
	s4 =	sadd.s32 s21, s2  }
0x9d: {  	[timem:s6], [sflag:s22] =	dma.local [hbm:s4], s20  }
0x9e: {  	_ =	swait.ge [sflag:s22], s20  }
0x9f: {  	s3 =	ssub.s32 $0x0, s20;
	[sflag:s22] =	ssyncset.done $0x0  }
0xa0: {  	[sflag:s22] =	ssyncadd.s32 s3;
	_ =	sdelay $0x1  }
0xa1: {  	s23 =	simm.s32 $0x1B8B  }
0xa2: {  	_ =	swait.ge [sflag:s23], $0x1  }
0xa3: {  	[sflag:s23] =	ssyncset.done $0x0  }
0xa4: {  	s25 =	simm.s32 $0x1B8E;
	s24 =	sld [smem:$0x3FFE];
	[sflag:s23] =	ssyncadd.s32 $0xFFFFFFFF  }
0xa5: {  	s26 =	simm.s32 $execute0_lowered;
	[smem:$0x3FD2] =	sst s25  }
0xa6: {  	s4 =	sshll.u32 s26, $0x1;
	_ =	strace $0x80000058;
	[dreg:$0x1] =	wrdreg $0xFFFFFFFF  }
0xa7: {  	s28 =	simm.s32 $_size_execute0_lowered;
	s2 =	sadd.s32 s2, s4;
	[dreg:$0x0] =	wrdreg $0x0  }
0xa8: {  	s4 =	sshll.u32 s28, $0x1;
	[dreg:$0x2] =	wrdreg s2  }
0xa9: {  	[dreg:$0x3] =	wrdreg s4  }
0xaa: {  	[dreg:$0x4] =	wrdreg $0xC0  }
0xab: {  	_ =	task [dreg:s6], $0x5FFFF  }
0xac: {  	[dreg:$0x1] =	wrdreg $0xFFFFFFFF  }
0xad: {  	[dreg:$0x0] =	wrdreg $0x60  }
0xae: {  	[dreg:$0x2] =	wrdreg s24  }
0xaf: {  	[dreg:$0x3] =	wrdreg $0x91000  }
0xb0: {  	[dreg:$0x4] =	wrdreg $0x9  }
0xb1: {  	_ =	task.clear_ibuf [dreg:s6], $0x5FFFF;
	_ =	strace $0x90000058  }
0xb2: {  	s29 =	simm.s32 $0x9;
	_ =	strace $0x8000005A  }
0xb3: {  	_ =	swait.ge [sflag:s29], $0x1  }
0xb4: {  	[sflag:s29] =	ssyncadd.s32 $0xFFFFFFFF  }
0xb5: {  	_ =	strace $0x9000005A  }
0xb6: {  	_ =	sfence  }
0xb7: {  	s30 =	sld [smem:$0x0];
	_ =	sdelay $0x2  }
0xb8: {  	s31 =	sshll.u32 s1, $0xD;
	s1 =	sshrl.u32 s1, $0x2  }
0xb9: {  	s3 =	sand.u32 $0x4000, s31;
	s1 =	sadd.s32 s1, s30  }
0xba: {  	s0 =	sor.u32 s3, s0;
	s1 =	sshll.u32 s1, $0x11  }
0xbb: {  	s0 =	sor.u32 s1, s0  }
0xbc: {  	s0 =	sadd.s32 $0x8F2B, s0  }
0xbd: {  	[sflag:s0] =	ssyncadd.remote.s32 $0x1  }
0xbe: {  	_ =	sfence.sel $0xFFFF  }
0xbf: {  	[dreg:$0x0] =	wrdreg $0xFFFFFFFF;
	(pc) =	sbr.abs _section_cstart, $3  }
0xc0: {  	[dreg:$0x1] =	wrdreg $0xFFFFFFFF  }
0xc1: {  	_ =	task.clear_ibuf [dreg:s6], $0x2FFFF;
	_ =	strace $0x9FFFFFFF  }
0xc2: {  	(tm) =	ssettm $0x7FFFFFFF  }
0xc3: {  	_ =	shalt  }
tec
execute0_lowered:
.L_overlay_start_1:
0x0: {  	(tag) =	ssettag $0x1  }
0x1: {  	s1 =	srdreg.scid;
	s5 =	rddreg [dreg:$0x0]  }
0x2: {  	s0 =	stileid.u32;
	s2 =	rddreg [dreg:$0x1];
	s3 =	simm.s32 $0x0  }
0x3: {  	s15 =	simm.s32 $0x2;
	s16 =	simm.s32 $0x80;
	s17 =	simm.s32 $0x50  }
0x4: {  	s18 =	simm.s32 $0x100;
	s19 =	simm.s32 $0x1;
	s4 =	smul.u32 $0x4E20, s0  }
0x5: {  	s6 =	sand.u32 $0x1, s1;
	s1 =	rddreg [dreg:$0x2];
	s8 =	smul.u32 $0x4E000, s0  }
0x6: {  	s20 =	simm.s32 $0x0;
	[smem:$0x7FF] =	sst s3;
	s31 =	smul.u32 $0x13800, s0  }
0x7: {  	s10 =	sadd.s32 $0x61C00, s5;
	p0 =	sne.s32 s0, $0xF;
	s7 =	smul.u32 $0x2710, s6  }
0x8: {  	_ =	strace $0x80000059;
	s9 =	smul.u32 $0x138800, s6;
	s6 =	ssub.s32 $0x2, s6  }
0x9: {  	s30 =	sshrl.u32 s8, $0x2;
	s11 =	sshrl.u32 s6, $0x1;
	s4 =	sadd.s32 s7, s4  }
0xa: {  	s11 =	ssub.s32 s6, s11;
	s8 =	sadd.s32 s31, s9;
	s14 =	sshrl.u32 s9, $0x3  }
0xb: {  	s7 =	sshrl.u32 s4, $0x3;
	s4 =	sadd.s32 $0x9400, s5;
	s12 =	sshrl.u32 s8, $0x3  }
0xc: {  	s8 =	sadd.s32 $0x138000, s2;
	s11 =	smax.u32 s11, $0x1;
	s13 =	sadd.s32 s7, s5  }
0xd: {  	s5 =	sadd.s32 s30, s2;
	s9 =	sadd.s32 s10, s12;
	s10 =	sadd.s32 s10, s14  }
0xe: {  	s14 =	simm.s32 $0x2900;
	s6 =	sadd.s32 $0x6800, s5;
	s7 =	sadd.s32 $0xD000, s5  }
0xf: {  	v0 =	vimm.f32 $0.0e+00;
	s10 =	sadd.s32 $0x27000, s10;
	s12 =	sadd.s32 $0x4E000, s13;
	s13 =	sadd.s32 $0x57E00, s13  }
.LBB2_1:
0x10: {  	s21 =	sand.u32 $0x1FE00, s3  }
0x11: {  	s22 =	sand.u32 $0x70, s3;
	s23 =	sshrl.u32 s21, $0x2  }
0x12: {  	s21 =	simm.s32 $0x40;
	s23 =	sor.u32 s22, s23;
	s22 =	simm.s32 $0x0  }
.LBB2_2:
0x13: {  	p1 =	sne.s32 s21, $0x19FC0  }
0x14: {  	[tilespmem:s23+$0x2900] =	vst v0;
	s22 =	sadd.s32 $0x10, s22;
	s23 =	smov.u32 s21;
	s21 =	sadd.s32 $0x40, s21  }
.Ltmp0:
0x15: {  	(pc) =	sbr.rel @p1 .LBB2_2-.Ltmp0, $4  }
0x16: {  	_ = 	snop  }
0x17: {  	s23 =	sand.u32 $0x1FE00, s23  }
0x18: {  	s24 =	sand.u32 $0x70, s22;
	s23 =	sshrl.u32 s23, $0x2  }
0x19: {  	s23 =	sor.u32 s24, s23  }
0x1a: {  	[tilespmem:s23+$0x2900] =	vst v0  }
0x1b: {  	[spmem:s5] =	stream.linear.scatter [tilespmem:s14], [sflag:$0x2], $0x6800, $0x38;
	[tilespmem:$0x1C980] =	vst v63  }
0x1c: {  	_ =	swait.ge [sflag:s15], $0x6800  }
0x1d: {  	[sflag:s15] =	ssyncset.done $0x0  }
0x1e: {  	[sflag:s15] =	ssyncadd.s32 $0xFFFF9800  }
0x1f: {  	[spmem:s6] =	stream.linear.scatter [tilespmem:s14], [sflag:$0x2], $0x6800, $0x38;
	[tilespmem:$0x1C980] =	vst v63  }
0x20: {  	_ =	swait.ge [sflag:s15], $0x6800  }
0x21: {  	[sflag:s15] =	ssyncset.done $0x0  }
0x22: {  	[sflag:s15] =	ssyncadd.s32 $0xFFFF9800  }
0x23: {  	[spmem:s7] =	stream.linear.scatter [tilespmem:s14], [sflag:$0x2], $0x6800, $0x38;
	[tilespmem:$0x1C980] =	vst v63  }
0x24: {  	_ =	swait.ge [sflag:s15], $0x6800  }
0x25: {  	[sflag:s15] =	ssyncset.done $0x0  }
0x26: {  	s21 =	simm.s32 @!p0 $0x2900;
	[sflag:s15] =	ssyncadd.s32 $0xFFFF9800  }
0x27: {  	[spmem:s8] =	stream.linear.scatter @!p0 [tilespmem:s21], [sflag:$0x2], $0x800, $0x38;
	[tilespmem:$0x1C980] =	vst v63  }
0x28: {  	s21 =	simm.s32 @!p0 $0x2  }
0x29: {  	_ =	swait.ge @!p0 [sflag:s21], $0x800  }
0x2a: {  	[sflag:s21] =	ssyncset.done @!p0 $0x0  }
0x2b: {  	[sflag:s21] =	ssyncadd.s32 @!p0 $0xFFFFF800  }
0x2c: {  	s30 =	sadd.s32 $0x0, s13;
	[bflag:$0x0] =	sbarrier.arrive $0xFFFF  }
0x2d: {  	[tilespmem:s3], [sflag:$0x2] =	stream.linear.gather [hbm4b:s30+s3], $0x50, $0x38;
	[tilespmem:$0x1C980] =	vst v63  }
0x2e: {  	_ =	swait.ge [sflag:s15], $0x50  }
0x2f: {  	[sflag:s15] =	ssyncset.done $0x0  }
0x30: {  	s31 =	sadd.s32 $0x0, s12;
	[sflag:s15] =	ssyncadd.s32 $0xFFFFFFB0  }
0x31: {  	[tilespmem:s16], [sflag:$0x2] =	stream.linear.gather [hbm4b:s31+s3], $0x50, $0x38;
	[tilespmem:$0x1C980] =	vst v63  }
0x32: {  	_ =	swait.ge [sflag:s15], $0x50  }
0x33: {  	[sflag:s15] =	ssyncset.done $0x0  }
0x34: {  	[sflag:s15] =	ssyncadd.s32 $0xFFFFFFB0  }
0x35: {  	[tilespmem:s18], [sflag:$0x1] =	stream.indirect.gather [hbm4b:s4+s17], $0x80, s3, s17, $0xb8;
	[tilespmem:$0x1C980] =	vst v63  }
0x36: {  	_ =	swait.ge [sflag:s19], $0x2800  }
0x37: {  	[sflag:s19] =	ssyncset.done $0x0  }
0x38: {  	[sflag:s19] =	ssyncadd.s32 $0xFFFFD800  }
0x39: {  	[spmem:s2] =	stream.indirect.scatter.add.f32 [tilespmem:s18], [sflag:$0x2], $0x80, s16, s17, $0xb8;
	[tilespmem:$0x1C980] =	vst v63  }
0x3a: {  	_ =	swait.ge [sflag:s15], $0x2800  }
0x3b: {  	s22 =	simm.s32 $0x14;
	s21 =	simm.s32 $0xA;
	[sflag:s15] =	ssyncset.done $0x0  }
.LBB2_4:
0x3c: {  	s23 =	sadd.s32 s21, s13  }
0x3d: {  	[sflag:s15] =	ssyncadd.s32 $0xFFFFD800;
	s24 =	smov.u32 s22;
	s25 =	sadd.s32 $0xA, s22  }
0x3e: {  	[tilespmem:s3], [sflag:$0x2] =	stream.linear.gather [hbm4b:s23+s3], $0x50, $0x38;
	[tilespmem:$0x1C980] =	vst v63  }
0x3f: {  	p1 =	sne.s32 s22, $0x4D8;
	_ =	swait.ge [sflag:s15], $0x50  }
0x40: {  	[sflag:s15] =	ssyncset.done $0x0  }
0x41: {  	s22 =	sadd.s32 s21, s12;
	s21 =	smov.u32 s24;
	[sflag:s15] =	ssyncadd.s32 $0xFFFFFFB0  }
0x42: {  	[tilespmem:s16], [sflag:$0x2] =	stream.linear.gather [hbm4b:s22+s3], $0x50, $0x38;
	[tilespmem:$0x1C980] =	vst v63  }
0x43: {  	_ =	swait.ge [sflag:s15], $0x50  }
0x44: {  	[sflag:s15] =	ssyncset.done $0x0  }
0x45: {  	[sflag:s15] =	ssyncadd.s32 $0xFFFFFFB0  }
0x46: {  	[tilespmem:s18], [sflag:$0x1] =	stream.indirect.gather [hbm4b:s4+s17], $0x80, s3, s17, $0xb8;
	[tilespmem:$0x1C980] =	vst v63  }
0x47: {  	_ =	swait.ge [sflag:s19], $0x2800  }
.Ltmp1:
0x48: {  	[sflag:s19] =	ssyncset.done $0x0;
	(pc) =	sbr.rel @p1 .LBB2_4-.Ltmp1, $4  }
0x49: {  	[sflag:s19] =	ssyncadd.s32 $0xFFFFD800  }
0x4a: {  	[spmem:s2] =	stream.indirect.scatter.add.f32 [tilespmem:s18], [sflag:$0x2], $0x80, s16, s17, $0xb8;
	[tilespmem:$0x1C980] =	vst v63  }
0x4b: {  	_ =	swait.ge [sflag:s15], $0x2800  }
0x4c: {  	s22 =	smov.u32 s25;
	[sflag:s15] =	ssyncset.done $0x0  }
0x4d: {  	s22 =	sadd.s32 s21, s13;
	[sflag:s15] =	ssyncadd.s32 $0xFFFFD800  }
0x4e: {  	[tilespmem:s3], [sflag:$0x2] =	stream.linear.gather [hbm4b:s22+s3], $0x50, $0x38;
	[tilespmem:$0x1C980] =	vst v63  }
0x4f: {  	_ =	swait.ge [sflag:s15], $0x50  }
0x50: {  	[sflag:s15] =	ssyncset.done $0x0  }
0x51: {  	s29 =	sadd.s32 s21, s12;
	[sflag:s15] =	ssyncadd.s32 $0xFFFFFFB0  }
0x52: {  	[tilespmem:s16], [sflag:$0x2] =	stream.linear.gather [hbm4b:s29+s3], $0x50, $0x38;
	[tilespmem:$0x1C980] =	vst v63  }
0x53: {  	_ =	swait.ge [sflag:s15], $0x50  }
0x54: {  	[sflag:s15] =	ssyncset.done $0x0  }
0x55: {  	[sflag:s15] =	ssyncadd.s32 $0xFFFFFFB0  }
0x56: {  	[tilespmem:s18], [sflag:$0x1] =	stream.indirect.gather [hbm4b:s4+s17], $0x80, s3, s17, $0xb8;
	[tilespmem:$0x1C980] =	vst v63  }
0x57: {  	_ =	swait.ge [sflag:s19], $0x2800  }
0x58: {  	[sflag:s19] =	ssyncset.done $0x0  }
0x59: {  	[sflag:s19] =	ssyncadd.s32 $0xFFFFD800  }
0x5a: {  	[spmem:s2] =	stream.indirect.scatter.add.f32 [tilespmem:s18], [sflag:$0x2], $0x80, s16, s17, $0xb8;
	[tilespmem:$0x1C980] =	vst v63  }
0x5b: {  	_ =	swait.ge [sflag:s15], $0x2800  }
0x5c: {  	[sflag:s15] =	ssyncset.done $0x0  }
0x5d: {  	s30 =	sshll.u32 s0, $0x6;
	[sflag:s15] =	ssyncadd.s32 $0xFFFFD800  }
0x5e: {  	s31 =	sshrl.u32 s5, $0x3;
	s21 =	sor.u32 $0x1C02, s30;
	[bflag:$0x0] =	sbarrier.arrive $0xFFFF  }
0x5f: {  	[hbm:s9], [sflag:s21] =	dma.local [spmem:s31], $0x2700  }
0x60: {  	_ =	swait.ge [sflag:s15], $0x2700  }
0x61: {  	s20 =	sadd.s32 $0x1, s20;
	[sflag:s15] =	ssyncset.done $0x0  }
0x62: {  	s22 =	sshrl.u32 @!p0 s8, $0x3;
	p1 =	sne.s32 s20, s11;
	[sflag:s15] =	ssyncadd.s32 $0xFFFFD900  }
0x63: {  	[hbm:s10], [sflag:s21] =	dma.local @!p0 [spmem:s22], $0x100  }
.Ltmp2:
0x64: {  	_ = 	snop;
	(pc) =	sbr.rel @p1 .LBB2_1-.Ltmp2, $4  }
0x65: {  	s21 =	simm.s32 @!p0 $0x2  }
0x66: {  	_ =	swait.ge @!p0 [sflag:s21], $0x100  }
0x67: {  	[sflag:s21] =	ssyncset.done @!p0 $0x0  }
0x68: {  	[sflag:s21] =	ssyncadd.s32 @!p0 $0xFFFFFF00  }
0x69: {  	_ =	sfence.sel $0x180000  }
0x6a: {  	[bflag:$0x0] =	sbarrier.arrive $0xFFFF  }
0x6b: {  	p0 =	sne.s32 s0, $0x0;
	_ =	strace $0x90000059  }
0x6c: {  	s0 =	sadd.s32 @!p0 $0x100000, s1;
	[bflag:$0x2] =	sbarrier.arrive $0xFFFF  }
0x6d: {  	[sflag:s0] =	ssyncadd.tile.s32 @!p0 $0x1;
	_ =	shalt  }
.Lfunc_end2:
_tile_overlayer_lowered:
.L_overlay_start_2:
0x6e: {  	(tag) =	ssettag $0x2  }
0x6f: {  	s0 =	rddreg [dreg:$0x0];
	s2 =	stileid.u32  }
0x70: {  	s1 =	rddreg [dreg:$0x1];
	p0 =	sne.s32 s2, $0x0  }
0x71: {  	s3 =	rddreg [dreg:$0x2];
	[bflag:$0x3] =	sbarrier.arrive $0xFFFF;
	s2 =	simm.s32 @!p0 $0x1C02  }
0x72: {  	[timem:s3], [sflag:s2] =	dma.local @!p0 [hbm:s0], s1  }
0x73: {  	s0 =	simm.s32 @!p0 $0x2  }
0x74: {  	_ =	swait.ge @!p0 [sflag:s0], s1  }
0x75: {  	s1 =	ssub.s32 @!p0 $0x0, s1;
	[sflag:s0] =	ssyncset.done @!p0 $0x0  }
0x76: {  	[sflag:s0] =	ssyncadd.s32 @!p0 s1  }
0x77: {  	[bflag:$0x3] =	sbarrier.arrive $0xFFFF  }
0x78: {  	_ =	shalt  }

</sc_bundles>
